<compile_context>
chip_gen: v7x
topology: tpu7x:2x2x1
jax: 0.10.2.dev20260603
libtpu: 0.0.44.dev20260713+nightly
codegen_flags: <defaults>
</compile_context>

<pallas_src>
import functools

import jax
import jax.numpy as jnp
from jax import lax
from jax.experimental import pallas as pl
from jax.experimental.pallas import tpu as pltpu
from jax.experimental.pallas import tpu_sc as plsc

N = 10000
E = 320000
D = 128
DH = D // 2

NC = 2
NS = 16
NW = NC * NS

NPAD = 10240
LDEG = 2 * NPAD
EPW = E // NW
DEG_ROWS = EPW // 16
RED = LDEG // NS

C = 80
EPT = E // NS
CH = EPT // C
NBUF = 6
SPAN = 624

_mesh = plsc.VectorSubcoreMesh(core_axis_name="c", subcore_axis_name="s")


def _deg_body(src16, dst16, degs, vsrc, vdst, ldeg, rbuf, obuf, slots):
    c = lax.axis_index("c")
    s = lax.axis_index("s")
    wid = c * NS + s
    pltpu.sync_copy(src16.at[wid], vsrc)
    pltpu.sync_copy(dst16.at[wid], vdst)

    zeros = jnp.zeros((16,), jnp.float32)
    ones = jnp.ones((16,), jnp.float32)

    def zbody(i, _):
        ldeg[pl.ds(i * 16, 16)] = zeros
        return 0
    lax.fori_loop(0, LDEG // 16, zbody, 0)

    def hbody(j, _):
        plsc.addupdate_scatter(ldeg, [vsrc[j]], ones)
        plsc.addupdate_scatter(ldeg, [vdst[j] + NPAD], ones)
        return 0
    lax.fori_loop(0, DEG_ROWS, hbody, 0)

    pltpu.sync_copy(ldeg, slots.at[pl.ds(s * LDEG, LDEG)])
    plsc.subcore_barrier()
    for t in range(NS):
        pltpu.sync_copy(slots.at[pl.ds(t * LDEG + s * RED, RED)],
                        rbuf.at[pl.ds(t * RED, RED)])

    def rbody(v, _):
        acc = rbuf[pl.ds(v * 16, 16)]
        for t in range(1, NS):
            acc = acc + rbuf[pl.ds(t * RED + v * 16, 16)]
        obuf[pl.ds(v * 16, 16)] = acc
        return 0
    lax.fori_loop(0, RED // 16, rbody, 0)
    pltpu.sync_copy(obuf, degs.at[c, 0, pl.ds(s * RED, RED)])


_deg_kernel = functools.partial(
    pl.kernel,
    out_type=jax.ShapeDtypeStruct((NC, 1, LDEG), jnp.float32),
    mesh=_mesh,
    scratch_types=[
        pltpu.VMEM((DEG_ROWS, 16), jnp.int32),
        pltpu.VMEM((DEG_ROWS, 16), jnp.int32),
        pltpu.VMEM((LDEG,), jnp.float32),
        pltpu.VMEM((NS * RED,), jnp.float32),
        pltpu.VMEM((RED,), jnp.float32),
        pltpu.VMEM_SHARED((NS * LDEG,), jnp.float32),
    ],
    compiler_params=pltpu.CompilerParams(
        needs_layout_passes=False, use_tc_tiling_on_sc=False),
)(_deg_body)


def _edge_body(hp, srcI, dstI, part, visrc, vidst, rows, zbuf, agg,
               gsem, ssem):
    c = lax.axis_index("c")
    s = lax.axis_index("s")
    pltpu.sync_copy(srcI.at[s], visrc)
    pltpu.sync_copy(dstI.at[s], vidst)

    zeros = jnp.zeros((16,), jnp.float32)

    def zvbody(i, _):
        for k in range(DH // 16):
            zbuf[i, pl.ds(k * 16, 16)] = zeros
        return 0
    lax.fori_loop(0, 16, zvbody, 0)

    def zbody(k, _):
        pltpu.sync_copy(zbuf, agg.at[pl.ds(s * SPAN + k * 16, 16)])
        return 0
    lax.fori_loop(0, SPAN // 16, zbody, 0)

    @pl.when(s == NS - 1)
    def _():
        pltpu.sync_copy(zbuf, agg.at[pl.ds(NS * SPAN, 16)])

    plsc.subcore_barrier()

    hsrc = hp.at[c]
    pltpu.async_copy(hsrc.at[visrc.at[0]], rows.at[0], gsem.at[0])
    pltpu.async_copy(hsrc.at[visrc.at[1]], rows.at[1], gsem.at[1])
    pltpu.async_copy(hsrc.at[visrc.at[2]], rows.at[2], gsem.at[2])

    def body(j, _):
        b = lax.rem(j, NBUF)
        bn = lax.rem(j + 3, NBUF)

        @pl.when(j >= 3)
        def _():
            pltpu.make_async_copy(rows.at[bn], agg.at[vidst.at[j - 3]],
                                  ssem.at[bn]).wait()

        @pl.when(j + 3 < CH)
        def _():
            pltpu.async_copy(hsrc.at[visrc.at[j + 3]], rows.at[bn],
                             gsem.at[bn])

        pltpu.make_async_copy(hsrc.at[visrc.at[j]], rows.at[b],
                              gsem.at[b]).wait()
        pltpu.async_copy(rows.at[b], agg.at[vidst.at[j]], ssem.at[b],
                         add=True)
        return 0
    lax.fori_loop(0, CH, body, 0)

    for j in (CH - 3, CH - 2, CH - 1):
        b = j % NBUF
        pltpu.make_async_copy(rows.at[b], agg.at[vidst.at[j]],
                              ssem.at[b]).wait()

    plsc.subcore_barrier()
    pltpu.sync_copy(agg.at[pl.ds(s * SPAN, SPAN)],
                    part.at[c, pl.ds(s * SPAN, SPAN)])

    @pl.when(s == NS - 1)
    def _():
        pltpu.sync_copy(agg.at[pl.ds(NS * SPAN, 16)],
                        part.at[c, pl.ds(NS * SPAN, 16)])


_edge_kernel = functools.partial(
    pl.kernel,
    out_type=jax.ShapeDtypeStruct((NC, N, DH), jnp.float32),
    mesh=_mesh,
    scratch_types=[
        pltpu.VMEM((CH, C), jnp.int32),
        pltpu.VMEM((CH, C), jnp.int32),
        pltpu.VMEM((NBUF, C, DH), jnp.float32),
        pltpu.VMEM((16, DH), jnp.float32),
        pltpu.VMEM_SHARED((N, DH), jnp.float32),
        pltpu.SemaphoreType.DMA((NBUF,)),
        pltpu.SemaphoreType.DMA((NBUF,)),
    ],
    compiler_params=pltpu.CompilerParams(
        needs_layout_passes=False, use_tc_tiling_on_sc=False),
)(_edge_body)


BR = 400
GRID = N // BR


def _mm1_body(x_ref, w_ref, dsrc_ref, o_ref):
    nsrc = lax.rsqrt(jnp.maximum(dsrc_ref[...], 1.0))
    res = jnp.dot(x_ref[...], w_ref[...],
                  preferred_element_type=jnp.float32) * nsrc
    o_ref[0] = res[:, :DH]
    o_ref[1] = res[:, DH:]


def _mid_body(p_ref, ddst_ref, b_ref, w_ref, dsrc_ref, o_ref):
    ndst = lax.rsqrt(jnp.maximum(ddst_ref[...], 1.0))
    nsrc = lax.rsqrt(jnp.maximum(dsrc_ref[...], 1.0))
    agg = jnp.concatenate([p_ref[0], p_ref[1]], axis=-1) * ndst + b_ref[...]
    hmid = jnp.maximum(agg, 0.0)
    res = jnp.dot(hmid, w_ref[...],
                  preferred_element_type=jnp.float32) * nsrc
    o_ref[0] = res[:, :DH]
    o_ref[1] = res[:, DH:]


def _fin_body(p_ref, ddst_ref, b_ref, g_ref, bt_ref, o_ref):
    ndst = lax.rsqrt(jnp.maximum(ddst_ref[...], 1.0))
    agg = jnp.concatenate([p_ref[0], p_ref[1]], axis=-1) * ndst + b_ref[...]
    mu = jnp.mean(agg, axis=-1, keepdims=True)
    dvar = agg - mu
    var = jnp.mean(dvar * dvar, axis=-1, keepdims=True)
    o_ref[...] = dvar * lax.rsqrt(var + 1e-5) * g_ref[...] + bt_ref[...]


_row_spec = pl.BlockSpec((BR, D), lambda i: (i, 0))
_col_spec = pl.BlockSpec((BR, 1), lambda i: (i, 0))
_full_spec = pl.BlockSpec((1, D), lambda i: (0, 0))
_w_spec = pl.BlockSpec((D, D), lambda i: (0, 0))
_p_spec = pl.BlockSpec((NC, BR, DH), lambda i: (0, i, 0))
_out_f32 = jax.ShapeDtypeStruct((N, D), jnp.float32)
_hp_shape = jax.ShapeDtypeStruct((NC, N, DH), jnp.float32)

_mm1 = pl.pallas_call(
    _mm1_body, grid=(GRID,),
    in_specs=[_row_spec, _w_spec, _col_spec],
    out_specs=_p_spec, out_shape=_hp_shape)

_mid = pl.pallas_call(
    _mid_body, grid=(GRID,),
    in_specs=[_p_spec, _col_spec, _full_spec, _w_spec, _col_spec],
    out_specs=_p_spec, out_shape=_hp_shape)

_fin = pl.pallas_call(
    _fin_body, grid=(GRID,),
    in_specs=[_p_spec, _col_spec, _full_spec, _full_spec, _full_spec],
    out_specs=_row_spec, out_shape=_out_f32)


def kernel(x, edge_index, W1, b1, W2, b2, ln_gamma, ln_beta):
    src = edge_index[0]
    dst = edge_index[1]
    src16 = src.reshape(NW, DEG_ROWS, 16)
    dst16 = dst.reshape(NW, DEG_ROWS, 16)
    srcI = src.reshape(NS, CH, C)
    dstI = dst.reshape(NS, CH, C)

    degs = _deg_kernel(src16, dst16)[:, 0]
    dsrc = (degs[0, :N] + degs[1, :N]).reshape(N, 1)
    ddst = (degs[0, NPAD:NPAD + N] + degs[1, NPAD:NPAD + N]).reshape(N, 1)

    b1r = b1.reshape(1, D)
    b2r = b2.reshape(1, D)
    gr = ln_gamma.reshape(1, D)
    btr = ln_beta.reshape(1, D)

    h1 = _mm1(x, W1, dsrc)
    p1 = _edge_kernel(h1, srcI, dstI)
    h2 = _mid(p1, ddst, b1r, W2, dsrc)
    p2 = _edge_kernel(h2, srcI, dstI)
    return _fin(p2, ddst, b2r, gr, btr)

# --- scband reference (transcript-rebuilt; emitter-appended) ---
"""Pipeline reference for scband-dynamic-gc-41497974014274 (READ-ONLY COPY).

The authoritative reference and input builder live on the scoring server;
editing this copy changes nothing except your own understanding.
"""

import jax, jax.numpy as jnp
import numpy as np

N = 10000
E = 320000
D_IN = 128
D_H = 128


def setup_inputs(seed: int = 0) -> dict:
    key = jax.random.key(seed)
    ks = jax.random.split(key, 8)
    x = jax.random.normal(ks[0], (N, D_IN), dtype=jnp.float32)
    edge_index = jax.random.randint(ks[1], (2, E), 0, N, dtype=jnp.int32)
    s = 1.0 / np.sqrt(D_IN)
    W1 = jax.random.uniform(ks[2], (D_IN, D_H), jnp.float32, -s, s)
    b1 = jnp.zeros((D_H,), jnp.float32)
    s2 = 1.0 / np.sqrt(D_H)
    W2 = jax.random.uniform(ks[3], (D_H, D_H), jnp.float32, -s2, s2)
    b2 = jnp.zeros((D_H,), jnp.float32)
    ln_gamma = jnp.ones((D_H,), jnp.float32)
    ln_beta = jnp.zeros((D_H,), jnp.float32)
    return {"x": x, "edge_index": edge_index, "W1": W1, "b1": b1, "W2": W2, "b2": b2, "ln_gamma": ln_gamma, "ln_beta": ln_beta}


def _gcn_layer(x, edge_index, W, b):
    # DGL GraphConv with norm='both': D_out^{-1/2} A D_in^{-1/2} X W + b
    src = edge_index[0]
    dst = edge_index[1]
    n = x.shape[0]
    ones = jnp.ones((edge_index.shape[1],), jnp.float32)
    out_deg = jax.ops.segment_sum(ones, src, num_segments=n)
    in_deg = jax.ops.segment_sum(ones, dst, num_segments=n)
    norm_src = jax.lax.rsqrt(jnp.maximum(out_deg, 1.0))
    norm_dst = jax.lax.rsqrt(jnp.maximum(in_deg, 1.0))
    h = x @ W
    h = h * norm_src[:, None]
    msg = jnp.take(h, src, axis=0)
    agg = jax.ops.segment_sum(msg, dst, num_segments=n)
    agg = agg * norm_dst[:, None]
    return agg + b


def reference(x, edge_index, W1, b1, W2, b2, ln_gamma, ln_beta):
    h = _gcn_layer(x, edge_index, W1, b1)
    h = jax.nn.relu(h)
    # dropout is identity in eval mode
    h = _gcn_layer(h, edge_index, W2, b2)
    # LayerNorm over last dim
    mu = jnp.mean(h, axis=-1, keepdims=True)
    var = jnp.mean((h - mu) ** 2, axis=-1, keepdims=True)
    h = (h - mu) * jax.lax.rsqrt(var + 1e-5)
    h = h * ln_gamma + ln_beta
    return h

if __name__ == "__main__":
    import jax
    _d = setup_inputs()
    print(jax.jit(kernel)(*tuple(_d.values())))

</pallas_src>

<mosaic_0001>
#map = affine_map<(d0, d1) -> (0, 0, 0)>
module attributes {stable_mosaic.version = 14 : i64} {
  func.func @_edge_body(%arg0: i32, %arg1: i32, %arg2: memref<2x10000x64xf32, #tpu.memory_space<hbm>>, %arg3: memref<16x250x80xi32, #tpu.memory_space<hbm>>, %arg4: memref<16x250x80xi32, #tpu.memory_space<hbm>>, %arg5: memref<2x10000x64xf32, #tpu.memory_space<hbm>>, %arg6: memref<250x80xi32, #tpu.memory_space<vmem>>, %arg7: memref<250x80xi32, #tpu.memory_space<vmem>>, %arg8: memref<6x80x64xf32, #tpu.memory_space<vmem>>, %arg9: memref<16x64xf32, #tpu.memory_space<vmem>>, %arg10: memref<10000x64xf32, #tpu.memory_space<vmem_shared>>, %arg11: memref<6x!tpu.dma_semaphore, #tpu.memory_space<semaphore_mem>>, %arg12: memref<6x!tpu.dma_semaphore, #tpu.memory_space<semaphore_mem>>) attributes {dimension_semantics = [#tpu.dimension_semantics<core_parallel>, #tpu.dimension_semantics<subcore_parallel>], iteration_bounds = array<i64: 2, 16>, scalar_prefetch = 0 : i64, scratch_operands = 7 : i64, tpu.core_type = #tpu.core_type<sc_vector_subcore>, window_params = [{transform_indices = #map}, {transform_indices = #map}, {transform_indices = #map}, {transform_indices = #map}]} {
    "tpu.region"() ({
      %run_scoped3A = tpu.sem_alloc : memref<!tpu.dma_semaphore, #tpu.memory_space<semaphore_mem>>
      %dma_start3A_132 = arith.constant 0 : i32
      %dma_start3A_133 = arith.constant 0 : i32
      %dma_start3A_134 = tpu.memref_slice %arg3[%arg1, %dma_start3A_132, %dma_start3A_133] : memref<16x250x80xi32, #tpu.memory_space<hbm>> -> memref<1x250x80xi32, #tpu.memory_space<hbm>>
      %dma_start3A_135 = tpu.memref_squeeze %dma_start3A_134 : memref<1x250x80xi32, #tpu.memory_space<hbm>> -> memref<250x80xi32, #tpu.memory_space<hbm>>
      %dma_start3A_136 = arith.constant 0 : i32
      %dma_start3A_137 = arith.constant 0 : i32
      %dma_start3A_138 = tpu.memref_slice %arg3[%arg1, %dma_start3A_136, %dma_start3A_137] : memref<16x250x80xi32, #tpu.memory_space<hbm>> -> memref<1x250x80xi32, #tpu.memory_space<hbm>>
      %dma_start3A_139 = tpu.memref_squeeze %dma_start3A_138 : memref<1x250x80xi32, #tpu.memory_space<hbm>> -> memref<250x80xi32, #tpu.memory_space<hbm>>
      tpu.enqueue_dma source(%dma_start3A_139 : memref<250x80xi32, #tpu.memory_space<hbm>>) target(%arg6 : memref<250x80xi32, #tpu.memory_space<vmem>>) target_semaphore(%run_scoped3A : memref<!tpu.dma_semaphore, #tpu.memory_space<semaphore_mem>>)
      %dma_wait3A_140 = arith.constant 0 : i32
      %dma_wait3A_141 = arith.constant 0 : i32
      %dma_wait3A_142 = tpu.memref_slice %arg3[%arg1, %dma_wait3A_140, %dma_wait3A_141] : memref<16x250x80xi32, #tpu.memory_space<hbm>> -> memref<1x250x80xi32, #tpu.memory_space<hbm>>
      %dma_wait3A_143 = tpu.memref_squeeze %dma_wait3A_142 : memref<1x250x80xi32, #tpu.memory_space<hbm>> -> memref<250x80xi32, #tpu.memory_space<hbm>>
      %dma_wait3A_144 = arith.constant 0 : i32
      %dma_wait3A_145 = arith.constant 0 : i32
      %dma_wait3A_146 = tpu.memref_slice %arg3[%arg1, %dma_wait3A_144, %dma_wait3A_145] : memref<16x250x80xi32, #tpu.memory_space<hbm>> -> memref<1x250x80xi32, #tpu.memory_space<hbm>>
      %dma_wait3A_147 = tpu.memref_squeeze %dma_wait3A_146 : memref<1x250x80xi32, #tpu.memory_space<hbm>> -> memref<250x80xi32, #tpu.memory_space<hbm>>
      tpu.wait_dma2 semaphore(%run_scoped3A : memref<!tpu.dma_semaphore, #tpu.memory_space<semaphore_mem>>) src(%dma_wait3A_147 : memref<250x80xi32, #tpu.memory_space<hbm>>) dst(%arg6 : memref<250x80xi32, #tpu.memory_space<vmem>>)
      tpu.yield
    }) : () -> ()
    "tpu.region"() ({
      %run_scoped3A = tpu.sem_alloc : memref<!tpu.dma_semaphore, #tpu.memory_space<semaphore_mem>>
      %dma_start3A_132 = arith.constant 0 : i32
      %dma_start3A_133 = arith.constant 0 : i32
      %dma_start3A_134 = tpu.memref_slice %arg4[%arg1, %dma_start3A_132, %dma_start3A_133] : memref<16x250x80xi32, #tpu.memory_space<hbm>> -> memref<1x250x80xi32, #tpu.memory_space<hbm>>
      %dma_start3A_135 = tpu.memref_squeeze %dma_start3A_134 : memref<1x250x80xi32, #tpu.memory_space<hbm>> -> memref<250x80xi32, #tpu.memory_space<hbm>>
      %dma_start3A_136 = arith.constant 0 : i32
      %dma_start3A_137 = arith.constant 0 : i32
      %dma_start3A_138 = tpu.memref_slice %arg4[%arg1, %dma_start3A_136, %dma_start3A_137] : memref<16x250x80xi32, #tpu.memory_space<hbm>> -> memref<1x250x80xi32, #tpu.memory_space<hbm>>
      %dma_start3A_139 = tpu.memref_squeeze %dma_start3A_138 : memref<1x250x80xi32, #tpu.memory_space<hbm>> -> memref<250x80xi32, #tpu.memory_space<hbm>>
      tpu.enqueue_dma source(%dma_start3A_139 : memref<250x80xi32, #tpu.memory_space<hbm>>) target(%arg7 : memref<250x80xi32, #tpu.memory_space<vmem>>) target_semaphore(%run_scoped3A : memref<!tpu.dma_semaphore, #tpu.memory_space<semaphore_mem>>)
      %dma_wait3A_140 = arith.constant 0 : i32
      %dma_wait3A_141 = arith.constant 0 : i32
      %dma_wait3A_142 = tpu.memref_slice %arg4[%arg1, %dma_wait3A_140, %dma_wait3A_141] : memref<16x250x80xi32, #tpu.memory_space<hbm>> -> memref<1x250x80xi32, #tpu.memory_space<hbm>>
      %dma_wait3A_143 = tpu.memref_squeeze %dma_wait3A_142 : memref<1x250x80xi32, #tpu.memory_space<hbm>> -> memref<250x80xi32, #tpu.memory_space<hbm>>
      %dma_wait3A_144 = arith.constant 0 : i32
      %dma_wait3A_145 = arith.constant 0 : i32
      %dma_wait3A_146 = tpu.memref_slice %arg4[%arg1, %dma_wait3A_144, %dma_wait3A_145] : memref<16x250x80xi32, #tpu.memory_space<hbm>> -> memref<1x250x80xi32, #tpu.memory_space<hbm>>
      %dma_wait3A_147 = tpu.memref_squeeze %dma_wait3A_146 : memref<1x250x80xi32, #tpu.memory_space<hbm>> -> memref<250x80xi32, #tpu.memory_space<hbm>>
      tpu.wait_dma2 semaphore(%run_scoped3A : memref<!tpu.dma_semaphore, #tpu.memory_space<semaphore_mem>>) src(%dma_wait3A_147 : memref<250x80xi32, #tpu.memory_space<hbm>>) dst(%arg7 : memref<250x80xi32, #tpu.memory_space<vmem>>)
      tpu.yield
    }) : () -> ()
    %broadcast_in_dim3A = arith.constant 0.000000e+00 : f32
    %broadcast_in_dim3A_0 = vector.broadcast %broadcast_in_dim3A : f32 to vector<16xf32>
    %scan3A = arith.constant 0 : i32
    %scan3A_1 = arith.constant 0 : i32
    %scan3A_2 = arith.constant 16 : i32
    %scan3A_3 = arith.addi %scan3A_1, %scan3A_2 : i32
    %scan3A_4 = arith.constant 1 : i32
    %scan3A_5 = scf.for %scan3A_132 = %scan3A_1 to %scan3A_3 step %scan3A_4 iter_args(%scan3A_133 = %scan3A) -> (i32)  : i32 {
      %swap3A = arith.index_cast %scan3A_132 : i32 to index
      %swap3A_134 = arith.constant 0 : index
      %swap3A_135 = tpu.vector_load %arg9[%swap3A, %swap3A_134] {strides = array<i32>} : memref<16x64xf32, #tpu.memory_space<vmem>>, vector<16xf32>,
      tpu.vector_store %arg9[%swap3A, %swap3A_134], %broadcast_in_dim3A_0 {strides = array<i32>} : memref<16x64xf32, #tpu.memory_space<vmem>>, vector<16xf32>,
      %swap3A_136 = arith.index_cast %scan3A_132 : i32 to index
      %swap3A_137 = arith.constant 16 : index
      %swap3A_138 = tpu.vector_load %arg9[%swap3A_136, %swap3A_137] {strides = array<i32>} : memref<16x64xf32, #tpu.memory_space<vmem>>, vector<16xf32>,
      tpu.vector_store %arg9[%swap3A_136, %swap3A_137], %broadcast_in_dim3A_0 {strides = array<i32>} : memref<16x64xf32, #tpu.memory_space<vmem>>, vector<16xf32>,
      %swap3A_139 = arith.index_cast %scan3A_132 : i32 to index
      %swap3A_140 = arith.constant 32 : index
      %swap3A_141 = tpu.vector_load %arg9[%swap3A_139, %swap3A_140] {strides = array<i32>} : memref<16x64xf32, #tpu.memory_space<vmem>>, vector<16xf32>,
      tpu.vector_store %arg9[%swap3A_139, %swap3A_140], %broadcast_in_dim3A_0 {strides = array<i32>} : memref<16x64xf32, #tpu.memory_space<vmem>>, vector<16xf32>,
      %swap3A_142 = arith.index_cast %scan3A_132 : i32 to index
      %swap3A_143 = arith.constant 48 : index
      %swap3A_144 = tpu.vector_load %arg9[%swap3A_142, %swap3A_143] {strides = array<i32>} : memref<16x64xf32, #tpu.memory_space<vmem>>, vector<16xf32>,
      tpu.vector_store %arg9[%swap3A_142, %swap3A_143], %broadcast_in_dim3A_0 {strides = array<i32>} : memref<16x64xf32, #tpu.memory_space<vmem>>, vector<16xf32>,
      %scan3A_145 = arith.constant 0 : i32
      scf.yield %scan3A_145 : i32
    }
    %scan3A_6 = arith.constant 16 : i32
    %scan3A_7 = arith.constant 0 : i32
    %scan3A_8 = arith.constant 0 : i32
    %scan3A_9 = arith.constant 39 : i32
    %scan3A_10 = arith.addi %scan3A_8, %scan3A_9 : i32
    %scan3A_11 = arith.constant 1 : i32
    %scan3A_12 = scf.for %scan3A_132 = %scan3A_8 to %scan3A_10 step %scan3A_11 iter_args(%scan3A_133 = %scan3A_7) -> (i32)  : i32 {
      %mul3A_134 = arith.constant 624 : i32
      %mul3A_135 = arith.muli %arg1, %mul3A_134 : i32
      %mul3A_136 = arith.constant 16 : i32
      %mul3A_137 = arith.muli %scan3A_132, %mul3A_136 : i32
      %add3A = arith.addi %mul3A_135, %mul3A_137 : i32
      "tpu.region"() ({
        %run_scoped3A = tpu.sem_alloc : memref<!tpu.dma_semaphore, #tpu.memory_space<semaphore_mem>>
        %dma_start3A_139 = arith.constant 0 : i32
        %dma_start3A_140 = tpu.memref_slice %arg10[%add3A, %dma_start3A_139] : memref<10000x64xf32, #tpu.memory_space<vmem_shared>> -> memref<16x64xf32, #tpu.memory_space<vmem_shared>>
        %dma_start3A_141 = arith.constant 0 : i32
        %dma_start3A_142 = tpu.memref_slice %arg10[%add3A, %dma_start3A_141] : memref<10000x64xf32, #tpu.memory_space<vmem_shared>> -> memref<16x64xf32, #tpu.memory_space<vmem_shared>>
        tpu.enqueue_dma source(%arg9 : memref<16x64xf32, #tpu.memory_space<vmem>>) target(%dma_start3A_142 : memref<16x64xf32, #tpu.memory_space<vmem_shared>>) target_semaphore(%run_scoped3A : memref<!tpu.dma_semaphore, #tpu.memory_space<semaphore_mem>>)
        %dma_wait3A_143 = arith.constant 0 : i32
        %dma_wait3A_144 = tpu.memref_slice %arg10[%add3A, %dma_wait3A_143] : memref<10000x64xf32, #tpu.memory_space<vmem_shared>> -> memref<16x64xf32, #tpu.memory_space<vmem_shared>>
        %dma_wait3A_145 = arith.constant 0 : i32
        %dma_wait3A_146 = tpu.memref_slice %arg10[%add3A, %dma_wait3A_145] : memref<10000x64xf32, #tpu.memory_space<vmem_shared>> -> memref<16x64xf32, #tpu.memory_space<vmem_shared>>
        tpu.wait_dma2 semaphore(%run_scoped3A : memref<!tpu.dma_semaphore, #tpu.memory_space<semaphore_mem>>) src(%arg9 : memref<16x64xf32, #tpu.memory_space<vmem>>) dst(%dma_wait3A_146 : memref<16x64xf32, #tpu.memory_space<vmem_shared>>)
        tpu.yield
      }) : () -> ()
      %scan3A_138 = arith.constant 0 : i32
      scf.yield %scan3A_138 : i32
    }
    %scan3A_13 = arith.constant 39 : i32
    %eq3A = arith.constant 15 : i32
    %eq3A_14 = arith.cmpi eq, %arg1, %eq3A : i32
    %convert_element_type3A = arith.extui %eq3A_14 : i1 to i32
    %cond3A = arith.constant 0 : i32
    %cond3A_15 = arith.cmpi ne, %convert_element_type3A, %cond3A : i32
    scf.if %cond3A_15 {
      "tpu.region"() ({
        %run_scoped3A = tpu.sem_alloc : memref<!tpu.dma_semaphore, #tpu.memory_space<semaphore_mem>>
        %dma_start3A_132 = arith.constant 9984 : i32
        %dma_start3A_133 = arith.constant 0 : i32
        %dma_start3A_134 = tpu.memref_slice %arg10[%dma_start3A_132, %dma_start3A_133] : memref<10000x64xf32, #tpu.memory_space<vmem_shared>> -> memref<16x64xf32, #tpu.memory_space<vmem_shared>>
        %dma_start3A_135 = arith.constant 9984 : i32
        %dma_start3A_136 = arith.constant 0 : i32
        %dma_start3A_137 = tpu.memref_slice %arg10[%dma_start3A_135, %dma_start3A_136] : memref<10000x64xf32, #tpu.memory_space<vmem_shared>> -> memref<16x64xf32, #tpu.memory_space<vmem_shared>>
        tpu.enqueue_dma source(%arg9 : memref<16x64xf32, #tpu.memory_space<vmem>>) target(%dma_start3A_137 : memref<16x64xf32, #tpu.memory_space<vmem_shared>>) target_semaphore(%run_scoped3A : memref<!tpu.dma_semaphore, #tpu.memory_space<semaphore_mem>>)
        %dma_wait3A_138 = arith.constant 9984 : i32
        %dma_wait3A_139 = arith.constant 0 : i32
        %dma_wait3A_140 = tpu.memref_slice %arg10[%dma_wait3A_138, %dma_wait3A_139] : memref<10000x64xf32, #tpu.memory_space<vmem_shared>> -> memref<16x64xf32, #tpu.memory_space<vmem_shared>>
        %dma_wait3A_141 = arith.constant 9984 : i32
        %dma_wait3A_142 = arith.constant 0 : i32
        %dma_wait3A_143 = tpu.memref_slice %arg10[%dma_wait3A_141, %dma_wait3A_142] : memref<10000x64xf32, #tpu.memory_space<vmem_shared>> -> memref<16x64xf32, #tpu.memory_space<vmem_shared>>
        tpu.wait_dma2 semaphore(%run_scoped3A : memref<!tpu.dma_semaphore, #tpu.memory_space<semaphore_mem>>) src(%arg9 : memref<16x64xf32, #tpu.memory_space<vmem>>) dst(%dma_wait3A_143 : memref<16x64xf32, #tpu.memory_space<vmem_shared>>)
        tpu.yield
      }) : () -> ()
    } else {
    }
    %barrier3A = arith.constant 0 : index
    tpu.barrier barrier_id(%barrier3A)
    %dma_start3A = arith.constant 0 : i32
    %dma_start3A_16 = arith.constant 0 : i32
    %dma_start3A_17 = arith.constant 0 : i32
    %dma_start3A_18 = arith.constant 0 : i32
    %dma_start3A_19 = arith.constant 0 : i32
    %dma_start3A_20 = tpu.memref_slice %arg8[%dma_start3A_16, %dma_start3A_18, %dma_start3A_19] : memref<6x80x64xf32, #tpu.memory_space<vmem>> -> memref<1x80x64xf32, #tpu.memory_space<vmem>>
    %dma_start3A_21 = tpu.memref_squeeze %dma_start3A_20 : memref<1x80x64xf32, #tpu.memory_space<vmem>> -> memref<80x64xf32, #tpu.memory_space<vmem>>
    %dma_start3A_22 = arith.constant 0 : i32
    %dma_start3A_23 = tpu.memref_slice %arg6[%dma_start3A, %dma_start3A_22] : memref<250x80xi32, #tpu.memory_space<vmem>> -> memref<1x80xi32, #tpu.memory_space<vmem>>
    %dma_start3A_24 = tpu.memref_squeeze %dma_start3A_23 : memref<1x80xi32, #tpu.memory_space<vmem>> -> memref<80xi32, #tpu.memory_space<vmem>>
    %dma_start3A_25 = arith.constant 0 : i32
    %dma_start3A_26 = arith.constant 0 : i32
    %dma_start3A_27 = tpu.memref_slice %arg2[%arg0, %dma_start3A_25, %dma_start3A_26] : memref<2x10000x64xf32, #tpu.memory_space<hbm>> -> memref<1x10000x64xf32, #tpu.memory_space<hbm>>
    %dma_start3A_28 = tpu.memref_squeeze %dma_start3A_27 : memref<1x10000x64xf32, #tpu.memory_space<hbm>> -> memref<10000x64xf32, #tpu.memory_space<hbm>>
    %dma_start3A_29 = arith.constant 0 : i32
    %dma_start3A_30 = arith.constant 0 : i32
    %dma_start3A_31 = tpu.memref_slice %dma_start3A_28[%dma_start3A_29, %dma_start3A_30] : memref<10000x64xf32, #tpu.memory_space<hbm>> -> memref<10000x64xf32, #tpu.memory_space<hbm>>
    %dma_start3A_32 = tpu.memref_slice %arg11[%dma_start3A_17] : memref<6x!tpu.dma_semaphore, #tpu.memory_space<semaphore_mem>> -> memref<1x!tpu.dma_semaphore, #tpu.memory_space<semaphore_mem>>
    %dma_start3A_33 = tpu.memref_squeeze %dma_start3A_32 : memref<1x!tpu.dma_semaphore, #tpu.memory_space<semaphore_mem>> -> memref<!tpu.dma_semaphore, #tpu.memory_space<semaphore_mem>>
    tpu.enqueue_indirect_dma source(%dma_start3A_31 : memref<10000x64xf32, #tpu.memory_space<hbm>>) target(%dma_start3A_21 : memref<80x64xf32, #tpu.memory_space<vmem>>) offsets(%dma_start3A_24 : memref<80xi32, #tpu.memory_space<vmem>>) semaphore(%dma_start3A_33 : memref<!tpu.dma_semaphore, #tpu.memory_space<semaphore_mem>>)
    %dma_start3A_34 = arith.constant 1 : i32
    %dma_start3A_35 = arith.constant 1 : i32
    %dma_start3A_36 = arith.constant 1 : i32
    %dma_start3A_37 = arith.constant 0 : i32
    %dma_start3A_38 = arith.constant 0 : i32
    %dma_start3A_39 = tpu.memref_slice %arg8[%dma_start3A_35, %dma_start3A_37, %dma_start3A_38] : memref<6x80x64xf32, #tpu.memory_space<vmem>> -> memref<1x80x64xf32, #tpu.memory_space<vmem>>
    %dma_start3A_40 = tpu.memref_squeeze %dma_start3A_39 : memref<1x80x64xf32, #tpu.memory_space<vmem>> -> memref<80x64xf32, #tpu.memory_space<vmem>>
    %dma_start3A_41 = arith.constant 0 : i32
    %dma_start3A_42 = tpu.memref_slice %arg6[%dma_start3A_34, %dma_start3A_41] : memref<250x80xi32, #tpu.memory_space<vmem>> -> memref<1x80xi32, #tpu.memory_space<vmem>>
    %dma_start3A_43 = tpu.memref_squeeze %dma_start3A_42 : memref<1x80xi32, #tpu.memory_space<vmem>> -> memref<80xi32, #tpu.memory_space<vmem>>
    %dma_start3A_44 = arith.constant 0 : i32
    %dma_start3A_45 = arith.constant 0 : i32
    %dma_start3A_46 = tpu.memref_slice %arg2[%arg0, %dma_start3A_44, %dma_start3A_45] : memref<2x10000x64xf32, #tpu.memory_space<hbm>> -> memref<1x10000x64xf32, #tpu.memory_space<hbm>>
    %dma_start3A_47 = tpu.memref_squeeze %dma_start3A_46 : memref<1x10000x64xf32, #tpu.memory_space<hbm>> -> memref<10000x64xf32, #tpu.memory_space<hbm>>
    %dma_start3A_48 = arith.constant 0 : i32
    %dma_start3A_49 = arith.constant 0 : i32
    %dma_start3A_50 = tpu.memref_slice %dma_start3A_47[%dma_start3A_48, %dma_start3A_49] : memref<10000x64xf32, #tpu.memory_space<hbm>> -> memref<10000x64xf32, #tpu.memory_space<hbm>>
    %dma_start3A_51 = tpu.memref_slice %arg11[%dma_start3A_36] : memref<6x!tpu.dma_semaphore, #tpu.memory_space<semaphore_mem>> -> memref<1x!tpu.dma_semaphore, #tpu.memory_space<semaphore_mem>>
    %dma_start3A_52 = tpu.memref_squeeze %dma_start3A_51 : memref<1x!tpu.dma_semaphore, #tpu.memory_space<semaphore_mem>> -> memref<!tpu.dma_semaphore, #tpu.memory_space<semaphore_mem>>
    tpu.enqueue_indirect_dma source(%dma_start3A_50 : memref<10000x64xf32, #tpu.memory_space<hbm>>) target(%dma_start3A_40 : memref<80x64xf32, #tpu.memory_space<vmem>>) offsets(%dma_start3A_43 : memref<80xi32, #tpu.memory_space<vmem>>) semaphore(%dma_start3A_52 : memref<!tpu.dma_semaphore, #tpu.memory_space<semaphore_mem>>)
    %dma_start3A_53 = arith.constant 2 : i32
    %dma_start3A_54 = arith.constant 2 : i32
    %dma_start3A_55 = arith.constant 2 : i32
    %dma_start3A_56 = arith.constant 0 : i32
    %dma_start3A_57 = arith.constant 0 : i32
    %dma_start3A_58 = tpu.memref_slice %arg8[%dma_start3A_54, %dma_start3A_56, %dma_start3A_57] : memref<6x80x64xf32, #tpu.memory_space<vmem>> -> memref<1x80x64xf32, #tpu.memory_space<vmem>>
    %dma_start3A_59 = tpu.memref_squeeze %dma_start3A_58 : memref<1x80x64xf32, #tpu.memory_space<vmem>> -> memref<80x64xf32, #tpu.memory_space<vmem>>
    %dma_start3A_60 = arith.constant 0 : i32
    %dma_start3A_61 = tpu.memref_slice %arg6[%dma_start3A_53, %dma_start3A_60] : memref<250x80xi32, #tpu.memory_space<vmem>> -> memref<1x80xi32, #tpu.memory_space<vmem>>
    %dma_start3A_62 = tpu.memref_squeeze %dma_start3A_61 : memref<1x80xi32, #tpu.memory_space<vmem>> -> memref<80xi32, #tpu.memory_space<vmem>>
    %dma_start3A_63 = arith.constant 0 : i32
    %dma_start3A_64 = arith.constant 0 : i32
    %dma_start3A_65 = tpu.memref_slice %arg2[%arg0, %dma_start3A_63, %dma_start3A_64] : memref<2x10000x64xf32, #tpu.memory_space<hbm>> -> memref<1x10000x64xf32, #tpu.memory_space<hbm>>
    %dma_start3A_66 = tpu.memref_squeeze %dma_start3A_65 : memref<1x10000x64xf32, #tpu.memory_space<hbm>> -> memref<10000x64xf32, #tpu.memory_space<hbm>>
    %dma_start3A_67 = arith.constant 0 : i32
    %dma_start3A_68 = arith.constant 0 : i32
    %dma_start3A_69 = tpu.memref_slice %dma_start3A_66[%dma_start3A_67, %dma_start3A_68] : memref<10000x64xf32, #tpu.memory_space<hbm>> -> memref<10000x64xf32, #tpu.memory_space<hbm>>
    %dma_start3A_70 = tpu.memref_slice %arg11[%dma_start3A_55] : memref<6x!tpu.dma_semaphore, #tpu.memory_space<semaphore_mem>> -> memref<1x!tpu.dma_semaphore, #tpu.memory_space<semaphore_mem>>
    %dma_start3A_71 = tpu.memref_squeeze %dma_start3A_70 : memref<1x!tpu.dma_semaphore, #tpu.memory_space<semaphore_mem>> -> memref<!tpu.dma_semaphore, #tpu.memory_space<semaphore_mem>>
    tpu.enqueue_indirect_dma source(%dma_start3A_69 : memref<10000x64xf32, #tpu.memory_space<hbm>>) target(%dma_start3A_59 : memref<80x64xf32, #tpu.memory_space<vmem>>) offsets(%dma_start3A_62 : memref<80xi32, #tpu.memory_space<vmem>>) semaphore(%dma_start3A_71 : memref<!tpu.dma_semaphore, #tpu.memory_space<semaphore_mem>>)
    %scan3A_72 = arith.constant 0 : i32
    %scan3A_73 = arith.constant 0 : i32
    %scan3A_74 = arith.constant 250 : i32
    %scan3A_75 = arith.addi %scan3A_73, %scan3A_74 : i32
    %scan3A_76 = arith.constant 1 : i32
    %scan3A_77 = scf.for %scan3A_132 = %scan3A_73 to %scan3A_75 step %scan3A_76 iter_args(%scan3A_133 = %scan3A_72) -> (i32)  : i32 {
      %rem3A = arith.constant 6 : i32
      %rem3A_134 = arith.remsi %scan3A_132, %rem3A : i32
      %add3A = arith.constant 3 : i32
      %add3A_135 = arith.addi %scan3A_132, %add3A : i32
      %rem3A_136 = arith.constant 6 : i32
      %rem3A_137 = arith.remsi %add3A_135, %rem3A_136 : i32
      %ge3A = arith.constant 3 : i32
      %ge3A_138 = arith.cmpi sge, %scan3A_132, %ge3A : i32
      %convert_element_type3A_139 = arith.extui %ge3A_138 : i1 to i32
      %cond3A_140 = arith.constant 0 : i32
      %cond3A_141 = arith.cmpi ne, %convert_element_type3A_139, %cond3A_140 : i32
      scf.if %cond3A_141 {
        %sub3A = arith.constant 3 : i32
        %sub3A_177 = arith.subi %scan3A_132, %sub3A : i32
        %dma_wait3A_178 = arith.constant 0 : i32
        %dma_wait3A_179 = arith.constant 0 : i32
        %dma_wait3A_180 = tpu.memref_slice %arg8[%rem3A_137, %dma_wait3A_178, %dma_wait3A_179] : memref<6x80x64xf32, #tpu.memory_space<vmem>> -> memref<1x80x64xf32, #tpu.memory_space<vmem>>
        %dma_wait3A_181 = tpu.memref_squeeze %dma_wait3A_180 : memref<1x80x64xf32, #tpu.memory_space<vmem>> -> memref<80x64xf32, #tpu.memory_space<vmem>>
        %dma_wait3A_182 = arith.constant 0 : i32
        %dma_wait3A_183 = tpu.memref_slice %arg7[%sub3A_177, %dma_wait3A_182] : memref<250x80xi32, #tpu.memory_space<vmem>> -> memref<1x80xi32, #tpu.memory_space<vmem>>
        %dma_wait3A_184 = tpu.memref_squeeze %dma_wait3A_183 : memref<1x80xi32, #tpu.memory_space<vmem>> -> memref<80xi32, #tpu.memory_space<vmem>>
        %dma_wait3A_185 = arith.constant 0 : i32
        %dma_wait3A_186 = arith.constant 0 : i32
        %dma_wait3A_187 = tpu.memref_slice %arg10[%dma_wait3A_185, %dma_wait3A_186] : memref<10000x64xf32, #tpu.memory_space<vmem_shared>> -> memref<10000x64xf32, #tpu.memory_space<vmem_shared>>
        %dma_wait3A_188 = tpu.memref_slice %arg12[%rem3A_137] : memref<6x!tpu.dma_semaphore, #tpu.memory_space<semaphore_mem>> -> memref<1x!tpu.dma_semaphore, #tpu.memory_space<semaphore_mem>>
        %dma_wait3A_189 = tpu.memref_squeeze %dma_wait3A_188 : memref<1x!tpu.dma_semaphore, #tpu.memory_space<semaphore_mem>> -> memref<!tpu.dma_semaphore, #tpu.memory_space<semaphore_mem>>
        tpu.wait_indirect_dma semaphore(%dma_wait3A_189 : memref<!tpu.dma_semaphore, #tpu.memory_space<semaphore_mem>>) src(%dma_wait3A_181 : memref<80x64xf32, #tpu.memory_space<vmem>>) dst(%dma_wait3A_187 : memref<10000x64xf32, #tpu.memory_space<vmem_shared>>)
      } else {
      }
      %add3A_142 = arith.constant 3 : i32
      %add3A_143 = arith.addi %scan3A_132, %add3A_142 : i32
      %lt3A = arith.constant 250 : i32
      %lt3A_144 = arith.cmpi slt, %add3A_143, %lt3A : i32
      %convert_element_type3A_145 = arith.extui %lt3A_144 : i1 to i32
      %cond3A_146 = arith.constant 0 : i32
      %cond3A_147 = arith.cmpi ne, %convert_element_type3A_145, %cond3A_146 : i32
      scf.if %cond3A_147 {
        %add3A_177 = arith.constant 3 : i32
        %add3A_178 = arith.addi %scan3A_132, %add3A_177 : i32
        %dma_start3A_179 = arith.constant 0 : i32
        %dma_start3A_180 = arith.constant 0 : i32
        %dma_start3A_181 = tpu.memref_slice %arg8[%rem3A_137, %dma_start3A_179, %dma_start3A_180] : memref<6x80x64xf32, #tpu.memory_space<vmem>> -> memref<1x80x64xf32, #tpu.memory_space<vmem>>
        %dma_start3A_182 = tpu.memref_squeeze %dma_start3A_181 : memref<1x80x64xf32, #tpu.memory_space<vmem>> -> memref<80x64xf32, #tpu.memory_space<vmem>>
        %dma_start3A_183 = arith.constant 0 : i32
        %dma_start3A_184 = tpu.memref_slice %arg6[%add3A_178, %dma_start3A_183] : memref<250x80xi32, #tpu.memory_space<vmem>> -> memref<1x80xi32, #tpu.memory_space<vmem>>
        %dma_start3A_185 = tpu.memref_squeeze %dma_start3A_184 : memref<1x80xi32, #tpu.memory_space<vmem>> -> memref<80xi32, #tpu.memory_space<vmem>>
        %dma_start3A_186 = arith.constant 0 : i32
        %dma_start3A_187 = arith.constant 0 : i32
        %dma_start3A_188 = tpu.memref_slice %arg2[%arg0, %dma_start3A_186, %dma_start3A_187] : memref<2x10000x64xf32, #tpu.memory_space<hbm>> -> memref<1x10000x64xf32, #tpu.memory_space<hbm>>
        %dma_start3A_189 = tpu.memref_squeeze %dma_start3A_188 : memref<1x10000x64xf32, #tpu.memory_space<hbm>> -> memref<10000x64xf32, #tpu.memory_space<hbm>>
        %dma_start3A_190 = arith.constant 0 : i32
        %dma_start3A_191 = arith.constant 0 : i32
        %dma_start3A_192 = tpu.memref_slice %dma_start3A_189[%dma_start3A_190, %dma_start3A_191] : memref<10000x64xf32, #tpu.memory_space<hbm>> -> memref<10000x64xf32, #tpu.memory_space<hbm>>
        %dma_start3A_193 = tpu.memref_slice %arg11[%rem3A_137] : memref<6x!tpu.dma_semaphore, #tpu.memory_space<semaphore_mem>> -> memref<1x!tpu.dma_semaphore, #tpu.memory_space<semaphore_mem>>
        %dma_start3A_194 = tpu.memref_squeeze %dma_start3A_193 : memref<1x!tpu.dma_semaphore, #tpu.memory_space<semaphore_mem>> -> memref<!tpu.dma_semaphore, #tpu.memory_space<semaphore_mem>>
        tpu.enqueue_indirect_dma source(%dma_start3A_192 : memref<10000x64xf32, #tpu.memory_space<hbm>>) target(%dma_start3A_182 : memref<80x64xf32, #tpu.memory_space<vmem>>) offsets(%dma_start3A_185 : memref<80xi32, #tpu.memory_space<vmem>>) semaphore(%dma_start3A_194 : memref<!tpu.dma_semaphore, #tpu.memory_space<semaphore_mem>>)
      } else {
      }
      %dma_wait3A_148 = arith.constant 0 : i32
      %dma_wait3A_149 = arith.constant 0 : i32
      %dma_wait3A_150 = tpu.memref_slice %arg8[%rem3A_134, %dma_wait3A_148, %dma_wait3A_149] : memref<6x80x64xf32, #tpu.memory_space<vmem>> -> memref<1x80x64xf32, #tpu.memory_space<vmem>>
      %dma_wait3A_151 = tpu.memref_squeeze %dma_wait3A_150 : memref<1x80x64xf32, #tpu.memory_space<vmem>> -> memref<80x64xf32, #tpu.memory_space<vmem>>
      %dma_wait3A_152 = arith.constant 0 : i32
      %dma_wait3A_153 = tpu.memref_slice %arg6[%scan3A_132, %dma_wait3A_152] : memref<250x80xi32, #tpu.memory_space<vmem>> -> memref<1x80xi32, #tpu.memory_space<vmem>>
      %dma_wait3A_154 = tpu.memref_squeeze %dma_wait3A_153 : memref<1x80xi32, #tpu.memory_space<vmem>> -> memref<80xi32, #tpu.memory_space<vmem>>
      %dma_wait3A_155 = arith.constant 0 : i32
      %dma_wait3A_156 = arith.constant 0 : i32
      %dma_wait3A_157 = tpu.memref_slice %arg2[%arg0, %dma_wait3A_155, %dma_wait3A_156] : memref<2x10000x64xf32, #tpu.memory_space<hbm>> -> memref<1x10000x64xf32, #tpu.memory_space<hbm>>
      %dma_wait3A_158 = tpu.memref_squeeze %dma_wait3A_157 : memref<1x10000x64xf32, #tpu.memory_space<hbm>> -> memref<10000x64xf32, #tpu.memory_space<hbm>>
      %dma_wait3A_159 = arith.constant 0 : i32
      %dma_wait3A_160 = arith.constant 0 : i32
      %dma_wait3A_161 = tpu.memref_slice %dma_wait3A_158[%dma_wait3A_159, %dma_wait3A_160] : memref<10000x64xf32, #tpu.memory_space<hbm>> -> memref<10000x64xf32, #tpu.memory_space<hbm>>
      %dma_wait3A_162 = tpu.memref_slice %arg11[%rem3A_134] : memref<6x!tpu.dma_semaphore, #tpu.memory_space<semaphore_mem>> -> memref<1x!tpu.dma_semaphore, #tpu.memory_space<semaphore_mem>>
      %dma_wait3A_163 = tpu.memref_squeeze %dma_wait3A_162 : memref<1x!tpu.dma_semaphore, #tpu.memory_space<semaphore_mem>> -> memref<!tpu.dma_semaphore, #tpu.memory_space<semaphore_mem>>
      tpu.wait_indirect_dma semaphore(%dma_wait3A_163 : memref<!tpu.dma_semaphore, #tpu.memory_space<semaphore_mem>>) src(%dma_wait3A_161 : memref<10000x64xf32, #tpu.memory_space<hbm>>) dst(%dma_wait3A_151 : memref<80x64xf32, #tpu.memory_space<vmem>>)
      %dma_start3A_164 = arith.constant 0 : i32
      %dma_start3A_165 = arith.constant 0 : i32
      %dma_start3A_166 = tpu.memref_slice %arg8[%rem3A_134, %dma_start3A_164, %dma_start3A_165] : memref<6x80x64xf32, #tpu.memory_space<vmem>> -> memref<1x80x64xf32, #tpu.memory_space<vmem>>
      %dma_start3A_167 = tpu.memref_squeeze %dma_start3A_166 : memref<1x80x64xf32, #tpu.memory_space<vmem>> -> memref<80x64xf32, #tpu.memory_space<vmem>>
      %dma_start3A_168 = arith.constant 0 : i32
      %dma_start3A_169 = tpu.memref_slice %arg7[%scan3A_132, %dma_start3A_168] : memref<250x80xi32, #tpu.memory_space<vmem>> -> memref<1x80xi32, #tpu.memory_space<vmem>>
      %dma_start3A_170 = tpu.memref_squeeze %dma_start3A_169 : memref<1x80xi32, #tpu.memory_space<vmem>> -> memref<80xi32, #tpu.memory_space<vmem>>
      %dma_start3A_171 = arith.constant 0 : i32
      %dma_start3A_172 = arith.constant 0 : i32
      %dma_start3A_173 = tpu.memref_slice %arg10[%dma_start3A_171, %dma_start3A_172] : memref<10000x64xf32, #tpu.memory_space<vmem_shared>> -> memref<10000x64xf32, #tpu.memory_space<vmem_shared>>
      %dma_start3A_174 = tpu.memref_slice %arg12[%rem3A_134] : memref<6x!tpu.dma_semaphore, #tpu.memory_space<semaphore_mem>> -> memref<1x!tpu.dma_semaphore, #tpu.memory_space<semaphore_mem>>
      %dma_start3A_175 = tpu.memref_squeeze %dma_start3A_174 : memref<1x!tpu.dma_semaphore, #tpu.memory_space<semaphore_mem>> -> memref<!tpu.dma_semaphore, #tpu.memory_space<semaphore_mem>>
      tpu.enqueue_indirect_dma source(%dma_start3A_167 : memref<80x64xf32, #tpu.memory_space<vmem>>) target(%dma_start3A_173 : memref<10000x64xf32, #tpu.memory_space<vmem_shared>>) offsets(%dma_start3A_170 : memref<80xi32, #tpu.memory_space<vmem>>) semaphore(%dma_start3A_175 : memref<!tpu.dma_semaphore, #tpu.memory_space<semaphore_mem>>) {add = true}
      %scan3A_176 = arith.constant 0 : i32
      scf.yield %scan3A_176 : i32
    }
    %scan3A_78 = arith.constant 250 : i32
    %dma_wait3A = arith.constant 1 : i32
    %dma_wait3A_79 = arith.constant 247 : i32
    %dma_wait3A_80 = arith.constant 1 : i32
    %dma_wait3A_81 = arith.constant 0 : i32
    %dma_wait3A_82 = arith.constant 0 : i32
    %dma_wait3A_83 = tpu.memref_slice %arg8[%dma_wait3A, %dma_wait3A_81, %dma_wait3A_82] : memref<6x80x64xf32, #tpu.memory_space<vmem>> -> memref<1x80x64xf32, #tpu.memory_space<vmem>>
    %dma_wait3A_84 = tpu.memref_squeeze %dma_wait3A_83 : memref<1x80x64xf32, #tpu.memory_space<vmem>> -> memref<80x64xf32, #tpu.memory_space<vmem>>
    %dma_wait3A_85 = arith.constant 0 : i32
    %dma_wait3A_86 = tpu.memref_slice %arg7[%dma_wait3A_79, %dma_wait3A_85] : memref<250x80xi32, #tpu.memory_space<vmem>> -> memref<1x80xi32, #tpu.memory_space<vmem>>
    %dma_wait3A_87 = tpu.memref_squeeze %dma_wait3A_86 : memref<1x80xi32, #tpu.memory_space<vmem>> -> memref<80xi32, #tpu.memory_space<vmem>>
    %dma_wait3A_88 = arith.constant 0 : i32
    %dma_wait3A_89 = arith.constant 0 : i32
    %dma_wait3A_90 = tpu.memref_slice %arg10[%dma_wait3A_88, %dma_wait3A_89] : memref<10000x64xf32, #tpu.memory_space<vmem_shared>> -> memref<10000x64xf32, #tpu.memory_space<vmem_shared>>
    %dma_wait3A_91 = tpu.memref_slice %arg12[%dma_wait3A_80] : memref<6x!tpu.dma_semaphore, #tpu.memory_space<semaphore_mem>> -> memref<1x!tpu.dma_semaphore, #tpu.memory_space<semaphore_mem>>
    %dma_wait3A_92 = tpu.memref_squeeze %dma_wait3A_91 : memref<1x!tpu.dma_semaphore, #tpu.memory_space<semaphore_mem>> -> memref<!tpu.dma_semaphore, #tpu.memory_space<semaphore_mem>>
    tpu.wait_indirect_dma semaphore(%dma_wait3A_92 : memref<!tpu.dma_semaphore, #tpu.memory_space<semaphore_mem>>) src(%dma_wait3A_84 : memref<80x64xf32, #tpu.memory_space<vmem>>) dst(%dma_wait3A_90 : memref<10000x64xf32, #tpu.memory_space<vmem_shared>>)
    %dma_wait3A_93 = arith.constant 2 : i32
    %dma_wait3A_94 = arith.constant 248 : i32
    %dma_wait3A_95 = arith.constant 2 : i32
    %dma_wait3A_96 = arith.constant 0 : i32
    %dma_wait3A_97 = arith.constant 0 : i32
    %dma_wait3A_98 = tpu.memref_slice %arg8[%dma_wait3A_93, %dma_wait3A_96, %dma_wait3A_97] : memref<6x80x64xf32, #tpu.memory_space<vmem>> -> memref<1x80x64xf32, #tpu.memory_space<vmem>>
    %dma_wait3A_99 = tpu.memref_squeeze %dma_wait3A_98 : memref<1x80x64xf32, #tpu.memory_space<vmem>> -> memref<80x64xf32, #tpu.memory_space<vmem>>
    %dma_wait3A_100 = arith.constant 0 : i32
    %dma_wait3A_101 = tpu.memref_slice %arg7[%dma_wait3A_94, %dma_wait3A_100] : memref<250x80xi32, #tpu.memory_space<vmem>> -> memref<1x80xi32, #tpu.memory_space<vmem>>
    %dma_wait3A_102 = tpu.memref_squeeze %dma_wait3A_101 : memref<1x80xi32, #tpu.memory_space<vmem>> -> memref<80xi32, #tpu.memory_space<vmem>>
    %dma_wait3A_103 = arith.constant 0 : i32
    %dma_wait3A_104 = arith.constant 0 : i32
    %dma_wait3A_105 = tpu.memref_slice %arg10[%dma_wait3A_103, %dma_wait3A_104] : memref<10000x64xf32, #tpu.memory_space<vmem_shared>> -> memref<10000x64xf32, #tpu.memory_space<vmem_shared>>
    %dma_wait3A_106 = tpu.memref_slice %arg12[%dma_wait3A_95] : memref<6x!tpu.dma_semaphore, #tpu.memory_space<semaphore_mem>> -> memref<1x!tpu.dma_semaphore, #tpu.memory_space<semaphore_mem>>
    %dma_wait3A_107 = tpu.memref_squeeze %dma_wait3A_106 : memref<1x!tpu.dma_semaphore, #tpu.memory_space<semaphore_mem>> -> memref<!tpu.dma_semaphore, #tpu.memory_space<semaphore_mem>>
    tpu.wait_indirect_dma semaphore(%dma_wait3A_107 : memref<!tpu.dma_semaphore, #tpu.memory_space<semaphore_mem>>) src(%dma_wait3A_99 : memref<80x64xf32, #tpu.memory_space<vmem>>) dst(%dma_wait3A_105 : memref<10000x64xf32, #tpu.memory_space<vmem_shared>>)
    %dma_wait3A_108 = arith.constant 3 : i32
    %dma_wait3A_109 = arith.constant 249 : i32
    %dma_wait3A_110 = arith.constant 3 : i32
    %dma_wait3A_111 = arith.constant 0 : i32
    %dma_wait3A_112 = arith.constant 0 : i32
    %dma_wait3A_113 = tpu.memref_slice %arg8[%dma_wait3A_108, %dma_wait3A_111, %dma_wait3A_112] : memref<6x80x64xf32, #tpu.memory_space<vmem>> -> memref<1x80x64xf32, #tpu.memory_space<vmem>>
    %dma_wait3A_114 = tpu.memref_squeeze %dma_wait3A_113 : memref<1x80x64xf32, #tpu.memory_space<vmem>> -> memref<80x64xf32, #tpu.memory_space<vmem>>
    %dma_wait3A_115 = arith.constant 0 : i32
    %dma_wait3A_116 = tpu.memref_slice %arg7[%dma_wait3A_109, %dma_wait3A_115] : memref<250x80xi32, #tpu.memory_space<vmem>> -> memref<1x80xi32, #tpu.memory_space<vmem>>
    %dma_wait3A_117 = tpu.memref_squeeze %dma_wait3A_116 : memref<1x80xi32, #tpu.memory_space<vmem>> -> memref<80xi32, #tpu.memory_space<vmem>>
    %dma_wait3A_118 = arith.constant 0 : i32
    %dma_wait3A_119 = arith.constant 0 : i32
    %dma_wait3A_120 = tpu.memref_slice %arg10[%dma_wait3A_118, %dma_wait3A_119] : memref<10000x64xf32, #tpu.memory_space<vmem_shared>> -> memref<10000x64xf32, #tpu.memory_space<vmem_shared>>
    %dma_wait3A_121 = tpu.memref_slice %arg12[%dma_wait3A_110] : memref<6x!tpu.dma_semaphore, #tpu.memory_space<semaphore_mem>> -> memref<1x!tpu.dma_semaphore, #tpu.memory_space<semaphore_mem>>
    %dma_wait3A_122 = tpu.memref_squeeze %dma_wait3A_121 : memref<1x!tpu.dma_semaphore, #tpu.memory_space<semaphore_mem>> -> memref<!tpu.dma_semaphore, #tpu.memory_space<semaphore_mem>>
    tpu.wait_indirect_dma semaphore(%dma_wait3A_122 : memref<!tpu.dma_semaphore, #tpu.memory_space<semaphore_mem>>) src(%dma_wait3A_114 : memref<80x64xf32, #tpu.memory_space<vmem>>) dst(%dma_wait3A_120 : memref<10000x64xf32, #tpu.memory_space<vmem_shared>>)
    %barrier3A_123 = arith.constant 0 : index
    tpu.barrier barrier_id(%barrier3A_123)
    %mul3A = arith.constant 624 : i32
    %mul3A_124 = arith.muli %arg1, %mul3A : i32
    %mul3A_125 = arith.constant 624 : i32
    %mul3A_126 = arith.muli %arg1, %mul3A_125 : i32
    "tpu.region"() ({
      %run_scoped3A = tpu.sem_alloc : memref<!tpu.dma_semaphore, #tpu.memory_space<semaphore_mem>>
      %dma_start3A_132 = arith.constant 0 : i32
      %dma_start3A_133 = tpu.memref_slice %arg5[%arg0, %mul3A_126, %dma_start3A_132] : memref<2x10000x64xf32, #tpu.memory_space<hbm>> -> memref<1x624x64xf32, #tpu.memory_space<hbm>>
      %dma_start3A_134 = tpu.memref_squeeze %dma_start3A_133 : memref<1x624x64xf32, #tpu.memory_space<hbm>> -> memref<624x64xf32, #tpu.memory_space<hbm>>
      %dma_start3A_135 = arith.constant 0 : i32
      %dma_start3A_136 = tpu.memref_slice %arg10[%mul3A_124, %dma_start3A_135] : memref<10000x64xf32, #tpu.memory_space<vmem_shared>> -> memref<624x64xf32, #tpu.memory_space<vmem_shared>>
      tpu.enqueue_dma source(%dma_start3A_136 : memref<624x64xf32, #tpu.memory_space<vmem_shared>>) target(%dma_start3A_134 : memref<624x64xf32, #tpu.memory_space<hbm>>) target_semaphore(%run_scoped3A : memref<!tpu.dma_semaphore, #tpu.memory_space<semaphore_mem>>)
      %dma_wait3A_137 = arith.constant 0 : i32
      %dma_wait3A_138 = tpu.memref_slice %arg5[%arg0, %mul3A_126, %dma_wait3A_137] : memref<2x10000x64xf32, #tpu.memory_space<hbm>> -> memref<1x624x64xf32, #tpu.memory_space<hbm>>
      %dma_wait3A_139 = tpu.memref_squeeze %dma_wait3A_138 : memref<1x624x64xf32, #tpu.memory_space<hbm>> -> memref<624x64xf32, #tpu.memory_space<hbm>>
      %dma_wait3A_140 = arith.constant 0 : i32
      %dma_wait3A_141 = tpu.memref_slice %arg10[%mul3A_124, %dma_wait3A_140] : memref<10000x64xf32, #tpu.memory_space<vmem_shared>> -> memref<624x64xf32, #tpu.memory_space<vmem_shared>>
      tpu.wait_dma2 semaphore(%run_scoped3A : memref<!tpu.dma_semaphore, #tpu.memory_space<semaphore_mem>>) src(%dma_wait3A_141 : memref<624x64xf32, #tpu.memory_space<vmem_shared>>) dst(%dma_wait3A_139 : memref<624x64xf32, #tpu.memory_space<hbm>>)
      tpu.yield
    }) : () -> ()
    %eq3A_127 = arith.constant 15 : i32
    %eq3A_128 = arith.cmpi eq, %arg1, %eq3A_127 : i32
    %convert_element_type3A_129 = arith.extui %eq3A_128 : i1 to i32
    %cond3A_130 = arith.constant 0 : i32
    %cond3A_131 = arith.cmpi ne, %convert_element_type3A_129, %cond3A_130 : i32
    scf.if %cond3A_131 {
      "tpu.region"() ({
        %run_scoped3A = tpu.sem_alloc : memref<!tpu.dma_semaphore, #tpu.memory_space<semaphore_mem>>
        %dma_start3A_132 = arith.constant 9984 : i32
        %dma_start3A_133 = arith.constant 0 : i32
        %dma_start3A_134 = tpu.memref_slice %arg5[%arg0, %dma_start3A_132, %dma_start3A_133] : memref<2x10000x64xf32, #tpu.memory_space<hbm>> -> memref<1x16x64xf32, #tpu.memory_space<hbm>>
        %dma_start3A_135 = tpu.memref_squeeze %dma_start3A_134 : memref<1x16x64xf32, #tpu.memory_space<hbm>> -> memref<16x64xf32, #tpu.memory_space<hbm>>
        %dma_start3A_136 = arith.constant 9984 : i32
        %dma_start3A_137 = arith.constant 0 : i32
        %dma_start3A_138 = tpu.memref_slice %arg10[%dma_start3A_136, %dma_start3A_137] : memref<10000x64xf32, #tpu.memory_space<vmem_shared>> -> memref<16x64xf32, #tpu.memory_space<vmem_shared>>
        tpu.enqueue_dma source(%dma_start3A_138 : memref<16x64xf32, #tpu.memory_space<vmem_shared>>) target(%dma_start3A_135 : memref<16x64xf32, #tpu.memory_space<hbm>>) target_semaphore(%run_scoped3A : memref<!tpu.dma_semaphore, #tpu.memory_space<semaphore_mem>>)
        %dma_wait3A_139 = arith.constant 9984 : i32
        %dma_wait3A_140 = arith.constant 0 : i32
        %dma_wait3A_141 = tpu.memref_slice %arg5[%arg0, %dma_wait3A_139, %dma_wait3A_140] : memref<2x10000x64xf32, #tpu.memory_space<hbm>> -> memref<1x16x64xf32, #tpu.memory_space<hbm>>
        %dma_wait3A_142 = tpu.memref_squeeze %dma_wait3A_141 : memref<1x16x64xf32, #tpu.memory_space<hbm>> -> memref<16x64xf32, #tpu.memory_space<hbm>>
        %dma_wait3A_143 = arith.constant 9984 : i32
        %dma_wait3A_144 = arith.constant 0 : i32
        %dma_wait3A_145 = tpu.memref_slice %arg10[%dma_wait3A_143, %dma_wait3A_144] : memref<10000x64xf32, #tpu.memory_space<vmem_shared>> -> memref<16x64xf32, #tpu.memory_space<vmem_shared>>
        tpu.wait_dma2 semaphore(%run_scoped3A : memref<!tpu.dma_semaphore, #tpu.memory_space<semaphore_mem>>) src(%dma_wait3A_145 : memref<16x64xf32, #tpu.memory_space<vmem_shared>>) dst(%dma_wait3A_142 : memref<16x64xf32, #tpu.memory_space<hbm>>)
        tpu.yield
      }) : () -> ()
    } else {
    }
    return
  }
}

#map = affine_map<(d0, d1) -> (0, 0, 0)>
module attributes {stable_mosaic.version = 14 : i64} {
  func.func @_deg_body(%arg0: i32, %arg1: i32, %arg2: memref<32x625x16xi32, #tpu.memory_space<hbm>>, %arg3: memref<32x625x16xi32, #tpu.memory_space<hbm>>, %arg4: memref<2x1x20480xf32, #tpu.memory_space<hbm>>, %arg5: memref<625x16xi32, #tpu.memory_space<vmem>>, %arg6: memref<625x16xi32, #tpu.memory_space<vmem>>, %arg7: memref<20480xf32, #tpu.memory_space<vmem>>, %arg8: memref<20480xf32, #tpu.memory_space<vmem>>, %arg9: memref<1280xf32, #tpu.memory_space<vmem>>, %arg10: memref<327680xf32, #tpu.memory_space<vmem_shared>>) attributes {dimension_semantics = [#tpu.dimension_semantics<core_parallel>, #tpu.dimension_semantics<subcore_parallel>], iteration_bounds = array<i64: 2, 16>, scalar_prefetch = 0 : i64, scratch_operands = 6 : i64, tpu.core_type = #tpu.core_type<sc_vector_subcore>, window_params = [{transform_indices = #map}, {transform_indices = #map}, {transform_indices = #map}]} {
    %mul3A = arith.constant 16 : i32
    %mul3A_0 = arith.muli %arg0, %mul3A : i32
    %add3A = arith.addi %mul3A_0, %arg1 : i32
    "tpu.region"() ({
      %run_scoped3A_92 = tpu.sem_alloc : memref<!tpu.dma_semaphore, #tpu.memory_space<semaphore_mem>>
      %dma_start3A = arith.constant 0 : i32
      %dma_start3A_93 = arith.constant 0 : i32
      %dma_start3A_94 = tpu.memref_slice %arg2[%add3A, %dma_start3A, %dma_start3A_93] : memref<32x625x16xi32, #tpu.memory_space<hbm>> -> memref<1x625x16xi32, #tpu.memory_space<hbm>>
      %dma_start3A_95 = tpu.memref_squeeze %dma_start3A_94 : memref<1x625x16xi32, #tpu.memory_space<hbm>> -> memref<625x16xi32, #tpu.memory_space<hbm>>
      %dma_start3A_96 = arith.constant 0 : i32
      %dma_start3A_97 = arith.constant 0 : i32
      %dma_start3A_98 = tpu.memref_slice %arg2[%add3A, %dma_start3A_96, %dma_start3A_97] : memref<32x625x16xi32, #tpu.memory_space<hbm>> -> memref<1x625x16xi32, #tpu.memory_space<hbm>>
      %dma_start3A_99 = tpu.memref_squeeze %dma_start3A_98 : memref<1x625x16xi32, #tpu.memory_space<hbm>> -> memref<625x16xi32, #tpu.memory_space<hbm>>
      tpu.enqueue_dma source(%dma_start3A_99 : memref<625x16xi32, #tpu.memory_space<hbm>>) target(%arg5 : memref<625x16xi32, #tpu.memory_space<vmem>>) target_semaphore(%run_scoped3A_92 : memref<!tpu.dma_semaphore, #tpu.memory_space<semaphore_mem>>)
      %dma_wait3A = arith.constant 0 : i32
      %dma_wait3A_100 = arith.constant 0 : i32
      %dma_wait3A_101 = tpu.memref_slice %arg2[%add3A, %dma_wait3A, %dma_wait3A_100] : memref<32x625x16xi32, #tpu.memory_space<hbm>> -> memref<1x625x16xi32, #tpu.memory_space<hbm>>
      %dma_wait3A_102 = tpu.memref_squeeze %dma_wait3A_101 : memref<1x625x16xi32, #tpu.memory_space<hbm>> -> memref<625x16xi32, #tpu.memory_space<hbm>>
      %dma_wait3A_103 = arith.constant 0 : i32
      %dma_wait3A_104 = arith.constant 0 : i32
      %dma_wait3A_105 = tpu.memref_slice %arg2[%add3A, %dma_wait3A_103, %dma_wait3A_104] : memref<32x625x16xi32, #tpu.memory_space<hbm>> -> memref<1x625x16xi32, #tpu.memory_space<hbm>>
      %dma_wait3A_106 = tpu.memref_squeeze %dma_wait3A_105 : memref<1x625x16xi32, #tpu.memory_space<hbm>> -> memref<625x16xi32, #tpu.memory_space<hbm>>
      tpu.wait_dma2 semaphore(%run_scoped3A_92 : memref<!tpu.dma_semaphore, #tpu.memory_space<semaphore_mem>>) src(%dma_wait3A_106 : memref<625x16xi32, #tpu.memory_space<hbm>>) dst(%arg5 : memref<625x16xi32, #tpu.memory_space<vmem>>)
      tpu.yield
    }) : () -> ()
    "tpu.region"() ({
      %run_scoped3A_92 = tpu.sem_alloc : memref<!tpu.dma_semaphore, #tpu.memory_space<semaphore_mem>>
      %dma_start3A = arith.constant 0 : i32
      %dma_start3A_93 = arith.constant 0 : i32
      %dma_start3A_94 = tpu.memref_slice %arg3[%add3A, %dma_start3A, %dma_start3A_93] : memref<32x625x16xi32, #tpu.memory_space<hbm>> -> memref<1x625x16xi32, #tpu.memory_space<hbm>>
      %dma_start3A_95 = tpu.memref_squeeze %dma_start3A_94 : memref<1x625x16xi32, #tpu.memory_space<hbm>> -> memref<625x16xi32, #tpu.memory_space<hbm>>
      %dma_start3A_96 = arith.constant 0 : i32
      %dma_start3A_97 = arith.constant 0 : i32
      %dma_start3A_98 = tpu.memref_slice %arg3[%add3A, %dma_start3A_96, %dma_start3A_97] : memref<32x625x16xi32, #tpu.memory_space<hbm>> -> memref<1x625x16xi32, #tpu.memory_space<hbm>>
      %dma_start3A_99 = tpu.memref_squeeze %dma_start3A_98 : memref<1x625x16xi32, #tpu.memory_space<hbm>> -> memref<625x16xi32, #tpu.memory_space<hbm>>
      tpu.enqueue_dma source(%dma_start3A_99 : memref<625x16xi32, #tpu.memory_space<hbm>>) target(%arg6 : memref<625x16xi32, #tpu.memory_space<vmem>>) target_semaphore(%run_scoped3A_92 : memref<!tpu.dma_semaphore, #tpu.memory_space<semaphore_mem>>)
      %dma_wait3A = arith.constant 0 : i32
      %dma_wait3A_100 = arith.constant 0 : i32
      %dma_wait3A_101 = tpu.memref_slice %arg3[%add3A, %dma_wait3A, %dma_wait3A_100] : memref<32x625x16xi32, #tpu.memory_space<hbm>> -> memref<1x625x16xi32, #tpu.memory_space<hbm>>
      %dma_wait3A_102 = tpu.memref_squeeze %dma_wait3A_101 : memref<1x625x16xi32, #tpu.memory_space<hbm>> -> memref<625x16xi32, #tpu.memory_space<hbm>>
      %dma_wait3A_103 = arith.constant 0 : i32
      %dma_wait3A_104 = arith.constant 0 : i32
      %dma_wait3A_105 = tpu.memref_slice %arg3[%add3A, %dma_wait3A_103, %dma_wait3A_104] : memref<32x625x16xi32, #tpu.memory_space<hbm>> -> memref<1x625x16xi32, #tpu.memory_space<hbm>>
      %dma_wait3A_106 = tpu.memref_squeeze %dma_wait3A_105 : memref<1x625x16xi32, #tpu.memory_space<hbm>> -> memref<625x16xi32, #tpu.memory_space<hbm>>
      tpu.wait_dma2 semaphore(%run_scoped3A_92 : memref<!tpu.dma_semaphore, #tpu.memory_space<semaphore_mem>>) src(%dma_wait3A_106 : memref<625x16xi32, #tpu.memory_space<hbm>>) dst(%arg6 : memref<625x16xi32, #tpu.memory_space<vmem>>)
      tpu.yield
    }) : () -> ()
    %broadcast_in_dim3A = arith.constant 0.000000e+00 : f32
    %broadcast_in_dim3A_1 = vector.broadcast %broadcast_in_dim3A : f32 to vector<16xf32>
    %broadcast_in_dim3A_2 = arith.constant 1.000000e+00 : f32
    %broadcast_in_dim3A_3 = vector.broadcast %broadcast_in_dim3A_2 : f32 to vector<16xf32>
    %scan3A = arith.constant 0 : i32
    %scan3A_4 = arith.constant 0 : i32
    %scan3A_5 = arith.constant 1280 : i32
    %scan3A_6 = arith.addi %scan3A_4, %scan3A_5 : i32
    %scan3A_7 = arith.constant 1 : i32
    %scan3A_8 = scf.for %scan3A_92 = %scan3A_4 to %scan3A_6 step %scan3A_7 iter_args(%scan3A_93 = %scan3A) -> (i32)  : i32 {
      %mul3A_94 = arith.constant 16 : i32
      %mul3A_95 = arith.muli %scan3A_92, %mul3A_94 : i32
      %swap3A = arith.index_cast %mul3A_95 : i32 to index
      %swap3A_96 = tpu.vector_load %arg7[%swap3A] {strides = array<i32>} : memref<20480xf32, #tpu.memory_space<vmem>>, vector<16xf32>,
      tpu.vector_store %arg7[%swap3A], %broadcast_in_dim3A_1 {strides = array<i32>} : memref<20480xf32, #tpu.memory_space<vmem>>, vector<16xf32>,
      %scan3A_97 = arith.constant 0 : i32
      scf.yield %scan3A_97 : i32
    }
    %scan3A_9 = arith.constant 1280 : i32
    %scan3A_10 = arith.constant 0 : i32
    %scan3A_11 = arith.constant 0 : i32
    %scan3A_12 = arith.constant 625 : i32
    %scan3A_13 = arith.addi %scan3A_11, %scan3A_12 : i32
    %scan3A_14 = arith.constant 1 : i32
    %scan3A_15 = scf.for %scan3A_92 = %scan3A_11 to %scan3A_13 step %scan3A_14 iter_args(%scan3A_93 = %scan3A_10) -> (i32)  : i32 {
      %get3A = arith.index_cast %scan3A_92 : i32 to index
      %get3A_94 = arith.constant 0 : index
      %get3A_95 = tpu.vector_load %arg5[%get3A, %get3A_94] {strides = array<i32>} : memref<625x16xi32, #tpu.memory_space<vmem>>, vector<16xi32>,
      tpu.vector_store_idx %arg7[%get3A_95], %broadcast_in_dim3A_3 {add = true} : memref<20480xf32, #tpu.memory_space<vmem>>[vector<16xi32>], vector<16xf32>,
      %get3A_96 = arith.index_cast %scan3A_92 : i32 to index
      %get3A_97 = arith.constant 0 : index
      %get3A_98 = tpu.vector_load %arg6[%get3A_96, %get3A_97] {strides = array<i32>} : memref<625x16xi32, #tpu.memory_space<vmem>>, vector<16xi32>,
      %add3A_99 = arith.constant 10240 : i32
      %add3A_100 = vector.broadcast %add3A_99 : i32 to vector<16xi32>
      %add3A_101 = arith.addi %get3A_98, %add3A_100 : vector<16xi32>
      tpu.vector_store_idx %arg7[%add3A_101], %broadcast_in_dim3A_3 {add = true} : memref<20480xf32, #tpu.memory_space<vmem>>[vector<16xi32>], vector<16xf32>,
      %scan3A_102 = arith.constant 0 : i32
      scf.yield %scan3A_102 : i32
    }
    %scan3A_16 = arith.constant 625 : i32
    %mul3A_17 = arith.constant 20480 : i32
    %mul3A_18 = arith.muli %arg1, %mul3A_17 : i32
    "tpu.region"() ({
      %run_scoped3A_92 = tpu.sem_alloc : memref<!tpu.dma_semaphore, #tpu.memory_space<semaphore_mem>>
      %dma_start3A = tpu.memref_slice %arg10[%mul3A_18] : memref<327680xf32, #tpu.memory_space<vmem_shared>> -> memref<20480xf32, #tpu.memory_space<vmem_shared>>
      %dma_start3A_93 = tpu.memref_slice %arg10[%mul3A_18] : memref<327680xf32, #tpu.memory_space<vmem_shared>> -> memref<20480xf32, #tpu.memory_space<vmem_shared>>
      tpu.enqueue_dma source(%arg7 : memref<20480xf32, #tpu.memory_space<vmem>>) target(%dma_start3A_93 : memref<20480xf32, #tpu.memory_space<vmem_shared>>) target_semaphore(%run_scoped3A_92 : memref<!tpu.dma_semaphore, #tpu.memory_space<semaphore_mem>>)
      %dma_wait3A = tpu.memref_slice %arg10[%mul3A_18] : memref<327680xf32, #tpu.memory_space<vmem_shared>> -> memref<20480xf32, #tpu.memory_space<vmem_shared>>
      %dma_wait3A_94 = tpu.memref_slice %arg10[%mul3A_18] : memref<327680xf32, #tpu.memory_space<vmem_shared>> -> memref<20480xf32, #tpu.memory_space<vmem_shared>>
      tpu.wait_dma2 semaphore(%run_scoped3A_92 : memref<!tpu.dma_semaphore, #tpu.memory_space<semaphore_mem>>) src(%arg7 : memref<20480xf32, #tpu.memory_space<vmem>>) dst(%dma_wait3A_94 : memref<20480xf32, #tpu.memory_space<vmem_shared>>)
      tpu.yield
    }) : () -> ()
    %barrier3A = arith.constant 0 : index
    tpu.barrier barrier_id(%barrier3A)
    %mul3A_19 = arith.constant 1280 : i32
    %mul3A_20 = arith.muli %arg1, %mul3A_19 : i32
    %add3A_21 = arith.constant 0 : i32
    %add3A_22 = arith.addi %add3A_21, %mul3A_20 : i32
    "tpu.region"() ({
      %run_scoped3A_92 = tpu.sem_alloc : memref<!tpu.dma_semaphore, #tpu.memory_space<semaphore_mem>>
      %dma_start3A = arith.constant 0 : i32
      %dma_start3A_93 = tpu.memref_slice %arg8[%dma_start3A] : memref<20480xf32, #tpu.memory_space<vmem>> -> memref<1280xf32, #tpu.memory_space<vmem>>
      %dma_start3A_94 = tpu.memref_slice %arg10[%add3A_22] : memref<327680xf32, #tpu.memory_space<vmem_shared>> -> memref<1280xf32, #tpu.memory_space<vmem_shared>>
      %dma_start3A_95 = arith.constant 0 : i32
      %dma_start3A_96 = tpu.memref_slice %arg8[%dma_start3A_95] : memref<20480xf32, #tpu.memory_space<vmem>> -> memref<1280xf32, #tpu.memory_space<vmem>>
      %dma_start3A_97 = tpu.memref_slice %arg10[%add3A_22] : memref<327680xf32, #tpu.memory_space<vmem_shared>> -> memref<1280xf32, #tpu.memory_space<vmem_shared>>
      tpu.enqueue_dma source(%dma_start3A_97 : memref<1280xf32, #tpu.memory_space<vmem_shared>>) target(%dma_start3A_96 : memref<1280xf32, #tpu.memory_space<vmem>>) target_semaphore(%run_scoped3A_92 : memref<!tpu.dma_semaphore, #tpu.memory_space<semaphore_mem>>)
      %dma_wait3A = arith.constant 0 : i32
      %dma_wait3A_98 = tpu.memref_slice %arg8[%dma_wait3A] : memref<20480xf32, #tpu.memory_space<vmem>> -> memref<1280xf32, #tpu.memory_space<vmem>>
      %dma_wait3A_99 = tpu.memref_slice %arg10[%add3A_22] : memref<327680xf32, #tpu.memory_space<vmem_shared>> -> memref<1280xf32, #tpu.memory_space<vmem_shared>>
      %dma_wait3A_100 = arith.constant 0 : i32
      %dma_wait3A_101 = tpu.memref_slice %arg8[%dma_wait3A_100] : memref<20480xf32, #tpu.memory_space<vmem>> -> memref<1280xf32, #tpu.memory_space<vmem>>
      %dma_wait3A_102 = tpu.memref_slice %arg10[%add3A_22] : memref<327680xf32, #tpu.memory_space<vmem_shared>> -> memref<1280xf32, #tpu.memory_space<vmem_shared>>
      tpu.wait_dma2 semaphore(%run_scoped3A_92 : memref<!tpu.dma_semaphore, #tpu.memory_space<semaphore_mem>>) src(%dma_wait3A_102 : memref<1280xf32, #tpu.memory_space<vmem_shared>>) dst(%dma_wait3A_101 : memref<1280xf32, #tpu.memory_space<vmem>>)
      tpu.yield
    }) : () -> ()
    %mul3A_23 = arith.constant 1280 : i32
    %mul3A_24 = arith.muli %arg1, %mul3A_23 : i32
    %add3A_25 = arith.constant 20480 : i32
    %add3A_26 = arith.addi %add3A_25, %mul3A_24 : i32
    "tpu.region"() ({
      %run_scoped3A_92 = tpu.sem_alloc : memref<!tpu.dma_semaphore, #tpu.memory_space<semaphore_mem>>
      %dma_start3A = arith.constant 1280 : i32
      %dma_start3A_93 = tpu.memref_slice %arg8[%dma_start3A] : memref<20480xf32, #tpu.memory_space<vmem>> -> memref<1280xf32, #tpu.memory_space<vmem>>
      %dma_start3A_94 = tpu.memref_slice %arg10[%add3A_26] : memref<327680xf32, #tpu.memory_space<vmem_shared>> -> memref<1280xf32, #tpu.memory_space<vmem_shared>>
      %dma_start3A_95 = arith.constant 1280 : i32
      %dma_start3A_96 = tpu.memref_slice %arg8[%dma_start3A_95] : memref<20480xf32, #tpu.memory_space<vmem>> -> memref<1280xf32, #tpu.memory_space<vmem>>
      %dma_start3A_97 = tpu.memref_slice %arg10[%add3A_26] : memref<327680xf32, #tpu.memory_space<vmem_shared>> -> memref<1280xf32, #tpu.memory_space<vmem_shared>>
      tpu.enqueue_dma source(%dma_start3A_97 : memref<1280xf32, #tpu.memory_space<vmem_shared>>) target(%dma_start3A_96 : memref<1280xf32, #tpu.memory_space<vmem>>) target_semaphore(%run_scoped3A_92 : memref<!tpu.dma_semaphore, #tpu.memory_space<semaphore_mem>>)
      %dma_wait3A = arith.constant 1280 : i32
      %dma_wait3A_98 = tpu.memref_slice %arg8[%dma_wait3A] : memref<20480xf32, #tpu.memory_space<vmem>> -> memref<1280xf32, #tpu.memory_space<vmem>>
      %dma_wait3A_99 = tpu.memref_slice %arg10[%add3A_26] : memref<327680xf32, #tpu.memory_space<vmem_shared>> -> memref<1280xf32, #tpu.memory_space<vmem_shared>>
      %dma_wait3A_100 = arith.constant 1280 : i32
      %dma_wait3A_101 = tpu.memref_slice %arg8[%dma_wait3A_100] : memref<20480xf32, #tpu.memory_space<vmem>> -> memref<1280xf32, #tpu.memory_space<vmem>>
      %dma_wait3A_102 = tpu.memref_slice %arg10[%add3A_26] : memref<327680xf32, #tpu.memory_space<vmem_shared>> -> memref<1280xf32, #tpu.memory_space<vmem_shared>>
      tpu.wait_dma2 semaphore(%run_scoped3A_92 : memref<!tpu.dma_semaphore, #tpu.memory_space<semaphore_mem>>) src(%dma_wait3A_102 : memref<1280xf32, #tpu.memory_space<vmem_shared>>) dst(%dma_wait3A_101 : memref<1280xf32, #tpu.memory_space<vmem>>)
      tpu.yield
    }) : () -> ()
    %mul3A_27 = arith.constant 1280 : i32
    %mul3A_28 = arith.muli %arg1, %mul3A_27 : i32
    %add3A_29 = arith.constant 40960 : i32
    %add3A_30 = arith.addi %add3A_29, %mul3A_28 : i32
    "tpu.region"() ({
      %run_scoped3A_92 = tpu.sem_alloc : memref<!tpu.dma_semaphore, #tpu.memory_space<semaphore_mem>>
      %dma_start3A = arith.constant 2560 : i32
      %dma_start3A_93 = tpu.memref_slice %arg8[%dma_start3A] : memref<20480xf32, #tpu.memory_space<vmem>> -> memref<1280xf32, #tpu.memory_space<vmem>>
      %dma_start3A_94 = tpu.memref_slice %arg10[%add3A_30] : memref<327680xf32, #tpu.memory_space<vmem_shared>> -> memref<1280xf32, #tpu.memory_space<vmem_shared>>
      %dma_start3A_95 = arith.constant 2560 : i32
      %dma_start3A_96 = tpu.memref_slice %arg8[%dma_start3A_95] : memref<20480xf32, #tpu.memory_space<vmem>> -> memref<1280xf32, #tpu.memory_space<vmem>>
      %dma_start3A_97 = tpu.memref_slice %arg10[%add3A_30] : memref<327680xf32, #tpu.memory_space<vmem_shared>> -> memref<1280xf32, #tpu.memory_space<vmem_shared>>
      tpu.enqueue_dma source(%dma_start3A_97 : memref<1280xf32, #tpu.memory_space<vmem_shared>>) target(%dma_start3A_96 : memref<1280xf32, #tpu.memory_space<vmem>>) target_semaphore(%run_scoped3A_92 : memref<!tpu.dma_semaphore, #tpu.memory_space<semaphore_mem>>)
      %dma_wait3A = arith.constant 2560 : i32
      %dma_wait3A_98 = tpu.memref_slice %arg8[%dma_wait3A] : memref<20480xf32, #tpu.memory_space<vmem>> -> memref<1280xf32, #tpu.memory_space<vmem>>
      %dma_wait3A_99 = tpu.memref_slice %arg10[%add3A_30] : memref<327680xf32, #tpu.memory_space<vmem_shared>> -> memref<1280xf32, #tpu.memory_space<vmem_shared>>
      %dma_wait3A_100 = arith.constant 2560 : i32
      %dma_wait3A_101 = tpu.memref_slice %arg8[%dma_wait3A_100] : memref<20480xf32, #tpu.memory_space<vmem>> -> memref<1280xf32, #tpu.memory_space<vmem>>
      %dma_wait3A_102 = tpu.memref_slice %arg10[%add3A_30] : memref<327680xf32, #tpu.memory_space<vmem_shared>> -> memref<1280xf32, #tpu.memory_space<vmem_shared>>
      tpu.wait_dma2 semaphore(%run_scoped3A_92 : memref<!tpu.dma_semaphore, #tpu.memory_space<semaphore_mem>>) src(%dma_wait3A_102 : memref<1280xf32, #tpu.memory_space<vmem_shared>>) dst(%dma_wait3A_101 : memref<1280xf32, #tpu.memory_space<vmem>>)
      tpu.yield
    }) : () -> ()
    %mul3A_31 = arith.constant 1280 : i32
    %mul3A_32 = arith.muli %arg1, %mul3A_31 : i32
    %add3A_33 = arith.constant 61440 : i32
    %add3A_34 = arith.addi %add3A_33, %mul3A_32 : i32
    "tpu.region"() ({
      %run_scoped3A_92 = tpu.sem_alloc : memref<!tpu.dma_semaphore, #tpu.memory_space<semaphore_mem>>
      %dma_start3A = arith.constant 3840 : i32
      %dma_start3A_93 = tpu.memref_slice %arg8[%dma_start3A] : memref<20480xf32, #tpu.memory_space<vmem>> -> memref<1280xf32, #tpu.memory_space<vmem>>
      %dma_start3A_94 = tpu.memref_slice %arg10[%add3A_34] : memref<327680xf32, #tpu.memory_space<vmem_shared>> -> memref<1280xf32, #tpu.memory_space<vmem_shared>>
      %dma_start3A_95 = arith.constant 3840 : i32
      %dma_start3A_96 = tpu.memref_slice %arg8[%dma_start3A_95] : memref<20480xf32, #tpu.memory_space<vmem>> -> memref<1280xf32, #tpu.memory_space<vmem>>
      %dma_start3A_97 = tpu.memref_slice %arg10[%add3A_34] : memref<327680xf32, #tpu.memory_space<vmem_shared>> -> memref<1280xf32, #tpu.memory_space<vmem_shared>>
      tpu.enqueue_dma source(%dma_start3A_97 : memref<1280xf32, #tpu.memory_space<vmem_shared>>) target(%dma_start3A_96 : memref<1280xf32, #tpu.memory_space<vmem>>) target_semaphore(%run_scoped3A_92 : memref<!tpu.dma_semaphore, #tpu.memory_space<semaphore_mem>>)
      %dma_wait3A = arith.constant 3840 : i32
      %dma_wait3A_98 = tpu.memref_slice %arg8[%dma_wait3A] : memref<20480xf32, #tpu.memory_space<vmem>> -> memref<1280xf32, #tpu.memory_space<vmem>>
      %dma_wait3A_99 = tpu.memref_slice %arg10[%add3A_34] : memref<327680xf32, #tpu.memory_space<vmem_shared>> -> memref<1280xf32, #tpu.memory_space<vmem_shared>>
      %dma_wait3A_100 = arith.constant 3840 : i32
      %dma_wait3A_101 = tpu.memref_slice %arg8[%dma_wait3A_100] : memref<20480xf32, #tpu.memory_space<vmem>> -> memref<1280xf32, #tpu.memory_space<vmem>>
      %dma_wait3A_102 = tpu.memref_slice %arg10[%add3A_34] : memref<327680xf32, #tpu.memory_space<vmem_shared>> -> memref<1280xf32, #tpu.memory_space<vmem_shared>>
      tpu.wait_dma2 semaphore(%run_scoped3A_92 : memref<!tpu.dma_semaphore, #tpu.memory_space<semaphore_mem>>) src(%dma_wait3A_102 : memref<1280xf32, #tpu.memory_space<vmem_shared>>) dst(%dma_wait3A_101 : memref<1280xf32, #tpu.memory_space<vmem>>)
      tpu.yield
    }) : () -> ()
    %mul3A_35 = arith.constant 1280 : i32
    %mul3A_36 = arith.muli %arg1, %mul3A_35 : i32
    %add3A_37 = arith.constant 81920 : i32
    %add3A_38 = arith.addi %add3A_37, %mul3A_36 : i32
    "tpu.region"() ({
      %run_scoped3A_92 = tpu.sem_alloc : memref<!tpu.dma_semaphore, #tpu.memory_space<semaphore_mem>>
      %dma_start3A = arith.constant 5120 : i32
      %dma_start3A_93 = tpu.memref_slice %arg8[%dma_start3A] : memref<20480xf32, #tpu.memory_space<vmem>> -> memref<1280xf32, #tpu.memory_space<vmem>>
      %dma_start3A_94 = tpu.memref_slice %arg10[%add3A_38] : memref<327680xf32, #tpu.memory_space<vmem_shared>> -> memref<1280xf32, #tpu.memory_space<vmem_shared>>
      %dma_start3A_95 = arith.constant 5120 : i32
      %dma_start3A_96 = tpu.memref_slice %arg8[%dma_start3A_95] : memref<20480xf32, #tpu.memory_space<vmem>> -> memref<1280xf32, #tpu.memory_space<vmem>>
      %dma_start3A_97 = tpu.memref_slice %arg10[%add3A_38] : memref<327680xf32, #tpu.memory_space<vmem_shared>> -> memref<1280xf32, #tpu.memory_space<vmem_shared>>
      tpu.enqueue_dma source(%dma_start3A_97 : memref<1280xf32, #tpu.memory_space<vmem_shared>>) target(%dma_start3A_96 : memref<1280xf32, #tpu.memory_space<vmem>>) target_semaphore(%run_scoped3A_92 : memref<!tpu.dma_semaphore, #tpu.memory_space<semaphore_mem>>)
      %dma_wait3A = arith.constant 5120 : i32
      %dma_wait3A_98 = tpu.memref_slice %arg8[%dma_wait3A] : memref<20480xf32, #tpu.memory_space<vmem>> -> memref<1280xf32, #tpu.memory_space<vmem>>
      %dma_wait3A_99 = tpu.memref_slice %arg10[%add3A_38] : memref<327680xf32, #tpu.memory_space<vmem_shared>> -> memref<1280xf32, #tpu.memory_space<vmem_shared>>
      %dma_wait3A_100 = arith.constant 5120 : i32
      %dma_wait3A_101 = tpu.memref_slice %arg8[%dma_wait3A_100] : memref<20480xf32, #tpu.memory_space<vmem>> -> memref<1280xf32, #tpu.memory_space<vmem>>
      %dma_wait3A_102 = tpu.memref_slice %arg10[%add3A_38] : memref<327680xf32, #tpu.memory_space<vmem_shared>> -> memref<1280xf32, #tpu.memory_space<vmem_shared>>
      tpu.wait_dma2 semaphore(%run_scoped3A_92 : memref<!tpu.dma_semaphore, #tpu.memory_space<semaphore_mem>>) src(%dma_wait3A_102 : memref<1280xf32, #tpu.memory_space<vmem_shared>>) dst(%dma_wait3A_101 : memref<1280xf32, #tpu.memory_space<vmem>>)
      tpu.yield
    }) : () -> ()
    %mul3A_39 = arith.constant 1280 : i32
    %mul3A_40 = arith.muli %arg1, %mul3A_39 : i32
    %add3A_41 = arith.constant 102400 : i32
    %add3A_42 = arith.addi %add3A_41, %mul3A_40 : i32
    "tpu.region"() ({
      %run_scoped3A_92 = tpu.sem_alloc : memref<!tpu.dma_semaphore, #tpu.memory_space<semaphore_mem>>
      %dma_start3A = arith.constant 6400 : i32
      %dma_start3A_93 = tpu.memref_slice %arg8[%dma_start3A] : memref<20480xf32, #tpu.memory_space<vmem>> -> memref<1280xf32, #tpu.memory_space<vmem>>
      %dma_start3A_94 = tpu.memref_slice %arg10[%add3A_42] : memref<327680xf32, #tpu.memory_space<vmem_shared>> -> memref<1280xf32, #tpu.memory_space<vmem_shared>>
      %dma_start3A_95 = arith.constant 6400 : i32
      %dma_start3A_96 = tpu.memref_slice %arg8[%dma_start3A_95] : memref<20480xf32, #tpu.memory_space<vmem>> -> memref<1280xf32, #tpu.memory_space<vmem>>
      %dma_start3A_97 = tpu.memref_slice %arg10[%add3A_42] : memref<327680xf32, #tpu.memory_space<vmem_shared>> -> memref<1280xf32, #tpu.memory_space<vmem_shared>>
      tpu.enqueue_dma source(%dma_start3A_97 : memref<1280xf32, #tpu.memory_space<vmem_shared>>) target(%dma_start3A_96 : memref<1280xf32, #tpu.memory_space<vmem>>) target_semaphore(%run_scoped3A_92 : memref<!tpu.dma_semaphore, #tpu.memory_space<semaphore_mem>>)
      %dma_wait3A = arith.constant 6400 : i32
      %dma_wait3A_98 = tpu.memref_slice %arg8[%dma_wait3A] : memref<20480xf32, #tpu.memory_space<vmem>> -> memref<1280xf32, #tpu.memory_space<vmem>>
      %dma_wait3A_99 = tpu.memref_slice %arg10[%add3A_42] : memref<327680xf32, #tpu.memory_space<vmem_shared>> -> memref<1280xf32, #tpu.memory_space<vmem_shared>>
      %dma_wait3A_100 = arith.constant 6400 : i32
      %dma_wait3A_101 = tpu.memref_slice %arg8[%dma_wait3A_100] : memref<20480xf32, #tpu.memory_space<vmem>> -> memref<1280xf32, #tpu.memory_space<vmem>>
      %dma_wait3A_102 = tpu.memref_slice %arg10[%add3A_42] : memref<327680xf32, #tpu.memory_space<vmem_shared>> -> memref<1280xf32, #tpu.memory_space<vmem_shared>>
      tpu.wait_dma2 semaphore(%run_scoped3A_92 : memref<!tpu.dma_semaphore, #tpu.memory_space<semaphore_mem>>) src(%dma_wait3A_102 : memref<1280xf32, #tpu.memory_space<vmem_shared>>) dst(%dma_wait3A_101 : memref<1280xf32, #tpu.memory_space<vmem>>)
      tpu.yield
    }) : () -> ()
    %mul3A_43 = arith.constant 1280 : i32
    %mul3A_44 = arith.muli %arg1, %mul3A_43 : i32
    %add3A_45 = arith.constant 122880 : i32
    %add3A_46 = arith.addi %add3A_45, %mul3A_44 : i32
    "tpu.region"() ({
      %run_scoped3A_92 = tpu.sem_alloc : memref<!tpu.dma_semaphore, #tpu.memory_space<semaphore_mem>>
      %dma_start3A = arith.constant 7680 : i32
      %dma_start3A_93 = tpu.memref_slice %arg8[%dma_start3A] : memref<20480xf32, #tpu.memory_space<vmem>> -> memref<1280xf32, #tpu.memory_space<vmem>>
      %dma_start3A_94 = tpu.memref_slice %arg10[%add3A_46] : memref<327680xf32, #tpu.memory_space<vmem_shared>> -> memref<1280xf32, #tpu.memory_space<vmem_shared>>
      %dma_start3A_95 = arith.constant 7680 : i32
      %dma_start3A_96 = tpu.memref_slice %arg8[%dma_start3A_95] : memref<20480xf32, #tpu.memory_space<vmem>> -> memref<1280xf32, #tpu.memory_space<vmem>>
      %dma_start3A_97 = tpu.memref_slice %arg10[%add3A_46] : memref<327680xf32, #tpu.memory_space<vmem_shared>> -> memref<1280xf32, #tpu.memory_space<vmem_shared>>
      tpu.enqueue_dma source(%dma_start3A_97 : memref<1280xf32, #tpu.memory_space<vmem_shared>>) target(%dma_start3A_96 : memref<1280xf32, #tpu.memory_space<vmem>>) target_semaphore(%run_scoped3A_92 : memref<!tpu.dma_semaphore, #tpu.memory_space<semaphore_mem>>)
      %dma_wait3A = arith.constant 7680 : i32
      %dma_wait3A_98 = tpu.memref_slice %arg8[%dma_wait3A] : memref<20480xf32, #tpu.memory_space<vmem>> -> memref<1280xf32, #tpu.memory_space<vmem>>
      %dma_wait3A_99 = tpu.memref_slice %arg10[%add3A_46] : memref<327680xf32, #tpu.memory_space<vmem_shared>> -> memref<1280xf32, #tpu.memory_space<vmem_shared>>
      %dma_wait3A_100 = arith.constant 7680 : i32
      %dma_wait3A_101 = tpu.memref_slice %arg8[%dma_wait3A_100] : memref<20480xf32, #tpu.memory_space<vmem>> -> memref<1280xf32, #tpu.memory_space<vmem>>
      %dma_wait3A_102 = tpu.memref_slice %arg10[%add3A_46] : memref<327680xf32, #tpu.memory_space<vmem_shared>> -> memref<1280xf32, #tpu.memory_space<vmem_shared>>
      tpu.wait_dma2 semaphore(%run_scoped3A_92 : memref<!tpu.dma_semaphore, #tpu.memory_space<semaphore_mem>>) src(%dma_wait3A_102 : memref<1280xf32, #tpu.memory_space<vmem_shared>>) dst(%dma_wait3A_101 : memref<1280xf32, #tpu.memory_space<vmem>>)
      tpu.yield
    }) : () -> ()
    %mul3A_47 = arith.constant 1280 : i32
    %mul3A_48 = arith.muli %arg1, %mul3A_47 : i32
    %add3A_49 = arith.constant 143360 : i32
    %add3A_50 = arith.addi %add3A_49, %mul3A_48 : i32
    "tpu.region"() ({
      %run_scoped3A_92 = tpu.sem_alloc : memref<!tpu.dma_semaphore, #tpu.memory_space<semaphore_mem>>
      %dma_start3A = arith.constant 8960 : i32
      %dma_start3A_93 = tpu.memref_slice %arg8[%dma_start3A] : memref<20480xf32, #tpu.memory_space<vmem>> -> memref<1280xf32, #tpu.memory_space<vmem>>
      %dma_start3A_94 = tpu.memref_slice %arg10[%add3A_50] : memref<327680xf32, #tpu.memory_space<vmem_shared>> -> memref<1280xf32, #tpu.memory_space<vmem_shared>>
      %dma_start3A_95 = arith.constant 8960 : i32
      %dma_start3A_96 = tpu.memref_slice %arg8[%dma_start3A_95] : memref<20480xf32, #tpu.memory_space<vmem>> -> memref<1280xf32, #tpu.memory_space<vmem>>
      %dma_start3A_97 = tpu.memref_slice %arg10[%add3A_50] : memref<327680xf32, #tpu.memory_space<vmem_shared>> -> memref<1280xf32, #tpu.memory_space<vmem_shared>>
      tpu.enqueue_dma source(%dma_start3A_97 : memref<1280xf32, #tpu.memory_space<vmem_shared>>) target(%dma_start3A_96 : memref<1280xf32, #tpu.memory_space<vmem>>) target_semaphore(%run_scoped3A_92 : memref<!tpu.dma_semaphore, #tpu.memory_space<semaphore_mem>>)
      %dma_wait3A = arith.constant 8960 : i32
      %dma_wait3A_98 = tpu.memref_slice %arg8[%dma_wait3A] : memref<20480xf32, #tpu.memory_space<vmem>> -> memref<1280xf32, #tpu.memory_space<vmem>>
      %dma_wait3A_99 = tpu.memref_slice %arg10[%add3A_50] : memref<327680xf32, #tpu.memory_space<vmem_shared>> -> memref<1280xf32, #tpu.memory_space<vmem_shared>>
      %dma_wait3A_100 = arith.constant 8960 : i32
      %dma_wait3A_101 = tpu.memref_slice %arg8[%dma_wait3A_100] : memref<20480xf32, #tpu.memory_space<vmem>> -> memref<1280xf32, #tpu.memory_space<vmem>>
      %dma_wait3A_102 = tpu.memref_slice %arg10[%add3A_50] : memref<327680xf32, #tpu.memory_space<vmem_shared>> -> memref<1280xf32, #tpu.memory_space<vmem_shared>>
      tpu.wait_dma2 semaphore(%run_scoped3A_92 : memref<!tpu.dma_semaphore, #tpu.memory_space<semaphore_mem>>) src(%dma_wait3A_102 : memref<1280xf32, #tpu.memory_space<vmem_shared>>) dst(%dma_wait3A_101 : memref<1280xf32, #tpu.memory_space<vmem>>)
      tpu.yield
    }) : () -> ()
    %mul3A_51 = arith.constant 1280 : i32
    %mul3A_52 = arith.muli %arg1, %mul3A_51 : i32
    %add3A_53 = arith.constant 163840 : i32
    %add3A_54 = arith.addi %add3A_53, %mul3A_52 : i32
    "tpu.region"() ({
      %run_scoped3A_92 = tpu.sem_alloc : memref<!tpu.dma_semaphore, #tpu.memory_space<semaphore_mem>>
      %dma_start3A = arith.constant 10240 : i32
      %dma_start3A_93 = tpu.memref_slice %arg8[%dma_start3A] : memref<20480xf32, #tpu.memory_space<vmem>> -> memref<1280xf32, #tpu.memory_space<vmem>>
      %dma_start3A_94 = tpu.memref_slice %arg10[%add3A_54] : memref<327680xf32, #tpu.memory_space<vmem_shared>> -> memref<1280xf32, #tpu.memory_space<vmem_shared>>
      %dma_start3A_95 = arith.constant 10240 : i32
      %dma_start3A_96 = tpu.memref_slice %arg8[%dma_start3A_95] : memref<20480xf32, #tpu.memory_space<vmem>> -> memref<1280xf32, #tpu.memory_space<vmem>>
      %dma_start3A_97 = tpu.memref_slice %arg10[%add3A_54] : memref<327680xf32, #tpu.memory_space<vmem_shared>> -> memref<1280xf32, #tpu.memory_space<vmem_shared>>
      tpu.enqueue_dma source(%dma_start3A_97 : memref<1280xf32, #tpu.memory_space<vmem_shared>>) target(%dma_start3A_96 : memref<1280xf32, #tpu.memory_space<vmem>>) target_semaphore(%run_scoped3A_92 : memref<!tpu.dma_semaphore, #tpu.memory_space<semaphore_mem>>)
      %dma_wait3A = arith.constant 10240 : i32
      %dma_wait3A_98 = tpu.memref_slice %arg8[%dma_wait3A] : memref<20480xf32, #tpu.memory_space<vmem>> -> memref<1280xf32, #tpu.memory_space<vmem>>
      %dma_wait3A_99 = tpu.memref_slice %arg10[%add3A_54] : memref<327680xf32, #tpu.memory_space<vmem_shared>> -> memref<1280xf32, #tpu.memory_space<vmem_shared>>
      %dma_wait3A_100 = arith.constant 10240 : i32
      %dma_wait3A_101 = tpu.memref_slice %arg8[%dma_wait3A_100] : memref<20480xf32, #tpu.memory_space<vmem>> -> memref<1280xf32, #tpu.memory_space<vmem>>
      %dma_wait3A_102 = tpu.memref_slice %arg10[%add3A_54] : memref<327680xf32, #tpu.memory_space<vmem_shared>> -> memref<1280xf32, #tpu.memory_space<vmem_shared>>
      tpu.wait_dma2 semaphore(%run_scoped3A_92 : memref<!tpu.dma_semaphore, #tpu.memory_space<semaphore_mem>>) src(%dma_wait3A_102 : memref<1280xf32, #tpu.memory_space<vmem_shared>>) dst(%dma_wait3A_101 : memref<1280xf32, #tpu.memory_space<vmem>>)
      tpu.yield
    }) : () -> ()
    %mul3A_55 = arith.constant 1280 : i32
    %mul3A_56 = arith.muli %arg1, %mul3A_55 : i32
    %add3A_57 = arith.constant 184320 : i32
    %add3A_58 = arith.addi %add3A_57, %mul3A_56 : i32
    "tpu.region"() ({
      %run_scoped3A_92 = tpu.sem_alloc : memref<!tpu.dma_semaphore, #tpu.memory_space<semaphore_mem>>
      %dma_start3A = arith.constant 11520 : i32
      %dma_start3A_93 = tpu.memref_slice %arg8[%dma_start3A] : memref<20480xf32, #tpu.memory_space<vmem>> -> memref<1280xf32, #tpu.memory_space<vmem>>
      %dma_start3A_94 = tpu.memref_slice %arg10[%add3A_58] : memref<327680xf32, #tpu.memory_space<vmem_shared>> -> memref<1280xf32, #tpu.memory_space<vmem_shared>>
      %dma_start3A_95 = arith.constant 11520 : i32
      %dma_start3A_96 = tpu.memref_slice %arg8[%dma_start3A_95] : memref<20480xf32, #tpu.memory_space<vmem>> -> memref<1280xf32, #tpu.memory_space<vmem>>
      %dma_start3A_97 = tpu.memref_slice %arg10[%add3A_58] : memref<327680xf32, #tpu.memory_space<vmem_shared>> -> memref<1280xf32, #tpu.memory_space<vmem_shared>>
      tpu.enqueue_dma source(%dma_start3A_97 : memref<1280xf32, #tpu.memory_space<vmem_shared>>) target(%dma_start3A_96 : memref<1280xf32, #tpu.memory_space<vmem>>) target_semaphore(%run_scoped3A_92 : memref<!tpu.dma_semaphore, #tpu.memory_space<semaphore_mem>>)
      %dma_wait3A = arith.constant 11520 : i32
      %dma_wait3A_98 = tpu.memref_slice %arg8[%dma_wait3A] : memref<20480xf32, #tpu.memory_space<vmem>> -> memref<1280xf32, #tpu.memory_space<vmem>>
      %dma_wait3A_99 = tpu.memref_slice %arg10[%add3A_58] : memref<327680xf32, #tpu.memory_space<vmem_shared>> -> memref<1280xf32, #tpu.memory_space<vmem_shared>>
      %dma_wait3A_100 = arith.constant 11520 : i32
      %dma_wait3A_101 = tpu.memref_slice %arg8[%dma_wait3A_100] : memref<20480xf32, #tpu.memory_space<vmem>> -> memref<1280xf32, #tpu.memory_space<vmem>>
      %dma_wait3A_102 = tpu.memref_slice %arg10[%add3A_58] : memref<327680xf32, #tpu.memory_space<vmem_shared>> -> memref<1280xf32, #tpu.memory_space<vmem_shared>>
      tpu.wait_dma2 semaphore(%run_scoped3A_92 : memref<!tpu.dma_semaphore, #tpu.memory_space<semaphore_mem>>) src(%dma_wait3A_102 : memref<1280xf32, #tpu.memory_space<vmem_shared>>) dst(%dma_wait3A_101 : memref<1280xf32, #tpu.memory_space<vmem>>)
      tpu.yield
    }) : () -> ()
    %mul3A_59 = arith.constant 1280 : i32
    %mul3A_60 = arith.muli %arg1, %mul3A_59 : i32
    %add3A_61 = arith.constant 204800 : i32
    %add3A_62 = arith.addi %add3A_61, %mul3A_60 : i32
    "tpu.region"() ({
      %run_scoped3A_92 = tpu.sem_alloc : memref<!tpu.dma_semaphore, #tpu.memory_space<semaphore_mem>>
      %dma_start3A = arith.constant 12800 : i32
      %dma_start3A_93 = tpu.memref_slice %arg8[%dma_start3A] : memref<20480xf32, #tpu.memory_space<vmem>> -> memref<1280xf32, #tpu.memory_space<vmem>>
      %dma_start3A_94 = tpu.memref_slice %arg10[%add3A_62] : memref<327680xf32, #tpu.memory_space<vmem_shared>> -> memref<1280xf32, #tpu.memory_space<vmem_shared>>
      %dma_start3A_95 = arith.constant 12800 : i32
      %dma_start3A_96 = tpu.memref_slice %arg8[%dma_start3A_95] : memref<20480xf32, #tpu.memory_space<vmem>> -> memref<1280xf32, #tpu.memory_space<vmem>>
      %dma_start3A_97 = tpu.memref_slice %arg10[%add3A_62] : memref<327680xf32, #tpu.memory_space<vmem_shared>> -> memref<1280xf32, #tpu.memory_space<vmem_shared>>
      tpu.enqueue_dma source(%dma_start3A_97 : memref<1280xf32, #tpu.memory_space<vmem_shared>>) target(%dma_start3A_96 : memref<1280xf32, #tpu.memory_space<vmem>>) target_semaphore(%run_scoped3A_92 : memref<!tpu.dma_semaphore, #tpu.memory_space<semaphore_mem>>)
      %dma_wait3A = arith.constant 12800 : i32
      %dma_wait3A_98 = tpu.memref_slice %arg8[%dma_wait3A] : memref<20480xf32, #tpu.memory_space<vmem>> -> memref<1280xf32, #tpu.memory_space<vmem>>
      %dma_wait3A_99 = tpu.memref_slice %arg10[%add3A_62] : memref<327680xf32, #tpu.memory_space<vmem_shared>> -> memref<1280xf32, #tpu.memory_space<vmem_shared>>
      %dma_wait3A_100 = arith.constant 12800 : i32
      %dma_wait3A_101 = tpu.memref_slice %arg8[%dma_wait3A_100] : memref<20480xf32, #tpu.memory_space<vmem>> -> memref<1280xf32, #tpu.memory_space<vmem>>
      %dma_wait3A_102 = tpu.memref_slice %arg10[%add3A_62] : memref<327680xf32, #tpu.memory_space<vmem_shared>> -> memref<1280xf32, #tpu.memory_space<vmem_shared>>
      tpu.wait_dma2 semaphore(%run_scoped3A_92 : memref<!tpu.dma_semaphore, #tpu.memory_space<semaphore_mem>>) src(%dma_wait3A_102 : memref<1280xf32, #tpu.memory_space<vmem_shared>>) dst(%dma_wait3A_101 : memref<1280xf32, #tpu.memory_space<vmem>>)
      tpu.yield
    }) : () -> ()
    %mul3A_63 = arith.constant 1280 : i32
    %mul3A_64 = arith.muli %arg1, %mul3A_63 : i32
    %add3A_65 = arith.constant 225280 : i32
    %add3A_66 = arith.addi %add3A_65, %mul3A_64 : i32
    "tpu.region"() ({
      %run_scoped3A_92 = tpu.sem_alloc : memref<!tpu.dma_semaphore, #tpu.memory_space<semaphore_mem>>
      %dma_start3A = arith.constant 14080 : i32
      %dma_start3A_93 = tpu.memref_slice %arg8[%dma_start3A] : memref<20480xf32, #tpu.memory_space<vmem>> -> memref<1280xf32, #tpu.memory_space<vmem>>
      %dma_start3A_94 = tpu.memref_slice %arg10[%add3A_66] : memref<327680xf32, #tpu.memory_space<vmem_shared>> -> memref<1280xf32, #tpu.memory_space<vmem_shared>>
      %dma_start3A_95 = arith.constant 14080 : i32
      %dma_start3A_96 = tpu.memref_slice %arg8[%dma_start3A_95] : memref<20480xf32, #tpu.memory_space<vmem>> -> memref<1280xf32, #tpu.memory_space<vmem>>
      %dma_start3A_97 = tpu.memref_slice %arg10[%add3A_66] : memref<327680xf32, #tpu.memory_space<vmem_shared>> -> memref<1280xf32, #tpu.memory_space<vmem_shared>>
      tpu.enqueue_dma source(%dma_start3A_97 : memref<1280xf32, #tpu.memory_space<vmem_shared>>) target(%dma_start3A_96 : memref<1280xf32, #tpu.memory_space<vmem>>) target_semaphore(%run_scoped3A_92 : memref<!tpu.dma_semaphore, #tpu.memory_space<semaphore_mem>>)
      %dma_wait3A = arith.constant 14080 : i32
      %dma_wait3A_98 = tpu.memref_slice %arg8[%dma_wait3A] : memref<20480xf32, #tpu.memory_space<vmem>> -> memref<1280xf32, #tpu.memory_space<vmem>>
      %dma_wait3A_99 = tpu.memref_slice %arg10[%add3A_66] : memref<327680xf32, #tpu.memory_space<vmem_shared>> -> memref<1280xf32, #tpu.memory_space<vmem_shared>>
      %dma_wait3A_100 = arith.constant 14080 : i32
      %dma_wait3A_101 = tpu.memref_slice %arg8[%dma_wait3A_100] : memref<20480xf32, #tpu.memory_space<vmem>> -> memref<1280xf32, #tpu.memory_space<vmem>>
      %dma_wait3A_102 = tpu.memref_slice %arg10[%add3A_66] : memref<327680xf32, #tpu.memory_space<vmem_shared>> -> memref<1280xf32, #tpu.memory_space<vmem_shared>>
      tpu.wait_dma2 semaphore(%run_scoped3A_92 : memref<!tpu.dma_semaphore, #tpu.memory_space<semaphore_mem>>) src(%dma_wait3A_102 : memref<1280xf32, #tpu.memory_space<vmem_shared>>) dst(%dma_wait3A_101 : memref<1280xf32, #tpu.memory_space<vmem>>)
      tpu.yield
    }) : () -> ()
    %mul3A_67 = arith.constant 1280 : i32
    %mul3A_68 = arith.muli %arg1, %mul3A_67 : i32
    %add3A_69 = arith.constant 245760 : i32
    %add3A_70 = arith.addi %add3A_69, %mul3A_68 : i32
    "tpu.region"() ({
      %run_scoped3A_92 = tpu.sem_alloc : memref<!tpu.dma_semaphore, #tpu.memory_space<semaphore_mem>>
      %dma_start3A = arith.constant 15360 : i32
      %dma_start3A_93 = tpu.memref_slice %arg8[%dma_start3A] : memref<20480xf32, #tpu.memory_space<vmem>> -> memref<1280xf32, #tpu.memory_space<vmem>>
      %dma_start3A_94 = tpu.memref_slice %arg10[%add3A_70] : memref<327680xf32, #tpu.memory_space<vmem_shared>> -> memref<1280xf32, #tpu.memory_space<vmem_shared>>
      %dma_start3A_95 = arith.constant 15360 : i32
      %dma_start3A_96 = tpu.memref_slice %arg8[%dma_start3A_95] : memref<20480xf32, #tpu.memory_space<vmem>> -> memref<1280xf32, #tpu.memory_space<vmem>>
      %dma_start3A_97 = tpu.memref_slice %arg10[%add3A_70] : memref<327680xf32, #tpu.memory_space<vmem_shared>> -> memref<1280xf32, #tpu.memory_space<vmem_shared>>
      tpu.enqueue_dma source(%dma_start3A_97 : memref<1280xf32, #tpu.memory_space<vmem_shared>>) target(%dma_start3A_96 : memref<1280xf32, #tpu.memory_space<vmem>>) target_semaphore(%run_scoped3A_92 : memref<!tpu.dma_semaphore, #tpu.memory_space<semaphore_mem>>)
      %dma_wait3A = arith.constant 15360 : i32
      %dma_wait3A_98 = tpu.memref_slice %arg8[%dma_wait3A] : memref<20480xf32, #tpu.memory_space<vmem>> -> memref<1280xf32, #tpu.memory_space<vmem>>
      %dma_wait3A_99 = tpu.memref_slice %arg10[%add3A_70] : memref<327680xf32, #tpu.memory_space<vmem_shared>> -> memref<1280xf32, #tpu.memory_space<vmem_shared>>
      %dma_wait3A_100 = arith.constant 15360 : i32
      %dma_wait3A_101 = tpu.memref_slice %arg8[%dma_wait3A_100] : memref<20480xf32, #tpu.memory_space<vmem>> -> memref<1280xf32, #tpu.memory_space<vmem>>
      %dma_wait3A_102 = tpu.memref_slice %arg10[%add3A_70] : memref<327680xf32, #tpu.memory_space<vmem_shared>> -> memref<1280xf32, #tpu.memory_space<vmem_shared>>
      tpu.wait_dma2 semaphore(%run_scoped3A_92 : memref<!tpu.dma_semaphore, #tpu.memory_space<semaphore_mem>>) src(%dma_wait3A_102 : memref<1280xf32, #tpu.memory_space<vmem_shared>>) dst(%dma_wait3A_101 : memref<1280xf32, #tpu.memory_space<vmem>>)
      tpu.yield
    }) : () -> ()
    %mul3A_71 = arith.constant 1280 : i32
    %mul3A_72 = arith.muli %arg1, %mul3A_71 : i32
    %add3A_73 = arith.constant 266240 : i32
    %add3A_74 = arith.addi %add3A_73, %mul3A_72 : i32
    "tpu.region"() ({
      %run_scoped3A_92 = tpu.sem_alloc : memref<!tpu.dma_semaphore, #tpu.memory_space<semaphore_mem>>
      %dma_start3A = arith.constant 16640 : i32
      %dma_start3A_93 = tpu.memref_slice %arg8[%dma_start3A] : memref<20480xf32, #tpu.memory_space<vmem>> -> memref<1280xf32, #tpu.memory_space<vmem>>
      %dma_start3A_94 = tpu.memref_slice %arg10[%add3A_74] : memref<327680xf32, #tpu.memory_space<vmem_shared>> -> memref<1280xf32, #tpu.memory_space<vmem_shared>>
      %dma_start3A_95 = arith.constant 16640 : i32
      %dma_start3A_96 = tpu.memref_slice %arg8[%dma_start3A_95] : memref<20480xf32, #tpu.memory_space<vmem>> -> memref<1280xf32, #tpu.memory_space<vmem>>
      %dma_start3A_97 = tpu.memref_slice %arg10[%add3A_74] : memref<327680xf32, #tpu.memory_space<vmem_shared>> -> memref<1280xf32, #tpu.memory_space<vmem_shared>>
      tpu.enqueue_dma source(%dma_start3A_97 : memref<1280xf32, #tpu.memory_space<vmem_shared>>) target(%dma_start3A_96 : memref<1280xf32, #tpu.memory_space<vmem>>) target_semaphore(%run_scoped3A_92 : memref<!tpu.dma_semaphore, #tpu.memory_space<semaphore_mem>>)
      %dma_wait3A = arith.constant 16640 : i32
      %dma_wait3A_98 = tpu.memref_slice %arg8[%dma_wait3A] : memref<20480xf32, #tpu.memory_space<vmem>> -> memref<1280xf32, #tpu.memory_space<vmem>>
      %dma_wait3A_99 = tpu.memref_slice %arg10[%add3A_74] : memref<327680xf32, #tpu.memory_space<vmem_shared>> -> memref<1280xf32, #tpu.memory_space<vmem_shared>>
      %dma_wait3A_100 = arith.constant 16640 : i32
      %dma_wait3A_101 = tpu.memref_slice %arg8[%dma_wait3A_100] : memref<20480xf32, #tpu.memory_space<vmem>> -> memref<1280xf32, #tpu.memory_space<vmem>>
      %dma_wait3A_102 = tpu.memref_slice %arg10[%add3A_74] : memref<327680xf32, #tpu.memory_space<vmem_shared>> -> memref<1280xf32, #tpu.memory_space<vmem_shared>>
      tpu.wait_dma2 semaphore(%run_scoped3A_92 : memref<!tpu.dma_semaphore, #tpu.memory_space<semaphore_mem>>) src(%dma_wait3A_102 : memref<1280xf32, #tpu.memory_space<vmem_shared>>) dst(%dma_wait3A_101 : memref<1280xf32, #tpu.memory_space<vmem>>)
      tpu.yield
    }) : () -> ()
    %mul3A_75 = arith.constant 1280 : i32
    %mul3A_76 = arith.muli %arg1, %mul3A_75 : i32
    %add3A_77 = arith.constant 286720 : i32
    %add3A_78 = arith.addi %add3A_77, %mul3A_76 : i32
    "tpu.region"() ({
      %run_scoped3A_92 = tpu.sem_alloc : memref<!tpu.dma_semaphore, #tpu.memory_space<semaphore_mem>>
      %dma_start3A = arith.constant 17920 : i32
      %dma_start3A_93 = tpu.memref_slice %arg8[%dma_start3A] : memref<20480xf32, #tpu.memory_space<vmem>> -> memref<1280xf32, #tpu.memory_space<vmem>>
      %dma_start3A_94 = tpu.memref_slice %arg10[%add3A_78] : memref<327680xf32, #tpu.memory_space<vmem_shared>> -> memref<1280xf32, #tpu.memory_space<vmem_shared>>
      %dma_start3A_95 = arith.constant 17920 : i32
      %dma_start3A_96 = tpu.memref_slice %arg8[%dma_start3A_95] : memref<20480xf32, #tpu.memory_space<vmem>> -> memref<1280xf32, #tpu.memory_space<vmem>>
      %dma_start3A_97 = tpu.memref_slice %arg10[%add3A_78] : memref<327680xf32, #tpu.memory_space<vmem_shared>> -> memref<1280xf32, #tpu.memory_space<vmem_shared>>
      tpu.enqueue_dma source(%dma_start3A_97 : memref<1280xf32, #tpu.memory_space<vmem_shared>>) target(%dma_start3A_96 : memref<1280xf32, #tpu.memory_space<vmem>>) target_semaphore(%run_scoped3A_92 : memref<!tpu.dma_semaphore, #tpu.memory_space<semaphore_mem>>)
      %dma_wait3A = arith.constant 17920 : i32
      %dma_wait3A_98 = tpu.memref_slice %arg8[%dma_wait3A] : memref<20480xf32, #tpu.memory_space<vmem>> -> memref<1280xf32, #tpu.memory_space<vmem>>
      %dma_wait3A_99 = tpu.memref_slice %arg10[%add3A_78] : memref<327680xf32, #tpu.memory_space<vmem_shared>> -> memref<1280xf32, #tpu.memory_space<vmem_shared>>
      %dma_wait3A_100 = arith.constant 17920 : i32
      %dma_wait3A_101 = tpu.memref_slice %arg8[%dma_wait3A_100] : memref<20480xf32, #tpu.memory_space<vmem>> -> memref<1280xf32, #tpu.memory_space<vmem>>
      %dma_wait3A_102 = tpu.memref_slice %arg10[%add3A_78] : memref<327680xf32, #tpu.memory_space<vmem_shared>> -> memref<1280xf32, #tpu.memory_space<vmem_shared>>
      tpu.wait_dma2 semaphore(%run_scoped3A_92 : memref<!tpu.dma_semaphore, #tpu.memory_space<semaphore_mem>>) src(%dma_wait3A_102 : memref<1280xf32, #tpu.memory_space<vmem_shared>>) dst(%dma_wait3A_101 : memref<1280xf32, #tpu.memory_space<vmem>>)
      tpu.yield
    }) : () -> ()
    %mul3A_79 = arith.constant 1280 : i32
    %mul3A_80 = arith.muli %arg1, %mul3A_79 : i32
    %add3A_81 = arith.constant 307200 : i32
    %add3A_82 = arith.addi %add3A_81, %mul3A_80 : i32
    "tpu.region"() ({
      %run_scoped3A_92 = tpu.sem_alloc : memref<!tpu.dma_semaphore, #tpu.memory_space<semaphore_mem>>
      %dma_start3A = arith.constant 19200 : i32
      %dma_start3A_93 = tpu.memref_slice %arg8[%dma_start3A] : memref<20480xf32, #tpu.memory_space<vmem>> -> memref<1280xf32, #tpu.memory_space<vmem>>
      %dma_start3A_94 = tpu.memref_slice %arg10[%add3A_82] : memref<327680xf32, #tpu.memory_space<vmem_shared>> -> memref<1280xf32, #tpu.memory_space<vmem_shared>>
      %dma_start3A_95 = arith.constant 19200 : i32
      %dma_start3A_96 = tpu.memref_slice %arg8[%dma_start3A_95] : memref<20480xf32, #tpu.memory_space<vmem>> -> memref<1280xf32, #tpu.memory_space<vmem>>
      %dma_start3A_97 = tpu.memref_slice %arg10[%add3A_82] : memref<327680xf32, #tpu.memory_space<vmem_shared>> -> memref<1280xf32, #tpu.memory_space<vmem_shared>>
      tpu.enqueue_dma source(%dma_start3A_97 : memref<1280xf32, #tpu.memory_space<vmem_shared>>) target(%dma_start3A_96 : memref<1280xf32, #tpu.memory_space<vmem>>) target_semaphore(%run_scoped3A_92 : memref<!tpu.dma_semaphore, #tpu.memory_space<semaphore_mem>>)
      %dma_wait3A = arith.constant 19200 : i32
      %dma_wait3A_98 = tpu.memref_slice %arg8[%dma_wait3A] : memref<20480xf32, #tpu.memory_space<vmem>> -> memref<1280xf32, #tpu.memory_space<vmem>>
      %dma_wait3A_99 = tpu.memref_slice %arg10[%add3A_82] : memref<327680xf32, #tpu.memory_space<vmem_shared>> -> memref<1280xf32, #tpu.memory_space<vmem_shared>>
      %dma_wait3A_100 = arith.constant 19200 : i32
      %dma_wait3A_101 = tpu.memref_slice %arg8[%dma_wait3A_100] : memref<20480xf32, #tpu.memory_space<vmem>> -> memref<1280xf32, #tpu.memory_space<vmem>>
      %dma_wait3A_102 = tpu.memref_slice %arg10[%add3A_82] : memref<327680xf32, #tpu.memory_space<vmem_shared>> -> memref<1280xf32, #tpu.memory_space<vmem_shared>>
      tpu.wait_dma2 semaphore(%run_scoped3A_92 : memref<!tpu.dma_semaphore, #tpu.memory_space<semaphore_mem>>) src(%dma_wait3A_102 : memref<1280xf32, #tpu.memory_space<vmem_shared>>) dst(%dma_wait3A_101 : memref<1280xf32, #tpu.memory_space<vmem>>)
      tpu.yield
    }) : () -> ()
    %scan3A_83 = arith.constant 0 : i32
    %scan3A_84 = arith.constant 0 : i32
    %scan3A_85 = arith.constant 80 : i32
    %scan3A_86 = arith.addi %scan3A_84, %scan3A_85 : i32
    %scan3A_87 = arith.constant 1 : i32
    %scan3A_88 = scf.for %scan3A_92 = %scan3A_84 to %scan3A_86 step %scan3A_87 iter_args(%scan3A_93 = %scan3A_83) -> (i32)  : i32 {
      %mul3A_94 = arith.constant 16 : i32
      %mul3A_95 = arith.muli %scan3A_92, %mul3A_94 : i32
      %get3A = arith.index_cast %mul3A_95 : i32 to index
      %get3A_96 = tpu.vector_load %arg8[%get3A] {strides = array<i32>} : memref<20480xf32, #tpu.memory_space<vmem>>, vector<16xf32>,
      %mul3A_97 = arith.constant 16 : i32
      %mul3A_98 = arith.muli %scan3A_92, %mul3A_97 : i32
      %add3A_99 = arith.constant 1280 : i32
      %add3A_100 = arith.addi %add3A_99, %mul3A_98 : i32
      %get3A_101 = arith.index_cast %add3A_100 : i32 to index
      %get3A_102 = tpu.vector_load %arg8[%get3A_101] {strides = array<i32>} : memref<20480xf32, #tpu.memory_space<vmem>>, vector<16xf32>,
      %add3A_103 = arith.addf %get3A_96, %get3A_102 : vector<16xf32>
      %mul3A_104 = arith.constant 16 : i32
      %mul3A_105 = arith.muli %scan3A_92, %mul3A_104 : i32
      %add3A_106 = arith.constant 2560 : i32
      %add3A_107 = arith.addi %add3A_106, %mul3A_105 : i32
      %get3A_108 = arith.index_cast %add3A_107 : i32 to index
      %get3A_109 = tpu.vector_load %arg8[%get3A_108] {strides = array<i32>} : memref<20480xf32, #tpu.memory_space<vmem>>, vector<16xf32>,
      %add3A_110 = arith.addf %add3A_103, %get3A_109 : vector<16xf32>
      %mul3A_111 = arith.constant 16 : i32
      %mul3A_112 = arith.muli %scan3A_92, %mul3A_111 : i32
      %add3A_113 = arith.constant 3840 : i32
      %add3A_114 = arith.addi %add3A_113, %mul3A_112 : i32
      %get3A_115 = arith.index_cast %add3A_114 : i32 to index
      %get3A_116 = tpu.vector_load %arg8[%get3A_115] {strides = array<i32>} : memref<20480xf32, #tpu.memory_space<vmem>>, vector<16xf32>,
      %add3A_117 = arith.addf %add3A_110, %get3A_116 : vector<16xf32>
      %mul3A_118 = arith.constant 16 : i32
      %mul3A_119 = arith.muli %scan3A_92, %mul3A_118 : i32
      %add3A_120 = arith.constant 5120 : i32
      %add3A_121 = arith.addi %add3A_120, %mul3A_119 : i32
      %get3A_122 = arith.index_cast %add3A_121 : i32 to index
      %get3A_123 = tpu.vector_load %arg8[%get3A_122] {strides = array<i32>} : memref<20480xf32, #tpu.memory_space<vmem>>, vector<16xf32>,
      %add3A_124 = arith.addf %add3A_117, %get3A_123 : vector<16xf32>
      %mul3A_125 = arith.constant 16 : i32
      %mul3A_126 = arith.muli %scan3A_92, %mul3A_125 : i32
      %add3A_127 = arith.constant 6400 : i32
      %add3A_128 = arith.addi %add3A_127, %mul3A_126 : i32
      %get3A_129 = arith.index_cast %add3A_128 : i32 to index
      %get3A_130 = tpu.vector_load %arg8[%get3A_129] {strides = array<i32>} : memref<20480xf32, #tpu.memory_space<vmem>>, vector<16xf32>,
      %add3A_131 = arith.addf %add3A_124, %get3A_130 : vector<16xf32>
      %mul3A_132 = arith.constant 16 : i32
      %mul3A_133 = arith.muli %scan3A_92, %mul3A_132 : i32
      %add3A_134 = arith.constant 7680 : i32
      %add3A_135 = arith.addi %add3A_134, %mul3A_133 : i32
      %get3A_136 = arith.index_cast %add3A_135 : i32 to index
      %get3A_137 = tpu.vector_load %arg8[%get3A_136] {strides = array<i32>} : memref<20480xf32, #tpu.memory_space<vmem>>, vector<16xf32>,
      %add3A_138 = arith.addf %add3A_131, %get3A_137 : vector<16xf32>
      %mul3A_139 = arith.constant 16 : i32
      %mul3A_140 = arith.muli %scan3A_92, %mul3A_139 : i32
      %add3A_141 = arith.constant 8960 : i32
      %add3A_142 = arith.addi %add3A_141, %mul3A_140 : i32
      %get3A_143 = arith.index_cast %add3A_142 : i32 to index
      %get3A_144 = tpu.vector_load %arg8[%get3A_143] {strides = array<i32>} : memref<20480xf32, #tpu.memory_space<vmem>>, vector<16xf32>,
      %add3A_145 = arith.addf %add3A_138, %get3A_144 : vector<16xf32>
      %mul3A_146 = arith.constant 16 : i32
      %mul3A_147 = arith.muli %scan3A_92, %mul3A_146 : i32
      %add3A_148 = arith.constant 10240 : i32
      %add3A_149 = arith.addi %add3A_148, %mul3A_147 : i32
      %get3A_150 = arith.index_cast %add3A_149 : i32 to index
      %get3A_151 = tpu.vector_load %arg8[%get3A_150] {strides = array<i32>} : memref<20480xf32, #tpu.memory_space<vmem>>, vector<16xf32>,
      %add3A_152 = arith.addf %add3A_145, %get3A_151 : vector<16xf32>
      %mul3A_153 = arith.constant 16 : i32
      %mul3A_154 = arith.muli %scan3A_92, %mul3A_153 : i32
      %add3A_155 = arith.constant 11520 : i32
      %add3A_156 = arith.addi %add3A_155, %mul3A_154 : i32
      %get3A_157 = arith.index_cast %add3A_156 : i32 to index
      %get3A_158 = tpu.vector_load %arg8[%get3A_157] {strides = array<i32>} : memref<20480xf32, #tpu.memory_space<vmem>>, vector<16xf32>,
      %add3A_159 = arith.addf %add3A_152, %get3A_158 : vector<16xf32>
      %mul3A_160 = arith.constant 16 : i32
      %mul3A_161 = arith.muli %scan3A_92, %mul3A_160 : i32
      %add3A_162 = arith.constant 12800 : i32
      %add3A_163 = arith.addi %add3A_162, %mul3A_161 : i32
      %get3A_164 = arith.index_cast %add3A_163 : i32 to index
      %get3A_165 = tpu.vector_load %arg8[%get3A_164] {strides = array<i32>} : memref<20480xf32, #tpu.memory_space<vmem>>, vector<16xf32>,
      %add3A_166 = arith.addf %add3A_159, %get3A_165 : vector<16xf32>
      %mul3A_167 = arith.constant 16 : i32
      %mul3A_168 = arith.muli %scan3A_92, %mul3A_167 : i32
      %add3A_169 = arith.constant 14080 : i32
      %add3A_170 = arith.addi %add3A_169, %mul3A_168 : i32
      %get3A_171 = arith.index_cast %add3A_170 : i32 to index
      %get3A_172 = tpu.vector_load %arg8[%get3A_171] {strides = array<i32>} : memref<20480xf32, #tpu.memory_space<vmem>>, vector<16xf32>,
      %add3A_173 = arith.addf %add3A_166, %get3A_172 : vector<16xf32>
      %mul3A_174 = arith.constant 16 : i32
      %mul3A_175 = arith.muli %scan3A_92, %mul3A_174 : i32
      %add3A_176 = arith.constant 15360 : i32
      %add3A_177 = arith.addi %add3A_176, %mul3A_175 : i32
      %get3A_178 = arith.index_cast %add3A_177 : i32 to index
      %get3A_179 = tpu.vector_load %arg8[%get3A_178] {strides = array<i32>} : memref<20480xf32, #tpu.memory_space<vmem>>, vector<16xf32>,
      %add3A_180 = arith.addf %add3A_173, %get3A_179 : vector<16xf32>
      %mul3A_181 = arith.constant 16 : i32
      %mul3A_182 = arith.muli %scan3A_92, %mul3A_181 : i32
      %add3A_183 = arith.constant 16640 : i32
      %add3A_184 = arith.addi %add3A_183, %mul3A_182 : i32
      %get3A_185 = arith.index_cast %add3A_184 : i32 to index
      %get3A_186 = tpu.vector_load %arg8[%get3A_185] {strides = array<i32>} : memref<20480xf32, #tpu.memory_space<vmem>>, vector<16xf32>,
      %add3A_187 = arith.addf %add3A_180, %get3A_186 : vector<16xf32>
      %mul3A_188 = arith.constant 16 : i32
      %mul3A_189 = arith.muli %scan3A_92, %mul3A_188 : i32
      %add3A_190 = arith.constant 17920 : i32
      %add3A_191 = arith.addi %add3A_190, %mul3A_189 : i32
      %get3A_192 = arith.index_cast %add3A_191 : i32 to index
      %get3A_193 = tpu.vector_load %arg8[%get3A_192] {strides = array<i32>} : memref<20480xf32, #tpu.memory_space<vmem>>, vector<16xf32>,
      %add3A_194 = arith.addf %add3A_187, %get3A_193 : vector<16xf32>
      %mul3A_195 = arith.constant 16 : i32
      %mul3A_196 = arith.muli %scan3A_92, %mul3A_195 : i32
      %add3A_197 = arith.constant 19200 : i32
      %add3A_198 = arith.addi %add3A_197, %mul3A_196 : i32
      %get3A_199 = arith.index_cast %add3A_198 : i32 to index
      %get3A_200 = tpu.vector_load %arg8[%get3A_199] {strides = array<i32>} : memref<20480xf32, #tpu.memory_space<vmem>>, vector<16xf32>,
      %add3A_201 = arith.addf %add3A_194, %get3A_200 : vector<16xf32>
      %mul3A_202 = arith.constant 16 : i32
      %mul3A_203 = arith.muli %scan3A_92, %mul3A_202 : i32
      %swap3A = arith.index_cast %mul3A_203 : i32 to index
      %swap3A_204 = tpu.vector_load %arg9[%swap3A] {strides = array<i32>} : memref<1280xf32, #tpu.memory_space<vmem>>, vector<16xf32>,
      tpu.vector_store %arg9[%swap3A], %add3A_201 {strides = array<i32>} : memref<1280xf32, #tpu.memory_space<vmem>>, vector<16xf32>,
      %scan3A_205 = arith.constant 0 : i32
      scf.yield %scan3A_205 : i32
    }
    %scan3A_89 = arith.constant 80 : i32
    %mul3A_90 = arith.constant 1280 : i32
    %mul3A_91 = arith.muli %arg1, %mul3A_90 : i32
    %run_scoped3A = arith.constant 0 : i32
    "tpu.region"() ({
      %run_scoped3A_92 = tpu.sem_alloc : memref<!tpu.dma_semaphore, #tpu.memory_space<semaphore_mem>>
      %dma_start3A = tpu.memref_slice %arg4[%arg0, %run_scoped3A, %mul3A_91] : memref<2x1x20480xf32, #tpu.memory_space<hbm>> -> memref<1x1x1280xf32, #tpu.memory_space<hbm>>
      %dma_start3A_93 = tpu.memref_squeeze %dma_start3A : memref<1x1x1280xf32, #tpu.memory_space<hbm>> -> memref<1280xf32, #tpu.memory_space<hbm>>
      %dma_start3A_94 = tpu.memref_slice %arg4[%arg0, %run_scoped3A, %mul3A_91] : memref<2x1x20480xf32, #tpu.memory_space<hbm>> -> memref<1x1x1280xf32, #tpu.memory_space<hbm>>
      %dma_start3A_95 = tpu.memref_squeeze %dma_start3A_94 : memref<1x1x1280xf32, #tpu.memory_space<hbm>> -> memref<1280xf32, #tpu.memory_space<hbm>>
      tpu.enqueue_dma source(%arg9 : memref<1280xf32, #tpu.memory_space<vmem>>) target(%dma_start3A_95 : memref<1280xf32, #tpu.memory_space<hbm>>) target_semaphore(%run_scoped3A_92 : memref<!tpu.dma_semaphore, #tpu.memory_space<semaphore_mem>>)
      %dma_wait3A = tpu.memref_slice %arg4[%arg0, %run_scoped3A, %mul3A_91] : memref<2x1x20480xf32, #tpu.memory_space<hbm>> -> memref<1x1x1280xf32, #tpu.memory_space<hbm>>
      %dma_wait3A_96 = tpu.memref_squeeze %dma_wait3A : memref<1x1x1280xf32, #tpu.memory_space<hbm>> -> memref<1280xf32, #tpu.memory_space<hbm>>
      %dma_wait3A_97 = tpu.memref_slice %arg4[%arg0, %run_scoped3A, %mul3A_91] : memref<2x1x20480xf32, #tpu.memory_space<hbm>> -> memref<1x1x1280xf32, #tpu.memory_space<hbm>>
      %dma_wait3A_98 = tpu.memref_squeeze %dma_wait3A_97 : memref<1x1x1280xf32, #tpu.memory_space<hbm>> -> memref<1280xf32, #tpu.memory_space<hbm>>
      tpu.wait_dma2 semaphore(%run_scoped3A_92 : memref<!tpu.dma_semaphore, #tpu.memory_space<semaphore_mem>>) src(%arg9 : memref<1280xf32, #tpu.memory_space<vmem>>) dst(%dma_wait3A_98 : memref<1280xf32, #tpu.memory_space<hbm>>)
      tpu.yield
    }) : () -> ()
    return
  }
}

#map = affine_map<(d0, d1) -> (0, 0, 0)>
module attributes {stable_mosaic.version = 14 : i64} {
  func.func @_edge_body(%arg0: i32, %arg1: i32, %arg2: memref<2x10000x64xf32, #tpu.memory_space<hbm>>, %arg3: memref<16x250x80xi32, #tpu.memory_space<hbm>>, %arg4: memref<16x250x80xi32, #tpu.memory_space<hbm>>, %arg5: memref<2x10000x64xf32, #tpu.memory_space<hbm>>, %arg6: memref<250x80xi32, #tpu.memory_space<vmem>>, %arg7: memref<250x80xi32, #tpu.memory_space<vmem>>, %arg8: memref<6x80x64xf32, #tpu.memory_space<vmem>>, %arg9: memref<16x64xf32, #tpu.memory_space<vmem>>, %arg10: memref<10000x64xf32, #tpu.memory_space<vmem_shared>>, %arg11: memref<6x!tpu.dma_semaphore, #tpu.memory_space<semaphore_mem>>, %arg12: memref<6x!tpu.dma_semaphore, #tpu.memory_space<semaphore_mem>>) attributes {dimension_semantics = [#tpu.dimension_semantics<core_parallel>, #tpu.dimension_semantics<subcore_parallel>], iteration_bounds = array<i64: 2, 16>, scalar_prefetch = 0 : i64, scratch_operands = 7 : i64, tpu.core_type = #tpu.core_type<sc_vector_subcore>, window_params = [{transform_indices = #map}, {transform_indices = #map}, {transform_indices = #map}, {transform_indices = #map}]} {
    "tpu.region"() ({
      %run_scoped3A = tpu.sem_alloc : memref<!tpu.dma_semaphore, #tpu.memory_space<semaphore_mem>>
      %dma_start3A_132 = arith.constant 0 : i32
      %dma_start3A_133 = arith.constant 0 : i32
      %dma_start3A_134 = tpu.memref_slice %arg3[%arg1, %dma_start3A_132, %dma_start3A_133] : memref<16x250x80xi32, #tpu.memory_space<hbm>> -> memref<1x250x80xi32, #tpu.memory_space<hbm>>
      %dma_start3A_135 = tpu.memref_squeeze %dma_start3A_134 : memref<1x250x80xi32, #tpu.memory_space<hbm>> -> memref<250x80xi32, #tpu.memory_space<hbm>>
      %dma_start3A_136 = arith.constant 0 : i32
      %dma_start3A_137 = arith.constant 0 : i32
      %dma_start3A_138 = tpu.memref_slice %arg3[%arg1, %dma_start3A_136, %dma_start3A_137] : memref<16x250x80xi32, #tpu.memory_space<hbm>> -> memref<1x250x80xi32, #tpu.memory_space<hbm>>
      %dma_start3A_139 = tpu.memref_squeeze %dma_start3A_138 : memref<1x250x80xi32, #tpu.memory_space<hbm>> -> memref<250x80xi32, #tpu.memory_space<hbm>>
      tpu.enqueue_dma source(%dma_start3A_139 : memref<250x80xi32, #tpu.memory_space<hbm>>) target(%arg6 : memref<250x80xi32, #tpu.memory_space<vmem>>) target_semaphore(%run_scoped3A : memref<!tpu.dma_semaphore, #tpu.memory_space<semaphore_mem>>)
      %dma_wait3A_140 = arith.constant 0 : i32
      %dma_wait3A_141 = arith.constant 0 : i32
      %dma_wait3A_142 = tpu.memref_slice %arg3[%arg1, %dma_wait3A_140, %dma_wait3A_141] : memref<16x250x80xi32, #tpu.memory_space<hbm>> -> memref<1x250x80xi32, #tpu.memory_space<hbm>>
      %dma_wait3A_143 = tpu.memref_squeeze %dma_wait3A_142 : memref<1x250x80xi32, #tpu.memory_space<hbm>> -> memref<250x80xi32, #tpu.memory_space<hbm>>
      %dma_wait3A_144 = arith.constant 0 : i32
      %dma_wait3A_145 = arith.constant 0 : i32
      %dma_wait3A_146 = tpu.memref_slice %arg3[%arg1, %dma_wait3A_144, %dma_wait3A_145] : memref<16x250x80xi32, #tpu.memory_space<hbm>> -> memref<1x250x80xi32, #tpu.memory_space<hbm>>
      %dma_wait3A_147 = tpu.memref_squeeze %dma_wait3A_146 : memref<1x250x80xi32, #tpu.memory_space<hbm>> -> memref<250x80xi32, #tpu.memory_space<hbm>>
      tpu.wait_dma2 semaphore(%run_scoped3A : memref<!tpu.dma_semaphore, #tpu.memory_space<semaphore_mem>>) src(%dma_wait3A_147 : memref<250x80xi32, #tpu.memory_space<hbm>>) dst(%arg6 : memref<250x80xi32, #tpu.memory_space<vmem>>)
      tpu.yield
    }) : () -> ()
    "tpu.region"() ({
      %run_scoped3A = tpu.sem_alloc : memref<!tpu.dma_semaphore, #tpu.memory_space<semaphore_mem>>
      %dma_start3A_132 = arith.constant 0 : i32
      %dma_start3A_133 = arith.constant 0 : i32
      %dma_start3A_134 = tpu.memref_slice %arg4[%arg1, %dma_start3A_132, %dma_start3A_133] : memref<16x250x80xi32, #tpu.memory_space<hbm>> -> memref<1x250x80xi32, #tpu.memory_space<hbm>>
      %dma_start3A_135 = tpu.memref_squeeze %dma_start3A_134 : memref<1x250x80xi32, #tpu.memory_space<hbm>> -> memref<250x80xi32, #tpu.memory_space<hbm>>
      %dma_start3A_136 = arith.constant 0 : i32
      %dma_start3A_137 = arith.constant 0 : i32
      %dma_start3A_138 = tpu.memref_slice %arg4[%arg1, %dma_start3A_136, %dma_start3A_137] : memref<16x250x80xi32, #tpu.memory_space<hbm>> -> memref<1x250x80xi32, #tpu.memory_space<hbm>>
      %dma_start3A_139 = tpu.memref_squeeze %dma_start3A_138 : memref<1x250x80xi32, #tpu.memory_space<hbm>> -> memref<250x80xi32, #tpu.memory_space<hbm>>
      tpu.enqueue_dma source(%dma_start3A_139 : memref<250x80xi32, #tpu.memory_space<hbm>>) target(%arg7 : memref<250x80xi32, #tpu.memory_space<vmem>>) target_semaphore(%run_scoped3A : memref<!tpu.dma_semaphore, #tpu.memory_space<semaphore_mem>>)
      %dma_wait3A_140 = arith.constant 0 : i32
      %dma_wait3A_141 = arith.constant 0 : i32
      %dma_wait3A_142 = tpu.memref_slice %arg4[%arg1, %dma_wait3A_140, %dma_wait3A_141] : memref<16x250x80xi32, #tpu.memory_space<hbm>> -> memref<1x250x80xi32, #tpu.memory_space<hbm>>
      %dma_wait3A_143 = tpu.memref_squeeze %dma_wait3A_142 : memref<1x250x80xi32, #tpu.memory_space<hbm>> -> memref<250x80xi32, #tpu.memory_space<hbm>>
      %dma_wait3A_144 = arith.constant 0 : i32
      %dma_wait3A_145 = arith.constant 0 : i32
      %dma_wait3A_146 = tpu.memref_slice %arg4[%arg1, %dma_wait3A_144, %dma_wait3A_145] : memref<16x250x80xi32, #tpu.memory_space<hbm>> -> memref<1x250x80xi32, #tpu.memory_space<hbm>>
      %dma_wait3A_147 = tpu.memref_squeeze %dma_wait3A_146 : memref<1x250x80xi32, #tpu.memory_space<hbm>> -> memref<250x80xi32, #tpu.memory_space<hbm>>
      tpu.wait_dma2 semaphore(%run_scoped3A : memref<!tpu.dma_semaphore, #tpu.memory_space<semaphore_mem>>) src(%dma_wait3A_147 : memref<250x80xi32, #tpu.memory_space<hbm>>) dst(%arg7 : memref<250x80xi32, #tpu.memory_space<vmem>>)
      tpu.yield
    }) : () -> ()
    %broadcast_in_dim3A = arith.constant 0.000000e+00 : f32
    %broadcast_in_dim3A_0 = vector.broadcast %broadcast_in_dim3A : f32 to vector<16xf32>
    %scan3A = arith.constant 0 : i32
    %scan3A_1 = arith.constant 0 : i32
    %scan3A_2 = arith.constant 16 : i32
    %scan3A_3 = arith.addi %scan3A_1, %scan3A_2 : i32
    %scan3A_4 = arith.constant 1 : i32
    %scan3A_5 = scf.for %scan3A_132 = %scan3A_1 to %scan3A_3 step %scan3A_4 iter_args(%scan3A_133 = %scan3A) -> (i32)  : i32 {
      %swap3A = arith.index_cast %scan3A_132 : i32 to index
      %swap3A_134 = arith.constant 0 : index
      %swap3A_135 = tpu.vector_load %arg9[%swap3A, %swap3A_134] {strides = array<i32>} : memref<16x64xf32, #tpu.memory_space<vmem>>, vector<16xf32>,
      tpu.vector_store %arg9[%swap3A, %swap3A_134], %broadcast_in_dim3A_0 {strides = array<i32>} : memref<16x64xf32, #tpu.memory_space<vmem>>, vector<16xf32>,
      %swap3A_136 = arith.index_cast %scan3A_132 : i32 to index
      %swap3A_137 = arith.constant 16 : index
      %swap3A_138 = tpu.vector_load %arg9[%swap3A_136, %swap3A_137] {strides = array<i32>} : memref<16x64xf32, #tpu.memory_space<vmem>>, vector<16xf32>,
      tpu.vector_store %arg9[%swap3A_136, %swap3A_137], %broadcast_in_dim3A_0 {strides = array<i32>} : memref<16x64xf32, #tpu.memory_space<vmem>>, vector<16xf32>,
      %swap3A_139 = arith.index_cast %scan3A_132 : i32 to index
      %swap3A_140 = arith.constant 32 : index
      %swap3A_141 = tpu.vector_load %arg9[%swap3A_139, %swap3A_140] {strides = array<i32>} : memref<16x64xf32, #tpu.memory_space<vmem>>, vector<16xf32>,
      tpu.vector_store %arg9[%swap3A_139, %swap3A_140], %broadcast_in_dim3A_0 {strides = array<i32>} : memref<16x64xf32, #tpu.memory_space<vmem>>, vector<16xf32>,
      %swap3A_142 = arith.index_cast %scan3A_132 : i32 to index
      %swap3A_143 = arith.constant 48 : index
      %swap3A_144 = tpu.vector_load %arg9[%swap3A_142, %swap3A_143] {strides = array<i32>} : memref<16x64xf32, #tpu.memory_space<vmem>>, vector<16xf32>,
      tpu.vector_store %arg9[%swap3A_142, %swap3A_143], %broadcast_in_dim3A_0 {strides = array<i32>} : memref<16x64xf32, #tpu.memory_space<vmem>>, vector<16xf32>,
      %scan3A_145 = arith.constant 0 : i32
      scf.yield %scan3A_145 : i32
    }
    %scan3A_6 = arith.constant 16 : i32
    %scan3A_7 = arith.constant 0 : i32
    %scan3A_8 = arith.constant 0 : i32
    %scan3A_9 = arith.constant 39 : i32
    %scan3A_10 = arith.addi %scan3A_8, %scan3A_9 : i32
    %scan3A_11 = arith.constant 1 : i32
    %scan3A_12 = scf.for %scan3A_132 = %scan3A_8 to %scan3A_10 step %scan3A_11 iter_args(%scan3A_133 = %scan3A_7) -> (i32)  : i32 {
      %mul3A_134 = arith.constant 624 : i32
      %mul3A_135 = arith.muli %arg1, %mul3A_134 : i32
      %mul3A_136 = arith.constant 16 : i32
      %mul3A_137 = arith.muli %scan3A_132, %mul3A_136 : i32
      %add3A = arith.addi %mul3A_135, %mul3A_137 : i32
      "tpu.region"() ({
        %run_scoped3A = tpu.sem_alloc : memref<!tpu.dma_semaphore, #tpu.memory_space<semaphore_mem>>
        %dma_start3A_139 = arith.constant 0 : i32
        %dma_start3A_140 = tpu.memref_slice %arg10[%add3A, %dma_start3A_139] : memref<10000x64xf32, #tpu.memory_space<vmem_shared>> -> memref<16x64xf32, #tpu.memory_space<vmem_shared>>
        %dma_start3A_141 = arith.constant 0 : i32
        %dma_start3A_142 = tpu.memref_slice %arg10[%add3A, %dma_start3A_141] : memref<10000x64xf32, #tpu.memory_space<vmem_shared>> -> memref<16x64xf32, #tpu.memory_space<vmem_shared>>
        tpu.enqueue_dma source(%arg9 : memref<16x64xf32, #tpu.memory_space<vmem>>) target(%dma_start3A_142 : memref<16x64xf32, #tpu.memory_space<vmem_shared>>) target_semaphore(%run_scoped3A : memref<!tpu.dma_semaphore, #tpu.memory_space<semaphore_mem>>)
        %dma_wait3A_143 = arith.constant 0 : i32
        %dma_wait3A_144 = tpu.memref_slice %arg10[%add3A, %dma_wait3A_143] : memref<10000x64xf32, #tpu.memory_space<vmem_shared>> -> memref<16x64xf32, #tpu.memory_space<vmem_shared>>
        %dma_wait3A_145 = arith.constant 0 : i32
        %dma_wait3A_146 = tpu.memref_slice %arg10[%add3A, %dma_wait3A_145] : memref<10000x64xf32, #tpu.memory_space<vmem_shared>> -> memref<16x64xf32, #tpu.memory_space<vmem_shared>>
        tpu.wait_dma2 semaphore(%run_scoped3A : memref<!tpu.dma_semaphore, #tpu.memory_space<semaphore_mem>>) src(%arg9 : memref<16x64xf32, #tpu.memory_space<vmem>>) dst(%dma_wait3A_146 : memref<16x64xf32, #tpu.memory_space<vmem_shared>>)
        tpu.yield
      }) : () -> ()
      %scan3A_138 = arith.constant 0 : i32
      scf.yield %scan3A_138 : i32
    }
    %scan3A_13 = arith.constant 39 : i32
    %eq3A = arith.constant 15 : i32
    %eq3A_14 = arith.cmpi eq, %arg1, %eq3A : i32
    %convert_element_type3A = arith.extui %eq3A_14 : i1 to i32
    %cond3A = arith.constant 0 : i32
    %cond3A_15 = arith.cmpi ne, %convert_element_type3A, %cond3A : i32
    scf.if %cond3A_15 {
      "tpu.region"() ({
        %run_scoped3A = tpu.sem_alloc : memref<!tpu.dma_semaphore, #tpu.memory_space<semaphore_mem>>
        %dma_start3A_132 = arith.constant 9984 : i32
        %dma_start3A_133 = arith.constant 0 : i32
        %dma_start3A_134 = tpu.memref_slice %arg10[%dma_start3A_132, %dma_start3A_133] : memref<10000x64xf32, #tpu.memory_space<vmem_shared>> -> memref<16x64xf32, #tpu.memory_space<vmem_shared>>
        %dma_start3A_135 = arith.constant 9984 : i32
        %dma_start3A_136 = arith.constant 0 : i32
        %dma_start3A_137 = tpu.memref_slice %arg10[%dma_start3A_135, %dma_start3A_136] : memref<10000x64xf32, #tpu.memory_space<vmem_shared>> -> memref<16x64xf32, #tpu.memory_space<vmem_shared>>
        tpu.enqueue_dma source(%arg9 : memref<16x64xf32, #tpu.memory_space<vmem>>) target(%dma_start3A_137 : memref<16x64xf32, #tpu.memory_space<vmem_shared>>) target_semaphore(%run_scoped3A : memref<!tpu.dma_semaphore, #tpu.memory_space<semaphore_mem>>)
        %dma_wait3A_138 = arith.constant 9984 : i32
        %dma_wait3A_139 = arith.constant 0 : i32
        %dma_wait3A_140 = tpu.memref_slice %arg10[%dma_wait3A_138, %dma_wait3A_139] : memref<10000x64xf32, #tpu.memory_space<vmem_shared>> -> memref<16x64xf32, #tpu.memory_space<vmem_shared>>
        %dma_wait3A_141 = arith.constant 9984 : i32
        %dma_wait3A_142 = arith.constant 0 : i32
        %dma_wait3A_143 = tpu.memref_slice %arg10[%dma_wait3A_141, %dma_wait3A_142] : memref<10000x64xf32, #tpu.memory_space<vmem_shared>> -> memref<16x64xf32, #tpu.memory_space<vmem_shared>>
        tpu.wait_dma2 semaphore(%run_scoped3A : memref<!tpu.dma_semaphore, #tpu.memory_space<semaphore_mem>>) src(%arg9 : memref<16x64xf32, #tpu.memory_space<vmem>>) dst(%dma_wait3A_143 : memref<16x64xf32, #tpu.memory_space<vmem_shared>>)
        tpu.yield
      }) : () -> ()
    } else {
    }
    %barrier3A = arith.constant 0 : index
    tpu.barrier barrier_id(%barrier3A)
    %dma_start3A = arith.constant 0 : i32
    %dma_start3A_16 = arith.constant 0 : i32
    %dma_start3A_17 = arith.constant 0 : i32
    %dma_start3A_18 = arith.constant 0 : i32
    %dma_start3A_19 = arith.constant 0 : i32
    %dma_start3A_20 = tpu.memref_slice %arg8[%dma_start3A_16, %dma_start3A_18, %dma_start3A_19] : memref<6x80x64xf32, #tpu.memory_space<vmem>> -> memref<1x80x64xf32, #tpu.memory_space<vmem>>
    %dma_start3A_21 = tpu.memref_squeeze %dma_start3A_20 : memref<1x80x64xf32, #tpu.memory_space<vmem>> -> memref<80x64xf32, #tpu.memory_space<vmem>>
    %dma_start3A_22 = arith.constant 0 : i32
    %dma_start3A_23 = tpu.memref_slice %arg6[%dma_start3A, %dma_start3A_22] : memref<250x80xi32, #tpu.memory_space<vmem>> -> memref<1x80xi32, #tpu.memory_space<vmem>>
    %dma_start3A_24 = tpu.memref_squeeze %dma_start3A_23 : memref<1x80xi32, #tpu.memory_space<vmem>> -> memref<80xi32, #tpu.memory_space<vmem>>
    %dma_start3A_25 = arith.constant 0 : i32
    %dma_start3A_26 = arith.constant 0 : i32
    %dma_start3A_27 = tpu.memref_slice %arg2[%arg0, %dma_start3A_25, %dma_start3A_26] : memref<2x10000x64xf32, #tpu.memory_space<hbm>> -> memref<1x10000x64xf32, #tpu.memory_space<hbm>>
    %dma_start3A_28 = tpu.memref_squeeze %dma_start3A_27 : memref<1x10000x64xf32, #tpu.memory_space<hbm>> -> memref<10000x64xf32, #tpu.memory_space<hbm>>
    %dma_start3A_29 = arith.constant 0 : i32
    %dma_start3A_30 = arith.constant 0 : i32
    %dma_start3A_31 = tpu.memref_slice %dma_start3A_28[%dma_start3A_29, %dma_start3A_30] : memref<10000x64xf32, #tpu.memory_space<hbm>> -> memref<10000x64xf32, #tpu.memory_space<hbm>>
    %dma_start3A_32 = tpu.memref_slice %arg11[%dma_start3A_17] : memref<6x!tpu.dma_semaphore, #tpu.memory_space<semaphore_mem>> -> memref<1x!tpu.dma_semaphore, #tpu.memory_space<semaphore_mem>>
    %dma_start3A_33 = tpu.memref_squeeze %dma_start3A_32 : memref<1x!tpu.dma_semaphore, #tpu.memory_space<semaphore_mem>> -> memref<!tpu.dma_semaphore, #tpu.memory_space<semaphore_mem>>
    tpu.enqueue_indirect_dma source(%dma_start3A_31 : memref<10000x64xf32, #tpu.memory_space<hbm>>) target(%dma_start3A_21 : memref<80x64xf32, #tpu.memory_space<vmem>>) offsets(%dma_start3A_24 : memref<80xi32, #tpu.memory_space<vmem>>) semaphore(%dma_start3A_33 : memref<!tpu.dma_semaphore, #tpu.memory_space<semaphore_mem>>)
    %dma_start3A_34 = arith.constant 1 : i32
    %dma_start3A_35 = arith.constant 1 : i32
    %dma_start3A_36 = arith.constant 1 : i32
    %dma_start3A_37 = arith.constant 0 : i32
    %dma_start3A_38 = arith.constant 0 : i32
    %dma_start3A_39 = tpu.memref_slice %arg8[%dma_start3A_35, %dma_start3A_37, %dma_start3A_38] : memref<6x80x64xf32, #tpu.memory_space<vmem>> -> memref<1x80x64xf32, #tpu.memory_space<vmem>>
    %dma_start3A_40 = tpu.memref_squeeze %dma_start3A_39 : memref<1x80x64xf32, #tpu.memory_space<vmem>> -> memref<80x64xf32, #tpu.memory_space<vmem>>
    %dma_start3A_41 = arith.constant 0 : i32
    %dma_start3A_42 = tpu.memref_slice %arg6[%dma_start3A_34, %dma_start3A_41] : memref<250x80xi32, #tpu.memory_space<vmem>> -> memref<1x80xi32, #tpu.memory_space<vmem>>
    %dma_start3A_43 = tpu.memref_squeeze %dma_start3A_42 : memref<1x80xi32, #tpu.memory_space<vmem>> -> memref<80xi32, #tpu.memory_space<vmem>>
    %dma_start3A_44 = arith.constant 0 : i32
    %dma_start3A_45 = arith.constant 0 : i32
    %dma_start3A_46 = tpu.memref_slice %arg2[%arg0, %dma_start3A_44, %dma_start3A_45] : memref<2x10000x64xf32, #tpu.memory_space<hbm>> -> memref<1x10000x64xf32, #tpu.memory_space<hbm>>
    %dma_start3A_47 = tpu.memref_squeeze %dma_start3A_46 : memref<1x10000x64xf32, #tpu.memory_space<hbm>> -> memref<10000x64xf32, #tpu.memory_space<hbm>>
    %dma_start3A_48 = arith.constant 0 : i32
    %dma_start3A_49 = arith.constant 0 : i32
    %dma_start3A_50 = tpu.memref_slice %dma_start3A_47[%dma_start3A_48, %dma_start3A_49] : memref<10000x64xf32, #tpu.memory_space<hbm>> -> memref<10000x64xf32, #tpu.memory_space<hbm>>
    %dma_start3A_51 = tpu.memref_slice %arg11[%dma_start3A_36] : memref<6x!tpu.dma_semaphore, #tpu.memory_space<semaphore_mem>> -> memref<1x!tpu.dma_semaphore, #tpu.memory_space<semaphore_mem>>
    %dma_start3A_52 = tpu.memref_squeeze %dma_start3A_51 : memref<1x!tpu.dma_semaphore, #tpu.memory_space<semaphore_mem>> -> memref<!tpu.dma_semaphore, #tpu.memory_space<semaphore_mem>>
    tpu.enqueue_indirect_dma source(%dma_start3A_50 : memref<10000x64xf32, #tpu.memory_space<hbm>>) target(%dma_start3A_40 : memref<80x64xf32, #tpu.memory_space<vmem>>) offsets(%dma_start3A_43 : memref<80xi32, #tpu.memory_space<vmem>>) semaphore(%dma_start3A_52 : memref<!tpu.dma_semaphore, #tpu.memory_space<semaphore_mem>>)
    %dma_start3A_53 = arith.constant 2 : i32
    %dma_start3A_54 = arith.constant 2 : i32
    %dma_start3A_55 = arith.constant 2 : i32
    %dma_start3A_56 = arith.constant 0 : i32
    %dma_start3A_57 = arith.constant 0 : i32
    %dma_start3A_58 = tpu.memref_slice %arg8[%dma_start3A_54, %dma_start3A_56, %dma_start3A_57] : memref<6x80x64xf32, #tpu.memory_space<vmem>> -> memref<1x80x64xf32, #tpu.memory_space<vmem>>
    %dma_start3A_59 = tpu.memref_squeeze %dma_start3A_58 : memref<1x80x64xf32, #tpu.memory_space<vmem>> -> memref<80x64xf32, #tpu.memory_space<vmem>>
    %dma_start3A_60 = arith.constant 0 : i32
    %dma_start3A_61 = tpu.memref_slice %arg6[%dma_start3A_53, %dma_start3A_60] : memref<250x80xi32, #tpu.memory_space<vmem>> -> memref<1x80xi32, #tpu.memory_space<vmem>>
    %dma_start3A_62 = tpu.memref_squeeze %dma_start3A_61 : memref<1x80xi32, #tpu.memory_space<vmem>> -> memref<80xi32, #tpu.memory_space<vmem>>
    %dma_start3A_63 = arith.constant 0 : i32
    %dma_start3A_64 = arith.constant 0 : i32
    %dma_start3A_65 = tpu.memref_slice %arg2[%arg0, %dma_start3A_63, %dma_start3A_64] : memref<2x10000x64xf32, #tpu.memory_space<hbm>> -> memref<1x10000x64xf32, #tpu.memory_space<hbm>>
    %dma_start3A_66 = tpu.memref_squeeze %dma_start3A_65 : memref<1x10000x64xf32, #tpu.memory_space<hbm>> -> memref<10000x64xf32, #tpu.memory_space<hbm>>
    %dma_start3A_67 = arith.constant 0 : i32
    %dma_start3A_68 = arith.constant 0 : i32
    %dma_start3A_69 = tpu.memref_slice %dma_start3A_66[%dma_start3A_67, %dma_start3A_68] : memref<10000x64xf32, #tpu.memory_space<hbm>> -> memref<10000x64xf32, #tpu.memory_space<hbm>>
    %dma_start3A_70 = tpu.memref_slice %arg11[%dma_start3A_55] : memref<6x!tpu.dma_semaphore, #tpu.memory_space<semaphore_mem>> -> memref<1x!tpu.dma_semaphore, #tpu.memory_space<semaphore_mem>>
    %dma_start3A_71 = tpu.memref_squeeze %dma_start3A_70 : memref<1x!tpu.dma_semaphore, #tpu.memory_space<semaphore_mem>> -> memref<!tpu.dma_semaphore, #tpu.memory_space<semaphore_mem>>
    tpu.enqueue_indirect_dma source(%dma_start3A_69 : memref<10000x64xf32, #tpu.memory_space<hbm>>) target(%dma_start3A_59 : memref<80x64xf32, #tpu.memory_space<vmem>>) offsets(%dma_start3A_62 : memref<80xi32, #tpu.memory_space<vmem>>) semaphore(%dma_start3A_71 : memref<!tpu.dma_semaphore, #tpu.memory_space<semaphore_mem>>)
    %scan3A_72 = arith.constant 0 : i32
    %scan3A_73 = arith.constant 0 : i32
    %scan3A_74 = arith.constant 250 : i32
    %scan3A_75 = arith.addi %scan3A_73, %scan3A_74 : i32
    %scan3A_76 = arith.constant 1 : i32
    %scan3A_77 = scf.for %scan3A_132 = %scan3A_73 to %scan3A_75 step %scan3A_76 iter_args(%scan3A_133 = %scan3A_72) -> (i32)  : i32 {
      %rem3A = arith.constant 6 : i32
      %rem3A_134 = arith.remsi %scan3A_132, %rem3A : i32
      %add3A = arith.constant 3 : i32
      %add3A_135 = arith.addi %scan3A_132, %add3A : i32
      %rem3A_136 = arith.constant 6 : i32
      %rem3A_137 = arith.remsi %add3A_135, %rem3A_136 : i32
      %ge3A = arith.constant 3 : i32
      %ge3A_138 = arith.cmpi sge, %scan3A_132, %ge3A : i32
      %convert_element_type3A_139 = arith.extui %ge3A_138 : i1 to i32
      %cond3A_140 = arith.constant 0 : i32
      %cond3A_141 = arith.cmpi ne, %convert_element_type3A_139, %cond3A_140 : i32
      scf.if %cond3A_141 {
        %sub3A = arith.constant 3 : i32
        %sub3A_177 = arith.subi %scan3A_132, %sub3A : i32
        %dma_wait3A_178 = arith.constant 0 : i32
        %dma_wait3A_179 = arith.constant 0 : i32
        %dma_wait3A_180 = tpu.memref_slice %arg8[%rem3A_137, %dma_wait3A_178, %dma_wait3A_179] : memref<6x80x64xf32, #tpu.memory_space<vmem>> -> memref<1x80x64xf32, #tpu.memory_space<vmem>>
        %dma_wait3A_181 = tpu.memref_squeeze %dma_wait3A_180 : memref<1x80x64xf32, #tpu.memory_space<vmem>> -> memref<80x64xf32, #tpu.memory_space<vmem>>
        %dma_wait3A_182 = arith.constant 0 : i32
        %dma_wait3A_183 = tpu.memref_slice %arg7[%sub3A_177, %dma_wait3A_182] : memref<250x80xi32, #tpu.memory_space<vmem>> -> memref<1x80xi32, #tpu.memory_space<vmem>>
        %dma_wait3A_184 = tpu.memref_squeeze %dma_wait3A_183 : memref<1x80xi32, #tpu.memory_space<vmem>> -> memref<80xi32, #tpu.memory_space<vmem>>
        %dma_wait3A_185 = arith.constant 0 : i32
        %dma_wait3A_186 = arith.constant 0 : i32
        %dma_wait3A_187 = tpu.memref_slice %arg10[%dma_wait3A_185, %dma_wait3A_186] : memref<10000x64xf32, #tpu.memory_space<vmem_shared>> -> memref<10000x64xf32, #tpu.memory_space<vmem_shared>>
        %dma_wait3A_188 = tpu.memref_slice %arg12[%rem3A_137] : memref<6x!tpu.dma_semaphore, #tpu.memory_space<semaphore_mem>> -> memref<1x!tpu.dma_semaphore, #tpu.memory_space<semaphore_mem>>
        %dma_wait3A_189 = tpu.memref_squeeze %dma_wait3A_188 : memref<1x!tpu.dma_semaphore, #tpu.memory_space<semaphore_mem>> -> memref<!tpu.dma_semaphore, #tpu.memory_space<semaphore_mem>>
        tpu.wait_indirect_dma semaphore(%dma_wait3A_189 : memref<!tpu.dma_semaphore, #tpu.memory_space<semaphore_mem>>) src(%dma_wait3A_181 : memref<80x64xf32, #tpu.memory_space<vmem>>) dst(%dma_wait3A_187 : memref<10000x64xf32, #tpu.memory_space<vmem_shared>>)
      } else {
      }
      %add3A_142 = arith.constant 3 : i32
      %add3A_143 = arith.addi %scan3A_132, %add3A_142 : i32
      %lt3A = arith.constant 250 : i32
      %lt3A_144 = arith.cmpi slt, %add3A_143, %lt3A : i32
      %convert_element_type3A_145 = arith.extui %lt3A_144 : i1 to i32
      %cond3A_146 = arith.constant 0 : i32
      %cond3A_147 = arith.cmpi ne, %convert_element_type3A_145, %cond3A_146 : i32
      scf.if %cond3A_147 {
        %add3A_177 = arith.constant 3 : i32
        %add3A_178 = arith.addi %scan3A_132, %add3A_177 : i32
        %dma_start3A_179 = arith.constant 0 : i32
        %dma_start3A_180 = arith.constant 0 : i32
        %dma_start3A_181 = tpu.memref_slice %arg8[%rem3A_137, %dma_start3A_179, %dma_start3A_180] : memref<6x80x64xf32, #tpu.memory_space<vmem>> -> memref<1x80x64xf32, #tpu.memory_space<vmem>>
        %dma_start3A_182 = tpu.memref_squeeze %dma_start3A_181 : memref<1x80x64xf32, #tpu.memory_space<vmem>> -> memref<80x64xf32, #tpu.memory_space<vmem>>
        %dma_start3A_183 = arith.constant 0 : i32
        %dma_start3A_184 = tpu.memref_slice %arg6[%add3A_178, %dma_start3A_183] : memref<250x80xi32, #tpu.memory_space<vmem>> -> memref<1x80xi32, #tpu.memory_space<vmem>>
        %dma_start3A_185 = tpu.memref_squeeze %dma_start3A_184 : memref<1x80xi32, #tpu.memory_space<vmem>> -> memref<80xi32, #tpu.memory_space<vmem>>
        %dma_start3A_186 = arith.constant 0 : i32
        %dma_start3A_187 = arith.constant 0 : i32
        %dma_start3A_188 = tpu.memref_slice %arg2[%arg0, %dma_start3A_186, %dma_start3A_187] : memref<2x10000x64xf32, #tpu.memory_space<hbm>> -> memref<1x10000x64xf32, #tpu.memory_space<hbm>>
        %dma_start3A_189 = tpu.memref_squeeze %dma_start3A_188 : memref<1x10000x64xf32, #tpu.memory_space<hbm>> -> memref<10000x64xf32, #tpu.memory_space<hbm>>
        %dma_start3A_190 = arith.constant 0 : i32
        %dma_start3A_191 = arith.constant 0 : i32
        %dma_start3A_192 = tpu.memref_slice %dma_start3A_189[%dma_start3A_190, %dma_start3A_191] : memref<10000x64xf32, #tpu.memory_space<hbm>> -> memref<10000x64xf32, #tpu.memory_space<hbm>>
        %dma_start3A_193 = tpu.memref_slice %arg11[%rem3A_137] : memref<6x!tpu.dma_semaphore, #tpu.memory_space<semaphore_mem>> -> memref<1x!tpu.dma_semaphore, #tpu.memory_space<semaphore_mem>>
        %dma_start3A_194 = tpu.memref_squeeze %dma_start3A_193 : memref<1x!tpu.dma_semaphore, #tpu.memory_space<semaphore_mem>> -> memref<!tpu.dma_semaphore, #tpu.memory_space<semaphore_mem>>
        tpu.enqueue_indirect_dma source(%dma_start3A_192 : memref<10000x64xf32, #tpu.memory_space<hbm>>) target(%dma_start3A_182 : memref<80x64xf32, #tpu.memory_space<vmem>>) offsets(%dma_start3A_185 : memref<80xi32, #tpu.memory_space<vmem>>) semaphore(%dma_start3A_194 : memref<!tpu.dma_semaphore, #tpu.memory_space<semaphore_mem>>)
      } else {
      }
      %dma_wait3A_148 = arith.constant 0 : i32
      %dma_wait3A_149 = arith.constant 0 : i32
      %dma_wait3A_150 = tpu.memref_slice %arg8[%rem3A_134, %dma_wait3A_148, %dma_wait3A_149] : memref<6x80x64xf32, #tpu.memory_space<vmem>> -> memref<1x80x64xf32, #tpu.memory_space<vmem>>
      %dma_wait3A_151 = tpu.memref_squeeze %dma_wait3A_150 : memref<1x80x64xf32, #tpu.memory_space<vmem>> -> memref<80x64xf32, #tpu.memory_space<vmem>>
      %dma_wait3A_152 = arith.constant 0 : i32
      %dma_wait3A_153 = tpu.memref_slice %arg6[%scan3A_132, %dma_wait3A_152] : memref<250x80xi32, #tpu.memory_space<vmem>> -> memref<1x80xi32, #tpu.memory_space<vmem>>
      %dma_wait3A_154 = tpu.memref_squeeze %dma_wait3A_153 : memref<1x80xi32, #tpu.memory_space<vmem>> -> memref<80xi32, #tpu.memory_space<vmem>>
      %dma_wait3A_155 = arith.constant 0 : i32
      %dma_wait3A_156 = arith.constant 0 : i32
      %dma_wait3A_157 = tpu.memref_slice %arg2[%arg0, %dma_wait3A_155, %dma_wait3A_156] : memref<2x10000x64xf32, #tpu.memory_space<hbm>> -> memref<1x10000x64xf32, #tpu.memory_space<hbm>>
      %dma_wait3A_158 = tpu.memref_squeeze %dma_wait3A_157 : memref<1x10000x64xf32, #tpu.memory_space<hbm>> -> memref<10000x64xf32, #tpu.memory_space<hbm>>
      %dma_wait3A_159 = arith.constant 0 : i32
      %dma_wait3A_160 = arith.constant 0 : i32
      %dma_wait3A_161 = tpu.memref_slice %dma_wait3A_158[%dma_wait3A_159, %dma_wait3A_160] : memref<10000x64xf32, #tpu.memory_space<hbm>> -> memref<10000x64xf32, #tpu.memory_space<hbm>>
      %dma_wait3A_162 = tpu.memref_slice %arg11[%rem3A_134] : memref<6x!tpu.dma_semaphore, #tpu.memory_space<semaphore_mem>> -> memref<1x!tpu.dma_semaphore, #tpu.memory_space<semaphore_mem>>
      %dma_wait3A_163 = tpu.memref_squeeze %dma_wait3A_162 : memref<1x!tpu.dma_semaphore, #tpu.memory_space<semaphore_mem>> -> memref<!tpu.dma_semaphore, #tpu.memory_space<semaphore_mem>>
      tpu.wait_indirect_dma semaphore(%dma_wait3A_163 : memref<!tpu.dma_semaphore, #tpu.memory_space<semaphore_mem>>) src(%dma_wait3A_161 : memref<10000x64xf32, #tpu.memory_space<hbm>>) dst(%dma_wait3A_151 : memref<80x64xf32, #tpu.memory_space<vmem>>)
      %dma_start3A_164 = arith.constant 0 : i32
      %dma_start3A_165 = arith.constant 0 : i32
      %dma_start3A_166 = tpu.memref_slice %arg8[%rem3A_134, %dma_start3A_164, %dma_start3A_165] : memref<6x80x64xf32, #tpu.memory_space<vmem>> -> memref<1x80x64xf32, #tpu.memory_space<vmem>>
      %dma_start3A_167 = tpu.memref_squeeze %dma_start3A_166 : memref<1x80x64xf32, #tpu.memory_space<vmem>> -> memref<80x64xf32, #tpu.memory_space<vmem>>
      %dma_start3A_168 = arith.constant 0 : i32
      %dma_start3A_169 = tpu.memref_slice %arg7[%scan3A_132, %dma_start3A_168] : memref<250x80xi32, #tpu.memory_space<vmem>> -> memref<1x80xi32, #tpu.memory_space<vmem>>
      %dma_start3A_170 = tpu.memref_squeeze %dma_start3A_169 : memref<1x80xi32, #tpu.memory_space<vmem>> -> memref<80xi32, #tpu.memory_space<vmem>>
      %dma_start3A_171 = arith.constant 0 : i32
      %dma_start3A_172 = arith.constant 0 : i32
      %dma_start3A_173 = tpu.memref_slice %arg10[%dma_start3A_171, %dma_start3A_172] : memref<10000x64xf32, #tpu.memory_space<vmem_shared>> -> memref<10000x64xf32, #tpu.memory_space<vmem_shared>>
      %dma_start3A_174 = tpu.memref_slice %arg12[%rem3A_134] : memref<6x!tpu.dma_semaphore, #tpu.memory_space<semaphore_mem>> -> memref<1x!tpu.dma_semaphore, #tpu.memory_space<semaphore_mem>>
      %dma_start3A_175 = tpu.memref_squeeze %dma_start3A_174 : memref<1x!tpu.dma_semaphore, #tpu.memory_space<semaphore_mem>> -> memref<!tpu.dma_semaphore, #tpu.memory_space<semaphore_mem>>
      tpu.enqueue_indirect_dma source(%dma_start3A_167 : memref<80x64xf32, #tpu.memory_space<vmem>>) target(%dma_start3A_173 : memref<10000x64xf32, #tpu.memory_space<vmem_shared>>) offsets(%dma_start3A_170 : memref<80xi32, #tpu.memory_space<vmem>>) semaphore(%dma_start3A_175 : memref<!tpu.dma_semaphore, #tpu.memory_space<semaphore_mem>>) {add = true}
      %scan3A_176 = arith.constant 0 : i32
      scf.yield %scan3A_176 : i32
    }
    %scan3A_78 = arith.constant 250 : i32
    %dma_wait3A = arith.constant 1 : i32
    %dma_wait3A_79 = arith.constant 247 : i32
    %dma_wait3A_80 = arith.constant 1 : i32
    %dma_wait3A_81 = arith.constant 0 : i32
    %dma_wait3A_82 = arith.constant 0 : i32
    %dma_wait3A_83 = tpu.memref_slice %arg8[%dma_wait3A, %dma_wait3A_81, %dma_wait3A_82] : memref<6x80x64xf32, #tpu.memory_space<vmem>> -> memref<1x80x64xf32, #tpu.memory_space<vmem>>
    %dma_wait3A_84 = tpu.memref_squeeze %dma_wait3A_83 : memref<1x80x64xf32, #tpu.memory_space<vmem>> -> memref<80x64xf32, #tpu.memory_space<vmem>>
    %dma_wait3A_85 = arith.constant 0 : i32
    %dma_wait3A_86 = tpu.memref_slice %arg7[%dma_wait3A_79, %dma_wait3A_85] : memref<250x80xi32, #tpu.memory_space<vmem>> -> memref<1x80xi32, #tpu.memory_space<vmem>>
    %dma_wait3A_87 = tpu.memref_squeeze %dma_wait3A_86 : memref<1x80xi32, #tpu.memory_space<vmem>> -> memref<80xi32, #tpu.memory_space<vmem>>
    %dma_wait3A_88 = arith.constant 0 : i32
    %dma_wait3A_89 = arith.constant 0 : i32
    %dma_wait3A_90 = tpu.memref_slice %arg10[%dma_wait3A_88, %dma_wait3A_89] : memref<10000x64xf32, #tpu.memory_space<vmem_shared>> -> memref<10000x64xf32, #tpu.memory_space<vmem_shared>>
    %dma_wait3A_91 = tpu.memref_slice %arg12[%dma_wait3A_80] : memref<6x!tpu.dma_semaphore, #tpu.memory_space<semaphore_mem>> -> memref<1x!tpu.dma_semaphore, #tpu.memory_space<semaphore_mem>>
    %dma_wait3A_92 = tpu.memref_squeeze %dma_wait3A_91 : memref<1x!tpu.dma_semaphore, #tpu.memory_space<semaphore_mem>> -> memref<!tpu.dma_semaphore, #tpu.memory_space<semaphore_mem>>
    tpu.wait_indirect_dma semaphore(%dma_wait3A_92 : memref<!tpu.dma_semaphore, #tpu.memory_space<semaphore_mem>>) src(%dma_wait3A_84 : memref<80x64xf32, #tpu.memory_space<vmem>>) dst(%dma_wait3A_90 : memref<10000x64xf32, #tpu.memory_space<vmem_shared>>)
    %dma_wait3A_93 = arith.constant 2 : i32
    %dma_wait3A_94 = arith.constant 248 : i32
    %dma_wait3A_95 = arith.constant 2 : i32
    %dma_wait3A_96 = arith.constant 0 : i32
    %dma_wait3A_97 = arith.constant 0 : i32
    %dma_wait3A_98 = tpu.memref_slice %arg8[%dma_wait3A_93, %dma_wait3A_96, %dma_wait3A_97] : memref<6x80x64xf32, #tpu.memory_space<vmem>> -> memref<1x80x64xf32, #tpu.memory_space<vmem>>
    %dma_wait3A_99 = tpu.memref_squeeze %dma_wait3A_98 : memref<1x80x64xf32, #tpu.memory_space<vmem>> -> memref<80x64xf32, #tpu.memory_space<vmem>>
    %dma_wait3A_100 = arith.constant 0 : i32
    %dma_wait3A_101 = tpu.memref_slice %arg7[%dma_wait3A_94, %dma_wait3A_100] : memref<250x80xi32, #tpu.memory_space<vmem>> -> memref<1x80xi32, #tpu.memory_space<vmem>>
    %dma_wait3A_102 = tpu.memref_squeeze %dma_wait3A_101 : memref<1x80xi32, #tpu.memory_space<vmem>> -> memref<80xi32, #tpu.memory_space<vmem>>
    %dma_wait3A_103 = arith.constant 0 : i32
    %dma_wait3A_104 = arith.constant 0 : i32
    %dma_wait3A_105 = tpu.memref_slice %arg10[%dma_wait3A_103, %dma_wait3A_104] : memref<10000x64xf32, #tpu.memory_space<vmem_shared>> -> memref<10000x64xf32, #tpu.memory_space<vmem_shared>>
    %dma_wait3A_106 = tpu.memref_slice %arg12[%dma_wait3A_95] : memref<6x!tpu.dma_semaphore, #tpu.memory_space<semaphore_mem>> -> memref<1x!tpu.dma_semaphore, #tpu.memory_space<semaphore_mem>>
    %dma_wait3A_107 = tpu.memref_squeeze %dma_wait3A_106 : memref<1x!tpu.dma_semaphore, #tpu.memory_space<semaphore_mem>> -> memref<!tpu.dma_semaphore, #tpu.memory_space<semaphore_mem>>
    tpu.wait_indirect_dma semaphore(%dma_wait3A_107 : memref<!tpu.dma_semaphore, #tpu.memory_space<semaphore_mem>>) src(%dma_wait3A_99 : memref<80x64xf32, #tpu.memory_space<vmem>>) dst(%dma_wait3A_105 : memref<10000x64xf32, #tpu.memory_space<vmem_shared>>)
    %dma_wait3A_108 = arith.constant 3 : i32
    %dma_wait3A_109 = arith.constant 249 : i32
    %dma_wait3A_110 = arith.constant 3 : i32
    %dma_wait3A_111 = arith.constant 0 : i32
    %dma_wait3A_112 = arith.constant 0 : i32
    %dma_wait3A_113 = tpu.memref_slice %arg8[%dma_wait3A_108, %dma_wait3A_111, %dma_wait3A_112] : memref<6x80x64xf32, #tpu.memory_space<vmem>> -> memref<1x80x64xf32, #tpu.memory_space<vmem>>
    %dma_wait3A_114 = tpu.memref_squeeze %dma_wait3A_113 : memref<1x80x64xf32, #tpu.memory_space<vmem>> -> memref<80x64xf32, #tpu.memory_space<vmem>>
    %dma_wait3A_115 = arith.constant 0 : i32
    %dma_wait3A_116 = tpu.memref_slice %arg7[%dma_wait3A_109, %dma_wait3A_115] : memref<250x80xi32, #tpu.memory_space<vmem>> -> memref<1x80xi32, #tpu.memory_space<vmem>>
    %dma_wait3A_117 = tpu.memref_squeeze %dma_wait3A_116 : memref<1x80xi32, #tpu.memory_space<vmem>> -> memref<80xi32, #tpu.memory_space<vmem>>
    %dma_wait3A_118 = arith.constant 0 : i32
    %dma_wait3A_119 = arith.constant 0 : i32
    %dma_wait3A_120 = tpu.memref_slice %arg10[%dma_wait3A_118, %dma_wait3A_119] : memref<10000x64xf32, #tpu.memory_space<vmem_shared>> -> memref<10000x64xf32, #tpu.memory_space<vmem_shared>>
    %dma_wait3A_121 = tpu.memref_slice %arg12[%dma_wait3A_110] : memref<6x!tpu.dma_semaphore, #tpu.memory_space<semaphore_mem>> -> memref<1x!tpu.dma_semaphore, #tpu.memory_space<semaphore_mem>>
    %dma_wait3A_122 = tpu.memref_squeeze %dma_wait3A_121 : memref<1x!tpu.dma_semaphore, #tpu.memory_space<semaphore_mem>> -> memref<!tpu.dma_semaphore, #tpu.memory_space<semaphore_mem>>
    tpu.wait_indirect_dma semaphore(%dma_wait3A_122 : memref<!tpu.dma_semaphore, #tpu.memory_space<semaphore_mem>>) src(%dma_wait3A_114 : memref<80x64xf32, #tpu.memory_space<vmem>>) dst(%dma_wait3A_120 : memref<10000x64xf32, #tpu.memory_space<vmem_shared>>)
    %barrier3A_123 = arith.constant 0 : index
    tpu.barrier barrier_id(%barrier3A_123)
    %mul3A = arith.constant 624 : i32
    %mul3A_124 = arith.muli %arg1, %mul3A : i32
    %mul3A_125 = arith.constant 624 : i32
    %mul3A_126 = arith.muli %arg1, %mul3A_125 : i32
    "tpu.region"() ({
      %run_scoped3A = tpu.sem_alloc : memref<!tpu.dma_semaphore, #tpu.memory_space<semaphore_mem>>
      %dma_start3A_132 = arith.constant 0 : i32
      %dma_start3A_133 = tpu.memref_slice %arg5[%arg0, %mul3A_126, %dma_start3A_132] : memref<2x10000x64xf32, #tpu.memory_space<hbm>> -> memref<1x624x64xf32, #tpu.memory_space<hbm>>
      %dma_start3A_134 = tpu.memref_squeeze %dma_start3A_133 : memref<1x624x64xf32, #tpu.memory_space<hbm>> -> memref<624x64xf32, #tpu.memory_space<hbm>>
      %dma_start3A_135 = arith.constant 0 : i32
      %dma_start3A_136 = tpu.memref_slice %arg10[%mul3A_124, %dma_start3A_135] : memref<10000x64xf32, #tpu.memory_space<vmem_shared>> -> memref<624x64xf32, #tpu.memory_space<vmem_shared>>
      tpu.enqueue_dma source(%dma_start3A_136 : memref<624x64xf32, #tpu.memory_space<vmem_shared>>) target(%dma_start3A_134 : memref<624x64xf32, #tpu.memory_space<hbm>>) target_semaphore(%run_scoped3A : memref<!tpu.dma_semaphore, #tpu.memory_space<semaphore_mem>>)
      %dma_wait3A_137 = arith.constant 0 : i32
      %dma_wait3A_138 = tpu.memref_slice %arg5[%arg0, %mul3A_126, %dma_wait3A_137] : memref<2x10000x64xf32, #tpu.memory_space<hbm>> -> memref<1x624x64xf32, #tpu.memory_space<hbm>>
      %dma_wait3A_139 = tpu.memref_squeeze %dma_wait3A_138 : memref<1x624x64xf32, #tpu.memory_space<hbm>> -> memref<624x64xf32, #tpu.memory_space<hbm>>
      %dma_wait3A_140 = arith.constant 0 : i32
      %dma_wait3A_141 = tpu.memref_slice %arg10[%mul3A_124, %dma_wait3A_140] : memref<10000x64xf32, #tpu.memory_space<vmem_shared>> -> memref<624x64xf32, #tpu.memory_space<vmem_shared>>
      tpu.wait_dma2 semaphore(%run_scoped3A : memref<!tpu.dma_semaphore, #tpu.memory_space<semaphore_mem>>) src(%dma_wait3A_141 : memref<624x64xf32, #tpu.memory_space<vmem_shared>>) dst(%dma_wait3A_139 : memref<624x64xf32, #tpu.memory_space<hbm>>)
      tpu.yield
    }) : () -> ()
    %eq3A_127 = arith.constant 15 : i32
    %eq3A_128 = arith.cmpi eq, %arg1, %eq3A_127 : i32
    %convert_element_type3A_129 = arith.extui %eq3A_128 : i1 to i32
    %cond3A_130 = arith.constant 0 : i32
    %cond3A_131 = arith.cmpi ne, %convert_element_type3A_129, %cond3A_130 : i32
    scf.if %cond3A_131 {
      "tpu.region"() ({
        %run_scoped3A = tpu.sem_alloc : memref<!tpu.dma_semaphore, #tpu.memory_space<semaphore_mem>>
        %dma_start3A_132 = arith.constant 9984 : i32
        %dma_start3A_133 = arith.constant 0 : i32
        %dma_start3A_134 = tpu.memref_slice %arg5[%arg0, %dma_start3A_132, %dma_start3A_133] : memref<2x10000x64xf32, #tpu.memory_space<hbm>> -> memref<1x16x64xf32, #tpu.memory_space<hbm>>
        %dma_start3A_135 = tpu.memref_squeeze %dma_start3A_134 : memref<1x16x64xf32, #tpu.memory_space<hbm>> -> memref<16x64xf32, #tpu.memory_space<hbm>>
        %dma_start3A_136 = arith.constant 9984 : i32
        %dma_start3A_137 = arith.constant 0 : i32
        %dma_start3A_138 = tpu.memref_slice %arg10[%dma_start3A_136, %dma_start3A_137] : memref<10000x64xf32, #tpu.memory_space<vmem_shared>> -> memref<16x64xf32, #tpu.memory_space<vmem_shared>>
        tpu.enqueue_dma source(%dma_start3A_138 : memref<16x64xf32, #tpu.memory_space<vmem_shared>>) target(%dma_start3A_135 : memref<16x64xf32, #tpu.memory_space<hbm>>) target_semaphore(%run_scoped3A : memref<!tpu.dma_semaphore, #tpu.memory_space<semaphore_mem>>)
        %dma_wait3A_139 = arith.constant 9984 : i32
        %dma_wait3A_140 = arith.constant 0 : i32
        %dma_wait3A_141 = tpu.memref_slice %arg5[%arg0, %dma_wait3A_139, %dma_wait3A_140] : memref<2x10000x64xf32, #tpu.memory_space<hbm>> -> memref<1x16x64xf32, #tpu.memory_space<hbm>>
        %dma_wait3A_142 = tpu.memref_squeeze %dma_wait3A_141 : memref<1x16x64xf32, #tpu.memory_space<hbm>> -> memref<16x64xf32, #tpu.memory_space<hbm>>
        %dma_wait3A_143 = arith.constant 9984 : i32
        %dma_wait3A_144 = arith.constant 0 : i32
        %dma_wait3A_145 = tpu.memref_slice %arg10[%dma_wait3A_143, %dma_wait3A_144] : memref<10000x64xf32, #tpu.memory_space<vmem_shared>> -> memref<16x64xf32, #tpu.memory_space<vmem_shared>>
        tpu.wait_dma2 semaphore(%run_scoped3A : memref<!tpu.dma_semaphore, #tpu.memory_space<semaphore_mem>>) src(%dma_wait3A_145 : memref<16x64xf32, #tpu.memory_space<vmem_shared>>) dst(%dma_wait3A_142 : memref<16x64xf32, #tpu.memory_space<hbm>>)
        tpu.yield
      }) : () -> ()
    } else {
    }
    return
  }
}

module attributes {stable_mosaic.version = 14 : i64} {
  func.func @_mm1_body(%arg0: i32, %arg1: memref<400x128xf32, #tpu.memory_space<vmem>>, %arg2: memref<128x128xf32, #tpu.memory_space<vmem>>, %arg3: memref<400x1xf32, #tpu.memory_space<vmem>>, %arg4: memref<2x400x64xf32, #tpu.memory_space<vmem>>) attributes {dimension_semantics = [#tpu.dimension_semantics<arbitrary>], iteration_bounds = array<i64: 25>, scalar_prefetch = 0 : i64, scratch_operands = 0 : i64, tpu.core_type = #tpu.core_type<tc>, window_params = [{transform_indices = @transform_0, window_bounds = array<i64: 400, 128>}, {pipeline_mode = #tpu.pipeline_mode<synchronous>, transform_indices = @transform_1, window_bounds = array<i64: 128, 128>}, {transform_indices = @transform_2, window_bounds = array<i64: 400, 1>}, {transform_indices = @transform_3, window_bounds = array<i64: 2, 400, 64>}]} {
    %get3A = arith.constant 0 : index
    %get3A_0 = arith.constant 0 : index
    %get3A_1 = vector.load %arg3[%get3A, %get3A_0] : memref<400x1xf32, #tpu.memory_space<vmem>>, vector<400x1xf32>
    %max3A = arith.constant 1.000000e+00 : f32
    %max3A_2 = vector.broadcast %max3A : f32 to vector<400x1xf32>
    %max3A_3 = arith.maximumf %get3A_1, %max3A_2 : vector<400x1xf32>
    %rsqrt3A = math.rsqrt %max3A_3 : vector<400x1xf32>
    %get3A_4 = arith.constant 0 : index
    %get3A_5 = arith.constant 0 : index
    %get3A_6 = vector.load %arg1[%get3A_4, %get3A_5] : memref<400x128xf32, #tpu.memory_space<vmem>>, vector<400x128xf32>
    %get3A_7 = arith.constant 0 : index
    %get3A_8 = arith.constant 0 : index
    %get3A_9 = vector.load %arg2[%get3A_7, %get3A_8] : memref<128x128xf32, #tpu.memory_space<vmem>>, vector<128x128xf32>
    %dot_general3A = arith.constant dense<0.000000e+00> : vector<400x128xf32>
    %dot_general3A_10 = tpu.matmul %get3A_6, %get3A_9, %dot_general3A {dimension_numbers = #tpu.dot_dimension_numbers<[1], [0], [0], [1], [0, 0, 1, 1], [], []>, transpose_lhs_hint = false} : vector<400x128xf32>, vector<128x128xf32>, vector<400x128xf32> -> vector<400x128xf32>
    %mul3A = vector.broadcast %rsqrt3A : vector<400x1xf32> to vector<400x128xf32>
    %mul3A_11 = arith.mulf %dot_general3A_10, %mul3A : vector<400x128xf32>
    %slice3A = vector.extract_strided_slice %mul3A_11 {offsets = [0, 0], sizes = [400, 64], strides = [1, 1]} : vector<400x128xf32> to vector<400x64xf32>
    %swap3A = arith.constant 0 : index
    %swap3A_12 = arith.constant 0 : index
    %swap3A_13 = arith.constant 0 : index
    %swap3A_14 = vector.load %arg4[%swap3A, %swap3A_12, %swap3A_13] : memref<2x400x64xf32, #tpu.memory_space<vmem>>, vector<1x400x64xf32>
    %swap3A_15 = vector.shape_cast %swap3A_14 : vector<1x400x64xf32> to vector<400x64xf32>
    %swap3A_16 = vector.shape_cast %slice3A : vector<400x64xf32> to vector<1x400x64xf32>
    tpu.vector_store %arg4[%swap3A, %swap3A_12, %swap3A_13], %swap3A_16 {strides = array<i32>} : memref<2x400x64xf32, #tpu.memory_space<vmem>>, vector<1x400x64xf32>,
    %slice3A_17 = vector.extract_strided_slice %mul3A_11 {offsets = [0, 64], sizes = [400, 64], strides = [1, 1]} : vector<400x128xf32> to vector<400x64xf32>
    %swap3A_18 = arith.constant 1 : index
    %swap3A_19 = arith.constant 0 : index
    %swap3A_20 = arith.constant 0 : index
    %swap3A_21 = vector.load %arg4[%swap3A_18, %swap3A_19, %swap3A_20] : memref<2x400x64xf32, #tpu.memory_space<vmem>>, vector<1x400x64xf32>
    %swap3A_22 = vector.shape_cast %swap3A_21 : vector<1x400x64xf32> to vector<400x64xf32>
    %swap3A_23 = vector.shape_cast %slice3A_17 : vector<400x64xf32> to vector<1x400x64xf32>
    tpu.vector_store %arg4[%swap3A_18, %swap3A_19, %swap3A_20], %swap3A_23 {strides = array<i32>} : memref<2x400x64xf32, #tpu.memory_space<vmem>>, vector<1x400x64xf32>,
    return
  }
  func.func @transform_0(%arg0: i32) -> (i32, i32) {
    %c0_i32 = arith.constant 0 : i32
    %c0_i32_0 = arith.constant 0 : i32
    return %arg0, %c0_i32 : i32, i32
  }
  func.func @transform_1(%arg0: i32) -> (i32, i32) {
    %c0_i32 = arith.constant 0 : i32
    %c0_i32_0 = arith.constant 0 : i32
    %c0_i32_1 = arith.constant 0 : i32
    return %c0_i32, %c0_i32_0 : i32, i32
  }
  func.func @transform_2(%arg0: i32) -> (i32, i32) {
    %c0_i32 = arith.constant 0 : i32
    %c0_i32_0 = arith.constant 0 : i32
    return %arg0, %c0_i32 : i32, i32
  }
  func.func @transform_3(%arg0: i32) -> (i32, i32, i32) {
    %c0_i32 = arith.constant 0 : i32
    %c0_i32_0 = arith.constant 0 : i32
    %c0_i32_1 = arith.constant 0 : i32
    return %c0_i32, %arg0, %c0_i32_0 : i32, i32, i32
  }
}

module attributes {stable_mosaic.version = 14 : i64} {
  func.func @_mid_body(%arg0: i32, %arg1: memref<2x400x64xf32, #tpu.memory_space<vmem>>, %arg2: memref<400x1xf32, #tpu.memory_space<vmem>>, %arg3: memref<1x128xf32, #tpu.memory_space<vmem>>, %arg4: memref<128x128xf32, #tpu.memory_space<vmem>>, %arg5: memref<400x1xf32, #tpu.memory_space<vmem>>, %arg6: memref<2x400x64xf32, #tpu.memory_space<vmem>>) attributes {dimension_semantics = [#tpu.dimension_semantics<arbitrary>], iteration_bounds = array<i64: 25>, scalar_prefetch = 0 : i64, scratch_operands = 0 : i64, tpu.core_type = #tpu.core_type<tc>, window_params = [{transform_indices = @transform_0, window_bounds = array<i64: 2, 400, 64>}, {transform_indices = @transform_1, window_bounds = array<i64: 400, 1>}, {pipeline_mode = #tpu.pipeline_mode<synchronous>, transform_indices = @transform_2, window_bounds = array<i64: 1, 128>}, {pipeline_mode = #tpu.pipeline_mode<synchronous>, transform_indices = @transform_3, window_bounds = array<i64: 128, 128>}, {transform_indices = @transform_4, window_bounds = array<i64: 400, 1>}, {transform_indices = @transform_5, window_bounds = array<i64: 2, 400, 64>}]} {
    %get3A = arith.constant 0 : index
    %get3A_0 = arith.constant 0 : index
    %get3A_1 = vector.load %arg2[%get3A, %get3A_0] : memref<400x1xf32, #tpu.memory_space<vmem>>, vector<400x1xf32>
    %max3A = arith.constant 1.000000e+00 : f32
    %max3A_2 = vector.broadcast %max3A : f32 to vector<400x1xf32>
    %max3A_3 = arith.maximumf %get3A_1, %max3A_2 : vector<400x1xf32>
    %rsqrt3A = math.rsqrt %max3A_3 : vector<400x1xf32>
    %get3A_4 = arith.constant 0 : index
    %get3A_5 = arith.constant 0 : index
    %get3A_6 = vector.load %arg5[%get3A_4, %get3A_5] : memref<400x1xf32, #tpu.memory_space<vmem>>, vector<400x1xf32>
    %max3A_7 = arith.constant 1.000000e+00 : f32
    %max3A_8 = vector.broadcast %max3A_7 : f32 to vector<400x1xf32>
    %max3A_9 = arith.maximumf %get3A_6, %max3A_8 : vector<400x1xf32>
    %rsqrt3A_10 = math.rsqrt %max3A_9 : vector<400x1xf32>
    %get3A_11 = arith.constant 0 : index
    %get3A_12 = arith.constant 0 : index
    %get3A_13 = arith.constant 0 : index
    %get3A_14 = vector.load %arg1[%get3A_11, %get3A_12, %get3A_13] : memref<2x400x64xf32, #tpu.memory_space<vmem>>, vector<1x400x64xf32>
    %get3A_15 = vector.shape_cast %get3A_14 : vector<1x400x64xf32> to vector<400x64xf32>
    %get3A_16 = arith.constant 1 : index
    %get3A_17 = arith.constant 0 : index
    %get3A_18 = arith.constant 0 : index
    %get3A_19 = vector.load %arg1[%get3A_16, %get3A_17, %get3A_18] : memref<2x400x64xf32, #tpu.memory_space<vmem>>, vector<1x400x64xf32>
    %get3A_20 = vector.shape_cast %get3A_19 : vector<1x400x64xf32> to vector<400x64xf32>
    %concatenate3A = tpu.concatenate %get3A_15, %get3A_20 in 1 : vector<400x64xf32>, vector<400x64xf32> -> vector<400x128xf32>
    %mul3A = vector.broadcast %rsqrt3A : vector<400x1xf32> to vector<400x128xf32>
    %mul3A_21 = arith.mulf %concatenate3A, %mul3A : vector<400x128xf32>
    %get3A_22 = arith.constant 0 : index
    %get3A_23 = arith.constant 0 : index
    %get3A_24 = vector.load %arg3[%get3A_22, %get3A_23] : memref<1x128xf32, #tpu.memory_space<vmem>>, vector<1x128xf32>
    %add3A = vector.broadcast %get3A_24 : vector<1x128xf32> to vector<400x128xf32>
    %add3A_25 = arith.addf %mul3A_21, %add3A : vector<400x128xf32>
    %max3A_26 = arith.constant 0.000000e+00 : f32
    %max3A_27 = vector.broadcast %max3A_26 : f32 to vector<400x128xf32>
    %max3A_28 = arith.maximumf %add3A_25, %max3A_27 : vector<400x128xf32>
    %get3A_29 = arith.constant 0 : index
    %get3A_30 = arith.constant 0 : index
    %get3A_31 = vector.load %arg4[%get3A_29, %get3A_30] : memref<128x128xf32, #tpu.memory_space<vmem>>, vector<128x128xf32>
    %dot_general3A = arith.constant dense<0.000000e+00> : vector<400x128xf32>
    %dot_general3A_32 = tpu.matmul %max3A_28, %get3A_31, %dot_general3A {dimension_numbers = #tpu.dot_dimension_numbers<[1], [0], [0], [1], [0, 0, 1, 1], [], []>, transpose_lhs_hint = false} : vector<400x128xf32>, vector<128x128xf32>, vector<400x128xf32> -> vector<400x128xf32>
    %mul3A_33 = vector.broadcast %rsqrt3A_10 : vector<400x1xf32> to vector<400x128xf32>
    %mul3A_34 = arith.mulf %dot_general3A_32, %mul3A_33 : vector<400x128xf32>
    %slice3A = vector.extract_strided_slice %mul3A_34 {offsets = [0, 0], sizes = [400, 64], strides = [1, 1]} : vector<400x128xf32> to vector<400x64xf32>
    %swap3A = arith.constant 0 : index
    %swap3A_35 = arith.constant 0 : index
    %swap3A_36 = arith.constant 0 : index
    %swap3A_37 = vector.load %arg6[%swap3A, %swap3A_35, %swap3A_36] : memref<2x400x64xf32, #tpu.memory_space<vmem>>, vector<1x400x64xf32>
    %swap3A_38 = vector.shape_cast %swap3A_37 : vector<1x400x64xf32> to vector<400x64xf32>
    %swap3A_39 = vector.shape_cast %slice3A : vector<400x64xf32> to vector<1x400x64xf32>
    tpu.vector_store %arg6[%swap3A, %swap3A_35, %swap3A_36], %swap3A_39 {strides = array<i32>} : memref<2x400x64xf32, #tpu.memory_space<vmem>>, vector<1x400x64xf32>,
    %slice3A_40 = vector.extract_strided_slice %mul3A_34 {offsets = [0, 64], sizes = [400, 64], strides = [1, 1]} : vector<400x128xf32> to vector<400x64xf32>
    %swap3A_41 = arith.constant 1 : index
    %swap3A_42 = arith.constant 0 : index
    %swap3A_43 = arith.constant 0 : index
    %swap3A_44 = vector.load %arg6[%swap3A_41, %swap3A_42, %swap3A_43] : memref<2x400x64xf32, #tpu.memory_space<vmem>>, vector<1x400x64xf32>
    %swap3A_45 = vector.shape_cast %swap3A_44 : vector<1x400x64xf32> to vector<400x64xf32>
    %swap3A_46 = vector.shape_cast %slice3A_40 : vector<400x64xf32> to vector<1x400x64xf32>
    tpu.vector_store %arg6[%swap3A_41, %swap3A_42, %swap3A_43], %swap3A_46 {strides = array<i32>} : memref<2x400x64xf32, #tpu.memory_space<vmem>>, vector<1x400x64xf32>,
    return
  }
  func.func @transform_0(%arg0: i32) -> (i32, i32, i32) {
    %c0_i32 = arith.constant 0 : i32
    %c0_i32_0 = arith.constant 0 : i32
    %c0_i32_1 = arith.constant 0 : i32
    return %c0_i32, %arg0, %c0_i32_0 : i32, i32, i32
  }
  func.func @transform_1(%arg0: i32) -> (i32, i32) {
    %c0_i32 = arith.constant 0 : i32
    %c0_i32_0 = arith.constant 0 : i32
    return %arg0, %c0_i32 : i32, i32
  }
  func.func @transform_2(%arg0: i32) -> (i32, i32) {
    %c0_i32 = arith.constant 0 : i32
    %c0_i32_0 = arith.constant 0 : i32
    %c0_i32_1 = arith.constant 0 : i32
    return %c0_i32, %c0_i32_0 : i32, i32
  }
  func.func @transform_3(%arg0: i32) -> (i32, i32) {
    %c0_i32 = arith.constant 0 : i32
    %c0_i32_0 = arith.constant 0 : i32
    %c0_i32_1 = arith.constant 0 : i32
    return %c0_i32, %c0_i32_0 : i32, i32
  }
  func.func @transform_4(%arg0: i32) -> (i32, i32) {
    %c0_i32 = arith.constant 0 : i32
    %c0_i32_0 = arith.constant 0 : i32
    return %arg0, %c0_i32 : i32, i32
  }
  func.func @transform_5(%arg0: i32) -> (i32, i32, i32) {
    %c0_i32 = arith.constant 0 : i32
    %c0_i32_0 = arith.constant 0 : i32
    %c0_i32_1 = arith.constant 0 : i32
    return %c0_i32, %arg0, %c0_i32_0 : i32, i32, i32
  }
}

module attributes {stable_mosaic.version = 14 : i64} {
  func.func @_fin_body(%arg0: i32, %arg1: memref<2x400x64xf32, #tpu.memory_space<vmem>>, %arg2: memref<400x1xf32, #tpu.memory_space<vmem>>, %arg3: memref<1x128xf32, #tpu.memory_space<vmem>>, %arg4: memref<1x128xf32, #tpu.memory_space<vmem>>, %arg5: memref<1x128xf32, #tpu.memory_space<vmem>>, %arg6: memref<400x128xf32, #tpu.memory_space<vmem>>) attributes {dimension_semantics = [#tpu.dimension_semantics<arbitrary>], iteration_bounds = array<i64: 25>, scalar_prefetch = 0 : i64, scratch_operands = 0 : i64, tpu.core_type = #tpu.core_type<tc>, window_params = [{transform_indices = @transform_0, window_bounds = array<i64: 2, 400, 64>}, {transform_indices = @transform_1, window_bounds = array<i64: 400, 1>}, {pipeline_mode = #tpu.pipeline_mode<synchronous>, transform_indices = @transform_2, window_bounds = array<i64: 1, 128>}, {pipeline_mode = #tpu.pipeline_mode<synchronous>, transform_indices = @transform_3, window_bounds = array<i64: 1, 128>}, {pipeline_mode = #tpu.pipeline_mode<synchronous>, transform_indices = @transform_4, window_bounds = array<i64: 1, 128>}, {transform_indices = @transform_5, window_bounds = array<i64: 400, 128>}]} {
    %get3A = arith.constant 0 : index
    %get3A_0 = arith.constant 0 : index
    %get3A_1 = vector.load %arg2[%get3A, %get3A_0] : memref<400x1xf32, #tpu.memory_space<vmem>>, vector<400x1xf32>
    %max3A = arith.constant 1.000000e+00 : f32
    %max3A_2 = vector.broadcast %max3A : f32 to vector<400x1xf32>
    %max3A_3 = arith.maximumf %get3A_1, %max3A_2 : vector<400x1xf32>
    %rsqrt3A = math.rsqrt %max3A_3 : vector<400x1xf32>
    %get3A_4 = arith.constant 0 : index
    %get3A_5 = arith.constant 0 : index
    %get3A_6 = arith.constant 0 : index
    %get3A_7 = vector.load %arg1[%get3A_4, %get3A_5, %get3A_6] : memref<2x400x64xf32, #tpu.memory_space<vmem>>, vector<1x400x64xf32>
    %get3A_8 = vector.shape_cast %get3A_7 : vector<1x400x64xf32> to vector<400x64xf32>
    %get3A_9 = arith.constant 1 : index
    %get3A_10 = arith.constant 0 : index
    %get3A_11 = arith.constant 0 : index
    %get3A_12 = vector.load %arg1[%get3A_9, %get3A_10, %get3A_11] : memref<2x400x64xf32, #tpu.memory_space<vmem>>, vector<1x400x64xf32>
    %get3A_13 = vector.shape_cast %get3A_12 : vector<1x400x64xf32> to vector<400x64xf32>
    %concatenate3A = tpu.concatenate %get3A_8, %get3A_13 in 1 : vector<400x64xf32>, vector<400x64xf32> -> vector<400x128xf32>
    %mul3A = vector.broadcast %rsqrt3A : vector<400x1xf32> to vector<400x128xf32>
    %mul3A_14 = arith.mulf %concatenate3A, %mul3A : vector<400x128xf32>
    %get3A_15 = arith.constant 0 : index
    %get3A_16 = arith.constant 0 : index
    %get3A_17 = vector.load %arg3[%get3A_15, %get3A_16] : memref<1x128xf32, #tpu.memory_space<vmem>>, vector<1x128xf32>
    %add3A = vector.broadcast %get3A_17 : vector<1x128xf32> to vector<400x128xf32>
    %add3A_18 = arith.addf %mul3A_14, %add3A : vector<400x128xf32>
    %reduce_sum3A = arith.constant dense<0.000000e+00> : vector<400xf32>
    %reduce_sum3A_19 = vector.multi_reduction <add>, %add3A_18, %reduce_sum3A [1] : vector<400x128xf32> to vector<400xf32>
    %broadcast_in_dim3A = vector.shape_cast %reduce_sum3A_19 : vector<400xf32> to vector<400x1xf32>
    %div3A = arith.constant 1.280000e+02 : f32
    %div3A_20 = vector.broadcast %div3A : f32 to vector<400x1xf32>
    %div3A_21 = arith.divf %broadcast_in_dim3A, %div3A_20 : vector<400x1xf32>
    %sub3A = vector.broadcast %div3A_21 : vector<400x1xf32> to vector<400x128xf32>
    %sub3A_22 = arith.subf %add3A_18, %sub3A : vector<400x128xf32>
    %mul3A_23 = arith.mulf %sub3A_22, %sub3A_22 : vector<400x128xf32>
    %reduce_sum3A_24 = arith.constant dense<0.000000e+00> : vector<400xf32>
    %reduce_sum3A_25 = vector.multi_reduction <add>, %mul3A_23, %reduce_sum3A_24 [1] : vector<400x128xf32> to vector<400xf32>
    %broadcast_in_dim3A_26 = vector.shape_cast %reduce_sum3A_25 : vector<400xf32> to vector<400x1xf32>
    %div3A_27 = arith.constant 1.280000e+02 : f32
    %div3A_28 = vector.broadcast %div3A_27 : f32 to vector<400x1xf32>
    %div3A_29 = arith.divf %broadcast_in_dim3A_26, %div3A_28 : vector<400x1xf32>
    %add3A_30 = arith.constant 9.99999974E-6 : f32
    %add3A_31 = vector.broadcast %add3A_30 : f32 to vector<400x1xf32>
    %add3A_32 = arith.addf %div3A_29, %add3A_31 : vector<400x1xf32>
    %rsqrt3A_33 = math.rsqrt %add3A_32 : vector<400x1xf32>
    %mul3A_34 = vector.broadcast %rsqrt3A_33 : vector<400x1xf32> to vector<400x128xf32>
    %mul3A_35 = arith.mulf %sub3A_22, %mul3A_34 : vector<400x128xf32>
    %get3A_36 = arith.constant 0 : index
    %get3A_37 = arith.constant 0 : index
    %get3A_38 = vector.load %arg4[%get3A_36, %get3A_37] : memref<1x128xf32, #tpu.memory_space<vmem>>, vector<1x128xf32>
    %mul3A_39 = vector.broadcast %get3A_38 : vector<1x128xf32> to vector<400x128xf32>
    %mul3A_40 = arith.mulf %mul3A_35, %mul3A_39 : vector<400x128xf32>
    %get3A_41 = arith.constant 0 : index
    %get3A_42 = arith.constant 0 : index
    %get3A_43 = vector.load %arg5[%get3A_41, %get3A_42] : memref<1x128xf32, #tpu.memory_space<vmem>>, vector<1x128xf32>
    %add3A_44 = vector.broadcast %get3A_43 : vector<1x128xf32> to vector<400x128xf32>
    %add3A_45 = arith.addf %mul3A_40, %add3A_44 : vector<400x128xf32>
    %swap3A = arith.constant 0 : index
    %swap3A_46 = arith.constant 0 : index
    %swap3A_47 = vector.load %arg6[%swap3A, %swap3A_46] : memref<400x128xf32, #tpu.memory_space<vmem>>, vector<400x128xf32>
    tpu.vector_store %arg6[%swap3A, %swap3A_46], %add3A_45 {strides = array<i32>} : memref<400x128xf32, #tpu.memory_space<vmem>>, vector<400x128xf32>,
    return
  }
  func.func @transform_0(%arg0: i32) -> (i32, i32, i32) {
    %c0_i32 = arith.constant 0 : i32
    %c0_i32_0 = arith.constant 0 : i32
    %c0_i32_1 = arith.constant 0 : i32
    return %c0_i32, %arg0, %c0_i32_0 : i32, i32, i32
  }
  func.func @transform_1(%arg0: i32) -> (i32, i32) {
    %c0_i32 = arith.constant 0 : i32
    %c0_i32_0 = arith.constant 0 : i32
    return %arg0, %c0_i32 : i32, i32
  }
  func.func @transform_2(%arg0: i32) -> (i32, i32) {
    %c0_i32 = arith.constant 0 : i32
    %c0_i32_0 = arith.constant 0 : i32
    %c0_i32_1 = arith.constant 0 : i32
    return %c0_i32, %c0_i32_0 : i32, i32
  }
  func.func @transform_3(%arg0: i32) -> (i32, i32) {
    %c0_i32 = arith.constant 0 : i32
    %c0_i32_0 = arith.constant 0 : i32
    %c0_i32_1 = arith.constant 0 : i32
    return %c0_i32, %c0_i32_0 : i32, i32
  }
  func.func @transform_4(%arg0: i32) -> (i32, i32) {
    %c0_i32 = arith.constant 0 : i32
    %c0_i32_0 = arith.constant 0 : i32
    %c0_i32_1 = arith.constant 0 : i32
    return %c0_i32, %c0_i32_0 : i32, i32
  }
  func.func @transform_5(%arg0: i32) -> (i32, i32) {
    %c0_i32 = arith.constant 0 : i32
    %c0_i32_0 = arith.constant 0 : i32
    return %arg0, %c0_i32 : i32, i32
  }
}

</mosaic_0001>

<sc_bundles>
// kernel: kernel.11.cloned.1.call-start
scs
__scs_entry_jumppad:
0x0: {  	(pc) =	sbr.rel $0x88, $3  }
0x1: {  	(tag) =	ssettag $0x0;
	lr =	simm.s32 $0x1  }
0x2: {  	[smem:$0x3F99] =	sst lr;
	_ =	strace $0xD0000000  }
0x3: {  	_ = 	snop  }
0x4: {  	_ = 	snop  }
0x5: {  	_ = 	snop  }
0x6: {  	_ = 	snop  }
0x7: {  	_ = 	snop  }
__scs_overlays_trampoline_lowered:
0x8: {  	[smem:$0x3FA8] =	sst s0  }
0x9: {  	[smem:$0x3FA9] =	sst s1  }
0xa: {  	[smem:$0x3FAA] =	sst s2  }
0xb: {  	[smem:$0x3FAB] =	sst s3  }
0xc: {  	[smem:$0x3FAC] =	sst s4  }
0xd: {  	[smem:$0x3FAD] =	sst s5  }
0xe: {  	[smem:$0x3FAE] =	sst s6  }
0xf: {  	[smem:$0x3FAF] =	sst s7  }
0x10: {  	[smem:$0x3FB0] =	sst s8  }
0x11: {  	[smem:$0x3FB1] =	sst s9;
	s0 =	simm.s32 @!p0 $0x0  }
0x12: {  	s1 =	sld [smem:$0x3F97];
	s0 =	simm.s32 @p0 $0x1  }
0x13: {  	[smem:$0x3FB2] =	sst s0;
	s0 =	simm.s32 @!p1 $0x0  }
0x14: {  	s2 =	sld [smem:$0x3F96];
	s0 =	simm.s32 @p1 $0x1  }
0x15: {  	[smem:$0x3FB3] =	sst s0;
	s0 =	simm.s32 @!p2 $0x0  }
0x16: {  	s3 =	sld [smem:$0x3FDB];
	s0 =	simm.s32 @p2 $0x1  }
0x17: {  	s4 =	simm.s32 $0x1BF5;
	[smem:$0x3FB5] =	sst s0  }
0x18: {  	s0 =	sld [smem:$0x3F98];
	_ =	swait.ge [sflag:s4], $0x0  }
0x19: {  	s7 =	sld [smem:$0x3F99]  }
0x1a: {  	s8 =	sadd.s32 $0xFFFFE003, lr  }
0x1b: {  	s9 =	sadd.s32 $0xFFFFFEF7, lr;
	s5 =	simm.s32 $0xFFFFFFFF;
	p2 =	slt.u32 s8, $0xFFFFF086  }
0x1c: {  	p1 =	slt.u32 s9, $0xF7A;
	s5 =	simm.s32 @!p2 $0x0  }
0x1d: {  	s5 =	simm.s32 @p1 $0x1;
	p0 =	seq.s32 s7, s2  }
0x1e: {  	s7 =	smul.u32 @!p0 $0xF7A, s2;
	p2 =	seq.s32 @!p0 s5, $0x0  }
0x1f: {  	s9 =	smul.u32 $0xF7A, s1;
	s8 =	simm.s32 @!p0 $0x1BF5;
	p2 =	por !p2, p0  }
0x20: {  	[sflag:s8] =	ssyncset.s32 @!p0 $0xFFFFF086;
	s6 =	sadd.s32 @!p0 s3, s7;
	s7 =	simm.s32 @!p0 $0x108  }
0x21: {  	s3 =	sadd.s32 s3, s9;
	s6 =	sadd.s32 @!p0 $0x88, s6;
	s7 =	simm.s32 @p2 $0x1082  }
0x22: {  	[simem:s7], [sflag:s8] =	dma.local @!p0 [hbm:s6], $0xF7A  }
0x23: {  	s9 =	sor.u32 $0xD0000000, s2;
	s6 =	simm.s32 $0x108;
	_ =	swait.ge @!p0 [sflag:s8], $0x0  }
0x24: {  	s3 =	sadd.s32 $0x88, s3;
	s6 =	simm.s32 @!p1 $0x1082;
	[sflag:s4] =	ssyncset.s32 $0xFFFFF086  }
0x25: {  	[simem:s6], [sflag:s4] =	dma.local [hbm:s3], $0xF7A  }
0x26: {  	[smem:$0x3F99] =	sst s1;
	(tag) =	ssettag s2;
	_ =	strace s9  }
0x27: {  	s1 =	sld [smem:$0x3FA9]  }
0x28: {  	s2 =	sld [smem:$0x3FAA]  }
0x29: {  	s4 =	sld [smem:$0x3FAC]  }
0x2a: {  	p0 =	seq.s32 s5, $0x0;
	s5 =	sld [smem:$0x3FAD]  }
0x2b: {  	s6 =	sld [smem:$0x3FAE]  }
0x2c: {  	s7 =	sld [smem:$0x3FAF]  }
0x2d: {  	s3 =	simm.s32 $0x108;
	s8 =	sld [smem:$0x3FB0]  }
0x2e: {  	s3 =	simm.s32 @!p0 $0x1082;
	s9 =	sld [smem:$0x3FB1]  }
0x2f: {  	lr =	sadd.s32 s0, s3;
	s0 =	sld [smem:$0x3FA8]  }
0x30: {  	s3 =	sld [smem:$0x3FAB]  }
0x31: {  	[smem:$0x3FB4] =	sst s10  }
0x32: {  	s10 =	sld [smem:$0x3FB2];
	_ =	sdelay $0x3  }
0x33: {  	p0 =	seq.s32 s10, $0x1;
	s10 =	sld [smem:$0x3FB4];
	_ =	sdelay $0x3  }
0x34: {  	[smem:$0x3FB4] =	sst s10  }
0x35: {  	s10 =	sld [smem:$0x3FB3];
	_ =	sdelay $0x3  }
0x36: {  	p1 =	seq.s32 s10, $0x1;
	s10 =	sld [smem:$0x3FB4];
	_ =	sdelay $0x3  }
0x37: {  	[smem:$0x3FB4] =	sst s10  }
0x38: {  	s10 =	sld [smem:$0x3FB5]  }
0x39: {  	_ = 	snop;
	(pc) =	sbr.ind lr, $3  }
0x3a: {  	_ = 	snop  }
0x3b: {  	_ = 	snop  }
0x3c: {  	p2 =	seq.s32 s10, $0x1;
	s10 =	sld [smem:$0x3FB4]  }
0x3d: {  	_ =	shalt  }
0x3e: {  	_ =	shalt  }
0x3f: {  	_ =	shalt  }
0x40: {  	_ =	shalt  }
0x41: {  	_ =	shalt  }
0x42: {  	_ =	shalt  }
0x43: {  	_ =	shalt  }
0x44: {  	_ =	shalt  }
0x45: {  	_ =	shalt  }
0x46: {  	_ =	shalt  }
0x47: {  	_ =	shalt  }
0x48: {  	_ =	shalt  }
0x49: {  	_ =	shalt  }
0x4a: {  	_ =	shalt  }
0x4b: {  	_ =	shalt  }
0x4c: {  	_ =	shalt  }
0x4d: {  	_ =	shalt  }
0x4e: {  	_ =	shalt  }
0x4f: {  	_ =	shalt  }
0x50: {  	_ =	shalt  }
0x51: {  	_ =	shalt  }
0x52: {  	_ =	shalt  }
0x53: {  	_ =	shalt  }
0x54: {  	_ =	shalt  }
0x55: {  	_ =	shalt  }
0x56: {  	_ =	shalt  }
0x57: {  	_ =	shalt  }
0x58: {  	_ =	shalt  }
0x59: {  	_ =	shalt  }
0x5a: {  	_ =	shalt  }
0x5b: {  	_ =	shalt  }
0x5c: {  	_ =	shalt  }
0x5d: {  	_ =	shalt  }
0x5e: {  	_ =	shalt  }
0x5f: {  	_ =	shalt  }
0x60: {  	_ =	shalt  }
0x61: {  	_ =	shalt  }
0x62: {  	_ =	shalt  }
0x63: {  	_ =	shalt  }
0x64: {  	_ =	shalt  }
0x65: {  	_ =	shalt  }
0x66: {  	_ =	shalt  }
0x67: {  	_ =	shalt  }
0x68: {  	_ =	shalt  }
0x69: {  	_ =	shalt  }
0x6a: {  	_ =	shalt  }
0x6b: {  	_ =	shalt  }
0x6c: {  	_ =	shalt  }
0x6d: {  	_ =	shalt  }
0x6e: {  	_ =	shalt  }
0x6f: {  	_ =	shalt  }
0x70: {  	_ =	shalt  }
0x71: {  	_ =	shalt  }
0x72: {  	_ =	shalt  }
0x73: {  	_ =	shalt  }
0x74: {  	_ =	shalt  }
0x75: {  	_ =	shalt  }
0x76: {  	_ =	shalt  }
0x77: {  	_ =	shalt  }
0x78: {  	_ =	shalt  }
0x79: {  	_ =	shalt  }
0x7a: {  	_ =	shalt  }
0x7b: {  	_ =	shalt  }
0x7c: {  	_ =	shalt  }
0x7d: {  	_ =	shalt  }
0x7e: {  	_ =	shalt  }
0x7f: {  	_ =	shalt  }
0x80: {  	_ =	shalt  }
0x81: {  	_ =	shalt  }
0x82: {  	_ =	shalt  }
0x83: {  	_ =	shalt  }
0x84: {  	_ =	shalt  }
0x85: {  	_ =	shalt  }
0x86: {  	_ =	shalt  }
0x87: {  	_ =	shalt  }
.Lfunc_end0:
.L_simem_size_0:
called_computation.1_lowered:
.L_overlay_start_0:
0x88: {  	s2 =	sld [smem:$0x3FD9]  }
0x89: {  	s3 =	sld [smem:$0x3FFE];
	_ =	sdelay $0x1  }
0x8a: {  	s1 =	srdreg.scid  }
0x8b: {  	s0 =	sand.u32 $0x1, s1  }
0x8c: {  	s17 =	sshll.u32 s0, $0xA;
	s2 =	sadd.s32 s3, s2  }
0x8d: {  	s2 =	sadd.s32 s2, s17  }
0x8e: {  	[smem:$0x3FC0] =	sst s2  }
0x8f: {  	_ = 	snop  }
0x90: {  	s2 =	sld [smem:$0x3FD0];
	(tm) =	ssettm $0x1  }
0x91: {  	s18 =	sld [smem:$0x3FFB];
	_ =	sdelay $0x3  }
0x92: {  	_ =	strace s18  }
0x93: {  	s3 =	sld [smem:$0x3FFC];
	_ =	sdelay $0x3  }
0x94: {  	_ =	strace s3  }
0x95: {  	s3 =	sld [smem:$0x3FFD];
	_ =	sdelay $0x3  }
0x96: {  	_ =	strace s3  }
0x97: {  	_ =	strace $0x8FFFFFFF  }
0x98: {  	s19 =	sld [smem:$0x3FDB];
	_ =	sdelay $0x1  }
0x99: {  	s4 =	simm.s32 $_scs_section_size  }
0x9a: {  	s5 =	simm.s32 $_size__tile_overlayer_lowered;
	s6 =	simm.s32 $_tile_overlayer_lowered  }
0x9b: {  	s22 =	simm.s32 $0x1BFF;
	s21 =	sshll.u32 s6, $0x1;
	s3 =	sadd.s32 s4, s19  }
0x9c: {  	s7 =	simm.s32 $0x0;
	s20 =	sshll.u32 s5, $0x1;
	s5 =	sadd.s32 s21, s3  }
0x9d: {  	[timem:s7], [sflag:s22] =	dma.local [hbm:s5], s20  }
0x9e: {  	_ =	swait.ge [sflag:s22], s20  }
0x9f: {  	s4 =	ssub.s32 $0x0, s20;
	[sflag:s22] =	ssyncset.done $0x0  }
0xa0: {  	[sflag:s22] =	ssyncadd.s32 s4;
	_ =	sdelay $0x1  }
0xa1: {  	s23 =	simm.s32 $0x1B8B  }
0xa2: {  	_ =	swait.ge [sflag:s23], $0x1  }
0xa3: {  	[sflag:s23] =	ssyncset.done $0x0  }
0xa4: {  	s25 =	simm.s32 $0x1B8E;
	s24 =	sld [smem:$0x3FFE];
	[sflag:s23] =	ssyncadd.s32 $0xFFFFFFFF  }
0xa5: {  	s26 =	simm.s32 $execute0_lowered;
	[smem:$0x3FD2] =	sst s25  }
0xa6: {  	s5 =	sshll.u32 s26, $0x1;
	_ =	strace $0x80000049;
	[dreg:$0x1] =	wrdreg $0xFFFFFFFF  }
0xa7: {  	s28 =	simm.s32 $_size_execute0_lowered;
	s3 =	sadd.s32 s3, s5;
	[dreg:$0x0] =	wrdreg $0x0  }
0xa8: {  	s5 =	sshll.u32 s28, $0x1;
	[dreg:$0x2] =	wrdreg s3  }
0xa9: {  	[dreg:$0x3] =	wrdreg s5  }
0xaa: {  	[dreg:$0x4] =	wrdreg $0xC0  }
0xab: {  	_ =	task [dreg:s7], $0x5FFFF  }
0xac: {  	[dreg:$0x1] =	wrdreg $0xFFFFFFFF  }
0xad: {  	[dreg:$0x0] =	wrdreg $0x60  }
0xae: {  	[dreg:$0x2] =	wrdreg s2  }
0xaf: {  	[dreg:$0x3] =	wrdreg s24  }
0xb0: {  	[dreg:$0x4] =	wrdreg $0x118400  }
0xb1: {  	[dreg:$0x5] =	wrdreg $0x9  }
0xb2: {  	_ =	task.clear_ibuf [dreg:s7], $0x6FFFF;
	_ =	strace $0x90000049  }
0xb3: {  	s29 =	simm.s32 $0x9;
	_ =	strace $0x8000004B  }
0xb4: {  	_ =	swait.ge [sflag:s29], $0x1  }
0xb5: {  	[sflag:s29] =	ssyncadd.s32 $0xFFFFFFFF  }
0xb6: {  	_ =	strace $0x9000004B  }
0xb7: {  	_ =	sfence  }
0xb8: {  	s30 =	sld [smem:$0x0];
	_ =	sdelay $0x2  }
0xb9: {  	s31 =	sshll.u32 s1, $0xD;
	s1 =	sshrl.u32 s1, $0x2  }
0xba: {  	s3 =	sand.u32 $0x4000, s31;
	s1 =	sadd.s32 s1, s30  }
0xbb: {  	s0 =	sor.u32 s3, s0;
	s1 =	sshll.u32 s1, $0x11  }
0xbc: {  	s0 =	sor.u32 s1, s0  }
0xbd: {  	s0 =	sadd.s32 $0x8F2B, s0  }
0xbe: {  	[sflag:s0] =	ssyncadd.remote.s32 $0x1  }
0xbf: {  	_ =	sfence.sel $0xFFFF  }
0xc0: {  	[dreg:$0x0] =	wrdreg $0xFFFFFFFF;
	(pc) =	sbr.abs _section_cstart, $3  }
0xc1: {  	[dreg:$0x1] =	wrdreg $0xFFFFFFFF  }
0xc2: {  	_ =	task.clear_ibuf [dreg:s7], $0x2FFFF;
	_ =	strace $0x9FFFFFFF  }
0xc3: {  	(tm) =	ssettm $0x7FFFFFFF  }
tec
execute0_lowered:
.L_overlay_start_1:
0x0: {  	(tag) =	ssettag $0x1  }
0x1: {  	s8 =	rddreg [dreg:$0x0]  }
0x2: {  	s4 =	rddreg [dreg:$0x1]  }
0x3: {  	s2 =	rddreg [dreg:$0x2]  }
0x4: {  	s0 =	rddreg [dreg:$0x3];
	s3 =	simm.s32 $0x0  }
0x5: {  	s1 =	stileid.u32;
	s6 =	srdreg.scid;
	s15 =	simm.s32 $0x50  }
0x6: {  	s16 =	simm.s32 $0x9C40;
	s17 =	simm.s32 $0xB040;
	s18 =	simm.s32 $0xA0  }
0x7: {  	s19 =	simm.s32 $0xC440;
	s20 =	simm.s32 $0x8;
	s21 =	simm.s32 $0x9  }
0x8: {  	s22 =	simm.s32 $0xA;
	s24 =	simm.s32 $0x0;
	s5 =	smul.u32 $0x9C4, s1  }
0x9: {  	[smem:$0x7FF] =	sst s3;
	s6 =	sand.u32 $0x1, s6;
	s9 =	smul.u32 $0x27000, s1  }
0xa: {  	s10 =	sadd.s32 $0x15600, s4;
	s13 =	smul.u32 $0x9C00, s1;
	p0 =	sne.s32 s1, $0xF  }
0xb: {  	_ =	strace $0x8000004A;
	s7 =	ssub.s32 $0x2, s6;
	s11 =	smul.u32 $0x9C400, s6  }
0xc: {  	s5 =	sadd.s32 s5, s4;
	s29 =	sshrl.u32 s7, $0x1;
	s30 =	sshrl.u32 s9, $0x2  }
0xd: {  	s23 =	sadd.s32 s13, s2;
	s12 =	ssub.s32 s7, s29;
	s4 =	sadd.s32 $0xB800, s5  }
0xe: {  	s5 =	sadd.s32 $0x1A00, s5;
	s6 =	sadd.s32 s30, s2;
	s7 =	sadd.s32 $0x9C000, s2  }
0xf: {  	s31 =	sshrl.u32 s11, $0x3;
	s11 =	sadd.s32 s13, s11;
	s13 =	simm.s32 $0x4E20  }
0x10: {  	s23 =	sshrl.u32 s23, $0x3;
	s11 =	sshrl.u32 s11, $0x3;
	s14 =	sadd.s32 s10, s31  }
0x11: {  	s8 =	sadd.s32 s8, s31;
	s9 =	sadd.s32 s10, s11;
	s10 =	sadd.s32 $0x13800, s14  }
0x12: {  	v0 =	vimm.f32 $0.0e+00;
	s11 =	smax.u32 s12, $0x1;
	s12 =	simm.s32 $0xD;
	s14 =	simm.s32 $0x11440  }
.LBB2_1:
0x13: {  	[tilespmem:s3], [sflag:$0xD] =	stream.linear.gather [hbm4b:s4+s3], $0x4E20, $0x38;
	[tilespmem:$0x1B480] =	vst v63  }
0x14: {  	_ =	swait.ge [sflag:s12], $0x4E20  }
0x15: {  	[sflag:s12] =	ssyncset.done $0x0  }
0x16: {  	[sflag:s12] =	ssyncadd.s32 $0xFFFFB1E0  }
0x17: {  	[tilespmem:s13], [sflag:$0xD] =	stream.linear.gather [hbm4b:s5+s3], $0x4E20, $0x38;
	[tilespmem:$0x1B480] =	vst v63  }
0x18: {  	_ =	swait.ge [sflag:s12], $0x4E20  }
0x19: {  	[sflag:s12] =	ssyncset.done $0x0  }
0x1a: {  	[sflag:s12] =	ssyncadd.s32 $0xFFFFB1E0  }
0x1b: {  	[tilespmem:$0x11440] =	vst v0  }
0x1c: {  	[tilespmem:$0x11450] =	vst v0  }
0x1d: {  	[tilespmem:$0x11460] =	vst v0  }
0x1e: {  	[tilespmem:$0x11470] =	vst v0  }
0x1f: {  	[tilespmem:$0x11480] =	vst v0  }
0x20: {  	[tilespmem:$0x11490] =	vst v0  }
0x21: {  	[tilespmem:$0x114A0] =	vst v0  }
0x22: {  	[tilespmem:$0x114B0] =	vst v0  }
0x23: {  	[tilespmem:$0x114C0] =	vst v0  }
0x24: {  	[tilespmem:$0x114D0] =	vst v0  }
0x25: {  	[tilespmem:$0x114E0] =	vst v0  }
0x26: {  	[tilespmem:$0x114F0] =	vst v0  }
0x27: {  	[tilespmem:$0x11500] =	vst v0  }
0x28: {  	[tilespmem:$0x11510] =	vst v0  }
0x29: {  	[tilespmem:$0x11520] =	vst v0  }
0x2a: {  	[tilespmem:$0x11530] =	vst v0  }
0x2b: {  	[tilespmem:$0x11540] =	vst v0  }
0x2c: {  	[tilespmem:$0x11550] =	vst v0  }
0x2d: {  	[tilespmem:$0x11560] =	vst v0  }
0x2e: {  	[tilespmem:$0x11570] =	vst v0  }
0x2f: {  	[tilespmem:$0x11580] =	vst v0  }
0x30: {  	[tilespmem:$0x11590] =	vst v0  }
0x31: {  	[tilespmem:$0x115A0] =	vst v0  }
0x32: {  	[tilespmem:$0x115B0] =	vst v0  }
0x33: {  	[tilespmem:$0x115C0] =	vst v0  }
0x34: {  	[tilespmem:$0x115D0] =	vst v0  }
0x35: {  	[tilespmem:$0x115E0] =	vst v0  }
0x36: {  	[tilespmem:$0x115F0] =	vst v0  }
0x37: {  	[tilespmem:$0x11600] =	vst v0  }
0x38: {  	[tilespmem:$0x11610] =	vst v0  }
0x39: {  	[tilespmem:$0x11620] =	vst v0  }
0x3a: {  	[tilespmem:$0x11630] =	vst v0  }
0x3b: {  	[tilespmem:$0x11640] =	vst v0  }
0x3c: {  	[tilespmem:$0x11650] =	vst v0  }
0x3d: {  	[tilespmem:$0x11660] =	vst v0  }
0x3e: {  	[tilespmem:$0x11670] =	vst v0  }
0x3f: {  	[tilespmem:$0x11680] =	vst v0  }
0x40: {  	[tilespmem:$0x11690] =	vst v0  }
0x41: {  	[tilespmem:$0x116A0] =	vst v0  }
0x42: {  	[tilespmem:$0x116B0] =	vst v0  }
0x43: {  	[tilespmem:$0x116C0] =	vst v0  }
0x44: {  	[tilespmem:$0x116D0] =	vst v0  }
0x45: {  	[tilespmem:$0x116E0] =	vst v0  }
0x46: {  	[tilespmem:$0x116F0] =	vst v0  }
0x47: {  	[tilespmem:$0x11700] =	vst v0  }
0x48: {  	[tilespmem:$0x11710] =	vst v0  }
0x49: {  	[tilespmem:$0x11720] =	vst v0  }
0x4a: {  	[tilespmem:$0x11730] =	vst v0  }
0x4b: {  	[tilespmem:$0x11740] =	vst v0  }
0x4c: {  	[tilespmem:$0x11750] =	vst v0  }
0x4d: {  	[tilespmem:$0x11760] =	vst v0  }
0x4e: {  	[tilespmem:$0x11770] =	vst v0  }
0x4f: {  	[tilespmem:$0x11780] =	vst v0  }
0x50: {  	[tilespmem:$0x11790] =	vst v0  }
0x51: {  	[tilespmem:$0x117A0] =	vst v0  }
0x52: {  	[tilespmem:$0x117B0] =	vst v0  }
0x53: {  	[tilespmem:$0x117C0] =	vst v0  }
0x54: {  	[tilespmem:$0x117D0] =	vst v0  }
0x55: {  	[tilespmem:$0x117E0] =	vst v0  }
0x56: {  	[tilespmem:$0x117F0] =	vst v0  }
0x57: {  	[tilespmem:$0x11800] =	vst v0  }
0x58: {  	[tilespmem:$0x11810] =	vst v0  }
0x59: {  	[tilespmem:$0x11820] =	vst v0  }
0x5a: {  	s25 =	sadd.s32 $0x0, s6;
	[tilespmem:$0x11830] =	vst v0  }
0x5b: {  	[spmem:s25] =	stream.linear.scatter [tilespmem:s14], [sflag:$0xD], $0x400, $0x38;
	[tilespmem:$0x1B480] =	vst v63  }
0x5c: {  	s25 =	simm.s32 $0x1000;
	_ =	swait.ge [sflag:s12], $0x400  }
.LBB2_2:
0x5d: {  	s26 =	sshra.s32 s25, $0x2;
	[sflag:s12] =	ssyncset.done $0x0;
	p1 =	sne.s32 s25, $0x26000  }
.Ltmp0:
0x5e: {  	s26 =	sadd.s32 s26, s6;
	[sflag:s12] =	ssyncadd.s32 $0xFFFFFC00;
	(pc) =	sbr.rel @p1 .LBB2_2-.Ltmp0, $3  }
0x5f: {  	[spmem:s26] =	stream.linear.scatter [tilespmem:s14], [sflag:$0xD], $0x400, $0x38;
	[tilespmem:$0x1B480] =	vst v63  }
0x60: {  	s25 =	sadd.s32 $0x1000, s25;
	_ =	sdelay $0x1  }
0x61: {  	_ =	swait.ge [sflag:s12], $0x400  }
0x62: {  	[sflag:s12] =	ssyncset.done $0x0  }
0x63: {  	s25 =	simm.s32 @!p0 $0x11440;
	[sflag:s12] =	ssyncadd.s32 $0xFFFFFC00  }
0x64: {  	[spmem:s7] =	stream.linear.scatter @!p0 [tilespmem:s25], [sflag:$0xD], $0x400, $0x38;
	[tilespmem:$0x1B480] =	vst v63  }
0x65: {  	s25 =	simm.s32 @!p0 $0xD  }
0x66: {  	_ =	swait.ge @!p0 [sflag:s25], $0x400  }
0x67: {  	[sflag:s25] =	ssyncset.done @!p0 $0x0  }
0x68: {  	[sflag:s25] =	ssyncadd.s32 @!p0 $0xFFFFFC00  }
0x69: {  	s25 =	simm.s32 $0x0;
	[bflag:$0x0] =	sbarrier.arrive $0xFFFF  }
0x6a: {  	[tilespmem:s16], [sflag:$0x1] =	stream.indirect.gather [hbm4b:s8+s15], $0x40, s25, s15, $0xb8;
	[tilespmem:$0x1B480] =	vst v63  }
0x6b: {  	_ = 	snop  }
0x6c: {  	[tilespmem:s17], [sflag:$0x2] =	stream.indirect.gather [hbm4b:s8+s15], $0x40, s15, s15, $0xb8;
	[tilespmem:$0x1B480] =	vst v63  }
0x6d: {  	s26 =	simm.s32 $0x4E20;
	s28 =	simm.s32 $0xF0  }
0x6e: {  	[tilespmem:s19], [sflag:$0x3] =	stream.indirect.gather [hbm4b:s8+s15], $0x40, s18, s15, $0xb8;
	[tilespmem:$0x1B480] =	vst v63  }
.LBB2_4:
0x6f: {  	s29 =	sadd.s32 $0x3, s25  }
0x70: {  	s30 =	sand.u32 $0xFF, s29  }
0x71: {  	s30 =	smul.u32 $0xAB, s30;
	_ =	sdelay $0x1  }
0x72: {  	s30 =	sshrl.u32 s30, $0xA  }
0x73: {  	s30 =	smul.u32 $0x6, s30;
	_ =	sdelay $0x1  }
0x74: {  	s29 =	ssub.s32 s29, s30  }
0x75: {  	p1 =	slt.u32 s25, $0x3;
	s29 =	sand.u32 $0xFF, s29  }
0x76: {  	s30 =	sadd.s32 @!p1 $0x7, s29  }
0x77: {  	p2 =	sgt.u32 @!p1 s25, $0xF6;
	_ =	swait.ge @!p1 [sflag:s30], $0x1400  }
0x78: {  	p2 =	por p1, !p2;
	[sflag:s30] =	ssyncset.done @!p1 $0x0  }
0x79: {  	[sflag:s30] =	ssyncadd.s32 @!p1 $0xFFFFEC00;
	s30 =	smul.u32 @p2 $0x5000, s29;
	_ =	sdelay $0x1  }
0x7a: {  	s30 =	sshrl.u32 @p2 s30, $0x2  }
0x7b: {  	s29 =	sadd.s32 @p2 $0x1, s29;
	s30 =	sadd.s32 @p2 $0x9C40, s30  }
0x7c: {  	[tilespmem:s30], [sflag:s29] =	stream.indirect.gather @p2 [hbm4b:s8+s15], $0x40, s28, s15, $0xb8;
	[tilespmem:$0x1B480] =	vst v63  }
0x7d: {  	s30 =	smul.u32 $0xAB, s25;
	_ =	sdelay $0x1  }
0x7e: {  	s29 =	sshrl.u32 s30, $0xA  }
0x7f: {  	s29 =	sand.u32 $0x3F, s29  }
0x80: {  	s29 =	smul.u32 $0x6, s29;
	_ =	sdelay $0x1  }
0x81: {  	s29 =	ssub.s32 s25, s29  }
0x82: {  	s25 =	sadd.s32 $0x1, s25;
	s29 =	sand.u32 $0xFF, s29  }
0x83: {  	p1 =	sne.s32 s25, $0xFA;
	s30 =	sadd.s32 $0x1, s29;
	s31 =	smul.u32 $0x5000, s29  }
.Ltmp1:
0x84: {  	_ =	swait.ge [sflag:s30], $0x1400;
	(pc) =	sbr.rel @p1 .LBB2_4-.Ltmp1, $4  }
0x85: {  	[sflag:s30] =	ssyncset.done $0x0;
	s31 =	sshrl.u32 s31, $0x2  }
0x86: {  	s29 =	sadd.s32 $0x7, s29;
	[sflag:s30] =	ssyncadd.s32 $0xFFFFEC00;
	s31 =	sadd.s32 $0x9C40, s31  }
0x87: {  	[spmem:s2] =	stream.indirect.scatter.add.f32 [tilespmem:s31], [sflag:s29], $0x40, s26, s15, $0xb8;
	[tilespmem:$0x1B480] =	vst v63  }
0x88: {  	s28 =	sadd.s32 $0x50, s28;
	s26 =	sadd.s32 $0x50, s26  }
0x89: {  	_ =	swait.ge [sflag:s20], $0x1400  }
0x8a: {  	[sflag:s20] =	ssyncset.done $0x0  }
0x8b: {  	[sflag:s20] =	ssyncadd.s32 $0xFFFFEC00  }
0x8c: {  	_ =	swait.ge [sflag:s21], $0x1400  }
0x8d: {  	[sflag:s21] =	ssyncset.done $0x0  }
0x8e: {  	[sflag:s21] =	ssyncadd.s32 $0xFFFFEC00  }
0x8f: {  	_ =	swait.ge [sflag:s22], $0x1400  }
0x90: {  	[sflag:s22] =	ssyncset.done $0x0  }
0x91: {  	s25 =	sshll.u32 s1, $0x6;
	[sflag:s22] =	ssyncadd.s32 $0xFFFFEC00  }
0x92: {  	s25 =	sor.u32 $0x1C0D, s25;
	[bflag:$0x0] =	sbarrier.arrive $0xFFFF  }
0x93: {  	[hbm:s9], [sflag:s25] =	dma.local [spmem:s23], $0x1380  }
0x94: {  	_ =	swait.ge [sflag:s12], $0x1380  }
0x95: {  	s24 =	sadd.s32 $0x1, s24;
	[sflag:s12] =	ssyncset.done $0x0  }
0x96: {  	s26 =	sshrl.u32 @!p0 s7, $0x3;
	p1 =	sne.s32 s24, s11;
	[sflag:s12] =	ssyncadd.s32 $0xFFFFEC80  }
0x97: {  	[hbm:s10], [sflag:s25] =	dma.local @!p0 [spmem:s26], $0x80  }
.Ltmp2:
0x98: {  	_ = 	snop;
	(pc) =	sbr.rel @p1 .LBB2_1-.Ltmp2, $4  }
0x99: {  	s25 =	simm.s32 @!p0 $0xD  }
0x9a: {  	_ =	swait.ge @!p0 [sflag:s25], $0x80  }
0x9b: {  	[sflag:s25] =	ssyncset.done @!p0 $0x0  }
0x9c: {  	[sflag:s25] =	ssyncadd.s32 @!p0 $0xFFFFFF80  }
0x9d: {  	_ =	sfence.sel $0x180000  }
0x9e: {  	[bflag:$0x0] =	sbarrier.arrive $0xFFFF  }
0x9f: {  	p0 =	sne.s32 s1, $0x0;
	_ =	strace $0x9000004A  }
0xa0: {  	s0 =	sadd.s32 @!p0 $0x100000, s0;
	[bflag:$0x2] =	sbarrier.arrive $0xFFFF  }
0xa1: {  	[sflag:s0] =	ssyncadd.tile.s32 @!p0 $0x1;
	_ =	shalt  }
.Lfunc_end2:
_tile_overlayer_lowered:
.L_overlay_start_2:
0xa2: {  	(tag) =	ssettag $0x2  }
0xa3: {  	s0 =	rddreg [dreg:$0x0];
	s2 =	stileid.u32  }
0xa4: {  	s1 =	rddreg [dreg:$0x1];
	p0 =	sne.s32 s2, $0x0  }
0xa5: {  	s3 =	rddreg [dreg:$0x2];
	[bflag:$0x3] =	sbarrier.arrive $0xFFFF;
	s2 =	simm.s32 @!p0 $0x1C0D  }
0xa6: {  	[timem:s3], [sflag:s2] =	dma.local @!p0 [hbm:s0], s1  }
0xa7: {  	s0 =	simm.s32 @!p0 $0xD  }
0xa8: {  	_ =	swait.ge @!p0 [sflag:s0], s1  }
0xa9: {  	s1 =	ssub.s32 @!p0 $0x0, s1;
	[sflag:s0] =	ssyncset.done @!p0 $0x0  }
0xaa: {  	[sflag:s0] =	ssyncadd.s32 @!p0 s1  }
0xab: {  	[bflag:$0x3] =	sbarrier.arrive $0xFFFF  }
0xac: {  	_ =	shalt  }

// kernel: kernel.14.cloned.1.call-start
scs
__scs_entry_jumppad:
0x0: {  	(pc) =	sbr.rel $0x88, $3  }
0x1: {  	(tag) =	ssettag $0x0;
	lr =	simm.s32 $0x1  }
0x2: {  	[smem:$0x3F99] =	sst lr;
	_ =	strace $0xD0000000  }
0x3: {  	_ = 	snop  }
0x4: {  	_ = 	snop  }
0x5: {  	_ = 	snop  }
0x6: {  	_ = 	snop  }
0x7: {  	_ = 	snop  }
__scs_overlays_trampoline_lowered:
0x8: {  	[smem:$0x3FA8] =	sst s0  }
0x9: {  	[smem:$0x3FA9] =	sst s1  }
0xa: {  	[smem:$0x3FAA] =	sst s2  }
0xb: {  	[smem:$0x3FAB] =	sst s3  }
0xc: {  	[smem:$0x3FAC] =	sst s4  }
0xd: {  	[smem:$0x3FAD] =	sst s5  }
0xe: {  	[smem:$0x3FAE] =	sst s6  }
0xf: {  	[smem:$0x3FAF] =	sst s7  }
0x10: {  	[smem:$0x3FB0] =	sst s8  }
0x11: {  	[smem:$0x3FB1] =	sst s9;
	s0 =	simm.s32 @!p0 $0x0  }
0x12: {  	s1 =	sld [smem:$0x3F97];
	s0 =	simm.s32 @p0 $0x1  }
0x13: {  	[smem:$0x3FB2] =	sst s0;
	s0 =	simm.s32 @!p1 $0x0  }
0x14: {  	s2 =	sld [smem:$0x3F96];
	s0 =	simm.s32 @p1 $0x1  }
0x15: {  	[smem:$0x3FB3] =	sst s0;
	s0 =	simm.s32 @!p2 $0x0  }
0x16: {  	s3 =	sld [smem:$0x3FDB];
	s0 =	simm.s32 @p2 $0x1  }
0x17: {  	s4 =	simm.s32 $0x1BF5;
	[smem:$0x3FB5] =	sst s0  }
0x18: {  	s0 =	sld [smem:$0x3F98];
	_ =	swait.ge [sflag:s4], $0x0  }
0x19: {  	s7 =	sld [smem:$0x3F99]  }
0x1a: {  	s8 =	sadd.s32 $0xFFFFE003, lr  }
0x1b: {  	s9 =	sadd.s32 $0xFFFFFEF7, lr;
	s5 =	simm.s32 $0xFFFFFFFF;
	p2 =	slt.u32 s8, $0xFFFFF086  }
0x1c: {  	p1 =	slt.u32 s9, $0xF7A;
	s5 =	simm.s32 @!p2 $0x0  }
0x1d: {  	s5 =	simm.s32 @p1 $0x1;
	p0 =	seq.s32 s7, s2  }
0x1e: {  	s7 =	smul.u32 @!p0 $0xF7A, s2;
	p2 =	seq.s32 @!p0 s5, $0x0  }
0x1f: {  	s9 =	smul.u32 $0xF7A, s1;
	s8 =	simm.s32 @!p0 $0x1BF5;
	p2 =	por !p2, p0  }
0x20: {  	[sflag:s8] =	ssyncset.s32 @!p0 $0xFFFFF086;
	s6 =	sadd.s32 @!p0 s3, s7;
	s7 =	simm.s32 @!p0 $0x108  }
0x21: {  	s3 =	sadd.s32 s3, s9;
	s6 =	sadd.s32 @!p0 $0x88, s6;
	s7 =	simm.s32 @p2 $0x1082  }
0x22: {  	[simem:s7], [sflag:s8] =	dma.local @!p0 [hbm:s6], $0xF7A  }
0x23: {  	s9 =	sor.u32 $0xD0000000, s2;
	s6 =	simm.s32 $0x108;
	_ =	swait.ge @!p0 [sflag:s8], $0x0  }
0x24: {  	s3 =	sadd.s32 $0x88, s3;
	s6 =	simm.s32 @!p1 $0x1082;
	[sflag:s4] =	ssyncset.s32 $0xFFFFF086  }
0x25: {  	[simem:s6], [sflag:s4] =	dma.local [hbm:s3], $0xF7A  }
0x26: {  	[smem:$0x3F99] =	sst s1;
	(tag) =	ssettag s2;
	_ =	strace s9  }
0x27: {  	s1 =	sld [smem:$0x3FA9]  }
0x28: {  	s2 =	sld [smem:$0x3FAA]  }
0x29: {  	s4 =	sld [smem:$0x3FAC]  }
0x2a: {  	p0 =	seq.s32 s5, $0x0;
	s5 =	sld [smem:$0x3FAD]  }
0x2b: {  	s6 =	sld [smem:$0x3FAE]  }
0x2c: {  	s7 =	sld [smem:$0x3FAF]  }
0x2d: {  	s3 =	simm.s32 $0x108;
	s8 =	sld [smem:$0x3FB0]  }
0x2e: {  	s3 =	simm.s32 @!p0 $0x1082;
	s9 =	sld [smem:$0x3FB1]  }
0x2f: {  	lr =	sadd.s32 s0, s3;
	s0 =	sld [smem:$0x3FA8]  }
0x30: {  	s3 =	sld [smem:$0x3FAB]  }
0x31: {  	[smem:$0x3FB4] =	sst s10  }
0x32: {  	s10 =	sld [smem:$0x3FB2];
	_ =	sdelay $0x3  }
0x33: {  	p0 =	seq.s32 s10, $0x1;
	s10 =	sld [smem:$0x3FB4];
	_ =	sdelay $0x3  }
0x34: {  	[smem:$0x3FB4] =	sst s10  }
0x35: {  	s10 =	sld [smem:$0x3FB3];
	_ =	sdelay $0x3  }
0x36: {  	p1 =	seq.s32 s10, $0x1;
	s10 =	sld [smem:$0x3FB4];
	_ =	sdelay $0x3  }
0x37: {  	[smem:$0x3FB4] =	sst s10  }
0x38: {  	s10 =	sld [smem:$0x3FB5]  }
0x39: {  	_ = 	snop;
	(pc) =	sbr.ind lr, $3  }
0x3a: {  	_ = 	snop  }
0x3b: {  	_ = 	snop  }
0x3c: {  	p2 =	seq.s32 s10, $0x1;
	s10 =	sld [smem:$0x3FB4]  }
0x3d: {  	_ =	shalt  }
0x3e: {  	_ =	shalt  }
0x3f: {  	_ =	shalt  }
0x40: {  	_ =	shalt  }
0x41: {  	_ =	shalt  }
0x42: {  	_ =	shalt  }
0x43: {  	_ =	shalt  }
0x44: {  	_ =	shalt  }
0x45: {  	_ =	shalt  }
0x46: {  	_ =	shalt  }
0x47: {  	_ =	shalt  }
0x48: {  	_ =	shalt  }
0x49: {  	_ =	shalt  }
0x4a: {  	_ =	shalt  }
0x4b: {  	_ =	shalt  }
0x4c: {  	_ =	shalt  }
0x4d: {  	_ =	shalt  }
0x4e: {  	_ =	shalt  }
0x4f: {  	_ =	shalt  }
0x50: {  	_ =	shalt  }
0x51: {  	_ =	shalt  }
0x52: {  	_ =	shalt  }
0x53: {  	_ =	shalt  }
0x54: {  	_ =	shalt  }
0x55: {  	_ =	shalt  }
0x56: {  	_ =	shalt  }
0x57: {  	_ =	shalt  }
0x58: {  	_ =	shalt  }
0x59: {  	_ =	shalt  }
0x5a: {  	_ =	shalt  }
0x5b: {  	_ =	shalt  }
0x5c: {  	_ =	shalt  }
0x5d: {  	_ =	shalt  }
0x5e: {  	_ =	shalt  }
0x5f: {  	_ =	shalt  }
0x60: {  	_ =	shalt  }
0x61: {  	_ =	shalt  }
0x62: {  	_ =	shalt  }
0x63: {  	_ =	shalt  }
0x64: {  	_ =	shalt  }
0x65: {  	_ =	shalt  }
0x66: {  	_ =	shalt  }
0x67: {  	_ =	shalt  }
0x68: {  	_ =	shalt  }
0x69: {  	_ =	shalt  }
0x6a: {  	_ =	shalt  }
0x6b: {  	_ =	shalt  }
0x6c: {  	_ =	shalt  }
0x6d: {  	_ =	shalt  }
0x6e: {  	_ =	shalt  }
0x6f: {  	_ =	shalt  }
0x70: {  	_ =	shalt  }
0x71: {  	_ =	shalt  }
0x72: {  	_ =	shalt  }
0x73: {  	_ =	shalt  }
0x74: {  	_ =	shalt  }
0x75: {  	_ =	shalt  }
0x76: {  	_ =	shalt  }
0x77: {  	_ =	shalt  }
0x78: {  	_ =	shalt  }
0x79: {  	_ =	shalt  }
0x7a: {  	_ =	shalt  }
0x7b: {  	_ =	shalt  }
0x7c: {  	_ =	shalt  }
0x7d: {  	_ =	shalt  }
0x7e: {  	_ =	shalt  }
0x7f: {  	_ =	shalt  }
0x80: {  	_ =	shalt  }
0x81: {  	_ =	shalt  }
0x82: {  	_ =	shalt  }
0x83: {  	_ =	shalt  }
0x84: {  	_ =	shalt  }
0x85: {  	_ =	shalt  }
0x86: {  	_ =	shalt  }
0x87: {  	_ =	shalt  }
.Lfunc_end0:
.L_simem_size_0:
called_computation.2_lowered:
.L_overlay_start_0:
0x88: {  	s2 =	sld [smem:$0x3FD9]  }
0x89: {  	s3 =	sld [smem:$0x3FFE];
	_ =	sdelay $0x1  }
0x8a: {  	s1 =	srdreg.scid  }
0x8b: {  	s0 =	sand.u32 $0x1, s1  }
0x8c: {  	s17 =	sshll.u32 s0, $0xA;
	s2 =	sadd.s32 s3, s2  }
0x8d: {  	s2 =	sadd.s32 s2, s17  }
0x8e: {  	[smem:$0x3FC0] =	sst s2  }
0x8f: {  	_ = 	snop  }
0x90: {  	s2 =	sld [smem:$0x3FD0];
	(tm) =	ssettm $0x1  }
0x91: {  	s18 =	sld [smem:$0x3FFB];
	_ =	sdelay $0x3  }
0x92: {  	_ =	strace s18  }
0x93: {  	s3 =	sld [smem:$0x3FFC];
	_ =	sdelay $0x3  }
0x94: {  	_ =	strace s3  }
0x95: {  	s3 =	sld [smem:$0x3FFD];
	_ =	sdelay $0x3  }
0x96: {  	_ =	strace s3  }
0x97: {  	_ =	strace $0x8FFFFFFF  }
0x98: {  	s19 =	sld [smem:$0x3FDB];
	_ =	sdelay $0x1  }
0x99: {  	s4 =	simm.s32 $_scs_section_size  }
0x9a: {  	s5 =	simm.s32 $_size__tile_overlayer_lowered;
	s6 =	simm.s32 $_tile_overlayer_lowered  }
0x9b: {  	s22 =	simm.s32 $0x1BFF;
	s21 =	sshll.u32 s6, $0x1;
	s3 =	sadd.s32 s4, s19  }
0x9c: {  	s7 =	simm.s32 $0x0;
	s20 =	sshll.u32 s5, $0x1;
	s5 =	sadd.s32 s21, s3  }
0x9d: {  	[timem:s7], [sflag:s22] =	dma.local [hbm:s5], s20  }
0x9e: {  	_ =	swait.ge [sflag:s22], s20  }
0x9f: {  	s4 =	ssub.s32 $0x0, s20;
	[sflag:s22] =	ssyncset.done $0x0  }
0xa0: {  	[sflag:s22] =	ssyncadd.s32 s4;
	_ =	sdelay $0x1  }
0xa1: {  	s23 =	simm.s32 $0x1B8B  }
0xa2: {  	_ =	swait.ge [sflag:s23], $0x1  }
0xa3: {  	[sflag:s23] =	ssyncset.done $0x0  }
0xa4: {  	s25 =	simm.s32 $0x1B8E;
	s24 =	sld [smem:$0x3FFE];
	[sflag:s23] =	ssyncadd.s32 $0xFFFFFFFF  }
0xa5: {  	s26 =	simm.s32 $execute0_lowered;
	[smem:$0x3FD2] =	sst s25  }
0xa6: {  	s5 =	sshll.u32 s26, $0x1;
	_ =	strace $0x8000004C;
	[dreg:$0x1] =	wrdreg $0xFFFFFFFF  }
0xa7: {  	s28 =	simm.s32 $_size_execute0_lowered;
	s3 =	sadd.s32 s3, s5;
	[dreg:$0x0] =	wrdreg $0x0  }
0xa8: {  	s5 =	sshll.u32 s28, $0x1;
	[dreg:$0x2] =	wrdreg s3  }
0xa9: {  	[dreg:$0x3] =	wrdreg s5  }
0xaa: {  	[dreg:$0x4] =	wrdreg $0xC0  }
0xab: {  	_ =	task [dreg:s7], $0x5FFFF  }
0xac: {  	[dreg:$0x1] =	wrdreg $0xFFFFFFFF  }
0xad: {  	[dreg:$0x0] =	wrdreg $0x60  }
0xae: {  	[dreg:$0x2] =	wrdreg s2  }
0xaf: {  	[dreg:$0x3] =	wrdreg s24  }
0xb0: {  	[dreg:$0x4] =	wrdreg $0x118400  }
0xb1: {  	[dreg:$0x5] =	wrdreg $0x9  }
0xb2: {  	_ =	task.clear_ibuf [dreg:s7], $0x6FFFF;
	_ =	strace $0x9000004C  }
0xb3: {  	s29 =	simm.s32 $0x9;
	_ =	strace $0x8000004E  }
0xb4: {  	_ =	swait.ge [sflag:s29], $0x1  }
0xb5: {  	[sflag:s29] =	ssyncadd.s32 $0xFFFFFFFF  }
0xb6: {  	_ =	strace $0x9000004E  }
0xb7: {  	_ =	sfence  }
0xb8: {  	s30 =	sld [smem:$0x0];
	_ =	sdelay $0x2  }
0xb9: {  	s31 =	sshll.u32 s1, $0xD;
	s1 =	sshrl.u32 s1, $0x2  }
0xba: {  	s3 =	sand.u32 $0x4000, s31;
	s1 =	sadd.s32 s1, s30  }
0xbb: {  	s0 =	sor.u32 s3, s0;
	s1 =	sshll.u32 s1, $0x11  }
0xbc: {  	s0 =	sor.u32 s1, s0  }
0xbd: {  	s0 =	sadd.s32 $0x8F2B, s0  }
0xbe: {  	[sflag:s0] =	ssyncadd.remote.s32 $0x1  }
0xbf: {  	_ =	sfence.sel $0xFFFF  }
0xc0: {  	[dreg:$0x0] =	wrdreg $0xFFFFFFFF;
	(pc) =	sbr.abs _section_cstart, $3  }
0xc1: {  	[dreg:$0x1] =	wrdreg $0xFFFFFFFF  }
0xc2: {  	_ =	task.clear_ibuf [dreg:s7], $0x2FFFF;
	_ =	strace $0x9FFFFFFF  }
0xc3: {  	(tm) =	ssettm $0x7FFFFFFF  }
tec
execute0_lowered:
.L_overlay_start_1:
0x0: {  	(tag) =	ssettag $0x1  }
0x1: {  	s8 =	rddreg [dreg:$0x0]  }
0x2: {  	s4 =	rddreg [dreg:$0x1]  }
0x3: {  	s2 =	rddreg [dreg:$0x2]  }
0x4: {  	s0 =	rddreg [dreg:$0x3];
	s3 =	simm.s32 $0x0  }
0x5: {  	s1 =	stileid.u32;
	s6 =	srdreg.scid;
	s15 =	simm.s32 $0x50  }
0x6: {  	s16 =	simm.s32 $0x9C40;
	s17 =	simm.s32 $0xB040;
	s18 =	simm.s32 $0xA0  }
0x7: {  	s19 =	simm.s32 $0xC440;
	s20 =	simm.s32 $0x8;
	s21 =	simm.s32 $0x9  }
0x8: {  	s22 =	simm.s32 $0xA;
	s24 =	simm.s32 $0x0;
	s5 =	smul.u32 $0x9C4, s1  }
0x9: {  	[smem:$0x7FF] =	sst s3;
	s6 =	sand.u32 $0x1, s6;
	s9 =	smul.u32 $0x27000, s1  }
0xa: {  	s10 =	sadd.s32 $0x15600, s4;
	s13 =	smul.u32 $0x9C00, s1;
	p0 =	sne.s32 s1, $0xF  }
0xb: {  	_ =	strace $0x8000004D;
	s7 =	ssub.s32 $0x2, s6;
	s11 =	smul.u32 $0x9C400, s6  }
0xc: {  	s5 =	sadd.s32 s5, s4;
	s29 =	sshrl.u32 s7, $0x1;
	s30 =	sshrl.u32 s9, $0x2  }
0xd: {  	s23 =	sadd.s32 s13, s2;
	s12 =	ssub.s32 s7, s29;
	s4 =	sadd.s32 $0xB800, s5  }
0xe: {  	s5 =	sadd.s32 $0x1A00, s5;
	s6 =	sadd.s32 s30, s2;
	s7 =	sadd.s32 $0x9C000, s2  }
0xf: {  	s31 =	sshrl.u32 s11, $0x3;
	s11 =	sadd.s32 s13, s11;
	s13 =	simm.s32 $0x4E20  }
0x10: {  	s23 =	sshrl.u32 s23, $0x3;
	s11 =	sshrl.u32 s11, $0x3;
	s14 =	sadd.s32 s10, s31  }
0x11: {  	s8 =	sadd.s32 s8, s31;
	s9 =	sadd.s32 s10, s11;
	s10 =	sadd.s32 $0x13800, s14  }
0x12: {  	v0 =	vimm.f32 $0.0e+00;
	s11 =	smax.u32 s12, $0x1;
	s12 =	simm.s32 $0xD;
	s14 =	simm.s32 $0x11440  }
.LBB2_1:
0x13: {  	[tilespmem:s3], [sflag:$0xD] =	stream.linear.gather [hbm4b:s4+s3], $0x4E20, $0x38;
	[tilespmem:$0x1B480] =	vst v63  }
0x14: {  	_ =	swait.ge [sflag:s12], $0x4E20  }
0x15: {  	[sflag:s12] =	ssyncset.done $0x0  }
0x16: {  	[sflag:s12] =	ssyncadd.s32 $0xFFFFB1E0  }
0x17: {  	[tilespmem:s13], [sflag:$0xD] =	stream.linear.gather [hbm4b:s5+s3], $0x4E20, $0x38;
	[tilespmem:$0x1B480] =	vst v63  }
0x18: {  	_ =	swait.ge [sflag:s12], $0x4E20  }
0x19: {  	[sflag:s12] =	ssyncset.done $0x0  }
0x1a: {  	[sflag:s12] =	ssyncadd.s32 $0xFFFFB1E0  }
0x1b: {  	[tilespmem:$0x11440] =	vst v0  }
0x1c: {  	[tilespmem:$0x11450] =	vst v0  }
0x1d: {  	[tilespmem:$0x11460] =	vst v0  }
0x1e: {  	[tilespmem:$0x11470] =	vst v0  }
0x1f: {  	[tilespmem:$0x11480] =	vst v0  }
0x20: {  	[tilespmem:$0x11490] =	vst v0  }
0x21: {  	[tilespmem:$0x114A0] =	vst v0  }
0x22: {  	[tilespmem:$0x114B0] =	vst v0  }
0x23: {  	[tilespmem:$0x114C0] =	vst v0  }
0x24: {  	[tilespmem:$0x114D0] =	vst v0  }
0x25: {  	[tilespmem:$0x114E0] =	vst v0  }
0x26: {  	[tilespmem:$0x114F0] =	vst v0  }
0x27: {  	[tilespmem:$0x11500] =	vst v0  }
0x28: {  	[tilespmem:$0x11510] =	vst v0  }
0x29: {  	[tilespmem:$0x11520] =	vst v0  }
0x2a: {  	[tilespmem:$0x11530] =	vst v0  }
0x2b: {  	[tilespmem:$0x11540] =	vst v0  }
0x2c: {  	[tilespmem:$0x11550] =	vst v0  }
0x2d: {  	[tilespmem:$0x11560] =	vst v0  }
0x2e: {  	[tilespmem:$0x11570] =	vst v0  }
0x2f: {  	[tilespmem:$0x11580] =	vst v0  }
0x30: {  	[tilespmem:$0x11590] =	vst v0  }
0x31: {  	[tilespmem:$0x115A0] =	vst v0  }
0x32: {  	[tilespmem:$0x115B0] =	vst v0  }
0x33: {  	[tilespmem:$0x115C0] =	vst v0  }
0x34: {  	[tilespmem:$0x115D0] =	vst v0  }
0x35: {  	[tilespmem:$0x115E0] =	vst v0  }
0x36: {  	[tilespmem:$0x115F0] =	vst v0  }
0x37: {  	[tilespmem:$0x11600] =	vst v0  }
0x38: {  	[tilespmem:$0x11610] =	vst v0  }
0x39: {  	[tilespmem:$0x11620] =	vst v0  }
0x3a: {  	[tilespmem:$0x11630] =	vst v0  }
0x3b: {  	[tilespmem:$0x11640] =	vst v0  }
0x3c: {  	[tilespmem:$0x11650] =	vst v0  }
0x3d: {  	[tilespmem:$0x11660] =	vst v0  }
0x3e: {  	[tilespmem:$0x11670] =	vst v0  }
0x3f: {  	[tilespmem:$0x11680] =	vst v0  }
0x40: {  	[tilespmem:$0x11690] =	vst v0  }
0x41: {  	[tilespmem:$0x116A0] =	vst v0  }
0x42: {  	[tilespmem:$0x116B0] =	vst v0  }
0x43: {  	[tilespmem:$0x116C0] =	vst v0  }
0x44: {  	[tilespmem:$0x116D0] =	vst v0  }
0x45: {  	[tilespmem:$0x116E0] =	vst v0  }
0x46: {  	[tilespmem:$0x116F0] =	vst v0  }
0x47: {  	[tilespmem:$0x11700] =	vst v0  }
0x48: {  	[tilespmem:$0x11710] =	vst v0  }
0x49: {  	[tilespmem:$0x11720] =	vst v0  }
0x4a: {  	[tilespmem:$0x11730] =	vst v0  }
0x4b: {  	[tilespmem:$0x11740] =	vst v0  }
0x4c: {  	[tilespmem:$0x11750] =	vst v0  }
0x4d: {  	[tilespmem:$0x11760] =	vst v0  }
0x4e: {  	[tilespmem:$0x11770] =	vst v0  }
0x4f: {  	[tilespmem:$0x11780] =	vst v0  }
0x50: {  	[tilespmem:$0x11790] =	vst v0  }
0x51: {  	[tilespmem:$0x117A0] =	vst v0  }
0x52: {  	[tilespmem:$0x117B0] =	vst v0  }
0x53: {  	[tilespmem:$0x117C0] =	vst v0  }
0x54: {  	[tilespmem:$0x117D0] =	vst v0  }
0x55: {  	[tilespmem:$0x117E0] =	vst v0  }
0x56: {  	[tilespmem:$0x117F0] =	vst v0  }
0x57: {  	[tilespmem:$0x11800] =	vst v0  }
0x58: {  	[tilespmem:$0x11810] =	vst v0  }
0x59: {  	[tilespmem:$0x11820] =	vst v0  }
0x5a: {  	s25 =	sadd.s32 $0x0, s6;
	[tilespmem:$0x11830] =	vst v0  }
0x5b: {  	[spmem:s25] =	stream.linear.scatter [tilespmem:s14], [sflag:$0xD], $0x400, $0x38;
	[tilespmem:$0x1B480] =	vst v63  }
0x5c: {  	s25 =	simm.s32 $0x1000;
	_ =	swait.ge [sflag:s12], $0x400  }
.LBB2_2:
0x5d: {  	s26 =	sshra.s32 s25, $0x2;
	[sflag:s12] =	ssyncset.done $0x0;
	p1 =	sne.s32 s25, $0x26000  }
.Ltmp0:
0x5e: {  	s26 =	sadd.s32 s26, s6;
	[sflag:s12] =	ssyncadd.s32 $0xFFFFFC00;
	(pc) =	sbr.rel @p1 .LBB2_2-.Ltmp0, $3  }
0x5f: {  	[spmem:s26] =	stream.linear.scatter [tilespmem:s14], [sflag:$0xD], $0x400, $0x38;
	[tilespmem:$0x1B480] =	vst v63  }
0x60: {  	s25 =	sadd.s32 $0x1000, s25;
	_ =	sdelay $0x1  }
0x61: {  	_ =	swait.ge [sflag:s12], $0x400  }
0x62: {  	[sflag:s12] =	ssyncset.done $0x0  }
0x63: {  	s25 =	simm.s32 @!p0 $0x11440;
	[sflag:s12] =	ssyncadd.s32 $0xFFFFFC00  }
0x64: {  	[spmem:s7] =	stream.linear.scatter @!p0 [tilespmem:s25], [sflag:$0xD], $0x400, $0x38;
	[tilespmem:$0x1B480] =	vst v63  }
0x65: {  	s25 =	simm.s32 @!p0 $0xD  }
0x66: {  	_ =	swait.ge @!p0 [sflag:s25], $0x400  }
0x67: {  	[sflag:s25] =	ssyncset.done @!p0 $0x0  }
0x68: {  	[sflag:s25] =	ssyncadd.s32 @!p0 $0xFFFFFC00  }
0x69: {  	s25 =	simm.s32 $0x0;
	[bflag:$0x0] =	sbarrier.arrive $0xFFFF  }
0x6a: {  	[tilespmem:s16], [sflag:$0x1] =	stream.indirect.gather [hbm4b:s8+s15], $0x40, s25, s15, $0xb8;
	[tilespmem:$0x1B480] =	vst v63  }
0x6b: {  	_ = 	snop  }
0x6c: {  	[tilespmem:s17], [sflag:$0x2] =	stream.indirect.gather [hbm4b:s8+s15], $0x40, s15, s15, $0xb8;
	[tilespmem:$0x1B480] =	vst v63  }
0x6d: {  	s26 =	simm.s32 $0x4E20;
	s28 =	simm.s32 $0xF0  }
0x6e: {  	[tilespmem:s19], [sflag:$0x3] =	stream.indirect.gather [hbm4b:s8+s15], $0x40, s18, s15, $0xb8;
	[tilespmem:$0x1B480] =	vst v63  }
.LBB2_4:
0x6f: {  	s29 =	sadd.s32 $0x3, s25  }
0x70: {  	s30 =	sand.u32 $0xFF, s29  }
0x71: {  	s30 =	smul.u32 $0xAB, s30;
	_ =	sdelay $0x1  }
0x72: {  	s30 =	sshrl.u32 s30, $0xA  }
0x73: {  	s30 =	smul.u32 $0x6, s30;
	_ =	sdelay $0x1  }
0x74: {  	s29 =	ssub.s32 s29, s30  }
0x75: {  	p1 =	slt.u32 s25, $0x3;
	s29 =	sand.u32 $0xFF, s29  }
0x76: {  	s30 =	sadd.s32 @!p1 $0x7, s29  }
0x77: {  	p2 =	sgt.u32 @!p1 s25, $0xF6;
	_ =	swait.ge @!p1 [sflag:s30], $0x1400  }
0x78: {  	p2 =	por p1, !p2;
	[sflag:s30] =	ssyncset.done @!p1 $0x0  }
0x79: {  	[sflag:s30] =	ssyncadd.s32 @!p1 $0xFFFFEC00;
	s30 =	smul.u32 @p2 $0x5000, s29;
	_ =	sdelay $0x1  }
0x7a: {  	s30 =	sshrl.u32 @p2 s30, $0x2  }
0x7b: {  	s29 =	sadd.s32 @p2 $0x1, s29;
	s30 =	sadd.s32 @p2 $0x9C40, s30  }
0x7c: {  	[tilespmem:s30], [sflag:s29] =	stream.indirect.gather @p2 [hbm4b:s8+s15], $0x40, s28, s15, $0xb8;
	[tilespmem:$0x1B480] =	vst v63  }
0x7d: {  	s30 =	smul.u32 $0xAB, s25;
	_ =	sdelay $0x1  }
0x7e: {  	s29 =	sshrl.u32 s30, $0xA  }
0x7f: {  	s29 =	sand.u32 $0x3F, s29  }
0x80: {  	s29 =	smul.u32 $0x6, s29;
	_ =	sdelay $0x1  }
0x81: {  	s29 =	ssub.s32 s25, s29  }
0x82: {  	s25 =	sadd.s32 $0x1, s25;
	s29 =	sand.u32 $0xFF, s29  }
0x83: {  	p1 =	sne.s32 s25, $0xFA;
	s30 =	sadd.s32 $0x1, s29;
	s31 =	smul.u32 $0x5000, s29  }
.Ltmp1:
0x84: {  	_ =	swait.ge [sflag:s30], $0x1400;
	(pc) =	sbr.rel @p1 .LBB2_4-.Ltmp1, $4  }
0x85: {  	[sflag:s30] =	ssyncset.done $0x0;
	s31 =	sshrl.u32 s31, $0x2  }
0x86: {  	s29 =	sadd.s32 $0x7, s29;
	[sflag:s30] =	ssyncadd.s32 $0xFFFFEC00;
	s31 =	sadd.s32 $0x9C40, s31  }
0x87: {  	[spmem:s2] =	stream.indirect.scatter.add.f32 [tilespmem:s31], [sflag:s29], $0x40, s26, s15, $0xb8;
	[tilespmem:$0x1B480] =	vst v63  }
0x88: {  	s28 =	sadd.s32 $0x50, s28;
	s26 =	sadd.s32 $0x50, s26  }
0x89: {  	_ =	swait.ge [sflag:s20], $0x1400  }
0x8a: {  	[sflag:s20] =	ssyncset.done $0x0  }
0x8b: {  	[sflag:s20] =	ssyncadd.s32 $0xFFFFEC00  }
0x8c: {  	_ =	swait.ge [sflag:s21], $0x1400  }
0x8d: {  	[sflag:s21] =	ssyncset.done $0x0  }
0x8e: {  	[sflag:s21] =	ssyncadd.s32 $0xFFFFEC00  }
0x8f: {  	_ =	swait.ge [sflag:s22], $0x1400  }
0x90: {  	[sflag:s22] =	ssyncset.done $0x0  }
0x91: {  	s25 =	sshll.u32 s1, $0x6;
	[sflag:s22] =	ssyncadd.s32 $0xFFFFEC00  }
0x92: {  	s25 =	sor.u32 $0x1C0D, s25;
	[bflag:$0x0] =	sbarrier.arrive $0xFFFF  }
0x93: {  	[hbm:s9], [sflag:s25] =	dma.local [spmem:s23], $0x1380  }
0x94: {  	_ =	swait.ge [sflag:s12], $0x1380  }
0x95: {  	s24 =	sadd.s32 $0x1, s24;
	[sflag:s12] =	ssyncset.done $0x0  }
0x96: {  	s26 =	sshrl.u32 @!p0 s7, $0x3;
	p1 =	sne.s32 s24, s11;
	[sflag:s12] =	ssyncadd.s32 $0xFFFFEC80  }
0x97: {  	[hbm:s10], [sflag:s25] =	dma.local @!p0 [spmem:s26], $0x80  }
.Ltmp2:
0x98: {  	_ = 	snop;
	(pc) =	sbr.rel @p1 .LBB2_1-.Ltmp2, $4  }
0x99: {  	s25 =	simm.s32 @!p0 $0xD  }
0x9a: {  	_ =	swait.ge @!p0 [sflag:s25], $0x80  }
0x9b: {  	[sflag:s25] =	ssyncset.done @!p0 $0x0  }
0x9c: {  	[sflag:s25] =	ssyncadd.s32 @!p0 $0xFFFFFF80  }
0x9d: {  	_ =	sfence.sel $0x180000  }
0x9e: {  	[bflag:$0x0] =	sbarrier.arrive $0xFFFF  }
0x9f: {  	p0 =	sne.s32 s1, $0x0;
	_ =	strace $0x9000004D  }
0xa0: {  	s0 =	sadd.s32 @!p0 $0x100000, s0;
	[bflag:$0x2] =	sbarrier.arrive $0xFFFF  }
0xa1: {  	[sflag:s0] =	ssyncadd.tile.s32 @!p0 $0x1;
	_ =	shalt  }
.Lfunc_end2:
_tile_overlayer_lowered:
.L_overlay_start_2:
0xa2: {  	(tag) =	ssettag $0x2  }
0xa3: {  	s0 =	rddreg [dreg:$0x0];
	s2 =	stileid.u32  }
0xa4: {  	s1 =	rddreg [dreg:$0x1];
	p0 =	sne.s32 s2, $0x0  }
0xa5: {  	s3 =	rddreg [dreg:$0x2];
	[bflag:$0x3] =	sbarrier.arrive $0xFFFF;
	s2 =	simm.s32 @!p0 $0x1C0D  }
0xa6: {  	[timem:s3], [sflag:s2] =	dma.local @!p0 [hbm:s0], s1  }
0xa7: {  	s0 =	simm.s32 @!p0 $0xD  }
0xa8: {  	_ =	swait.ge @!p0 [sflag:s0], s1  }
0xa9: {  	s1 =	ssub.s32 @!p0 $0x0, s1;
	[sflag:s0] =	ssyncset.done @!p0 $0x0  }
0xaa: {  	[sflag:s0] =	ssyncadd.s32 @!p0 s1  }
0xab: {  	[bflag:$0x3] =	sbarrier.arrive $0xFFFF  }
0xac: {  	_ =	shalt  }

// kernel: kernel.8.cloned.1.call-start
scs
__scs_entry_jumppad:
0x0: {  	(pc) =	sbr.rel $0x88, $3  }
0x1: {  	(tag) =	ssettag $0x0;
	lr =	simm.s32 $0x1  }
0x2: {  	[smem:$0x3F99] =	sst lr;
	_ =	strace $0xD0000000  }
0x3: {  	_ = 	snop  }
0x4: {  	_ = 	snop  }
0x5: {  	_ = 	snop  }
0x6: {  	_ = 	snop  }
0x7: {  	_ = 	snop  }
__scs_overlays_trampoline_lowered:
0x8: {  	[smem:$0x3FA8] =	sst s0  }
0x9: {  	[smem:$0x3FA9] =	sst s1  }
0xa: {  	[smem:$0x3FAA] =	sst s2  }
0xb: {  	[smem:$0x3FAB] =	sst s3  }
0xc: {  	[smem:$0x3FAC] =	sst s4  }
0xd: {  	[smem:$0x3FAD] =	sst s5  }
0xe: {  	[smem:$0x3FAE] =	sst s6  }
0xf: {  	[smem:$0x3FAF] =	sst s7  }
0x10: {  	[smem:$0x3FB0] =	sst s8  }
0x11: {  	[smem:$0x3FB1] =	sst s9;
	s0 =	simm.s32 @!p0 $0x0  }
0x12: {  	s1 =	sld [smem:$0x3F97];
	s0 =	simm.s32 @p0 $0x1  }
0x13: {  	[smem:$0x3FB2] =	sst s0;
	s0 =	simm.s32 @!p1 $0x0  }
0x14: {  	s2 =	sld [smem:$0x3F96];
	s0 =	simm.s32 @p1 $0x1  }
0x15: {  	[smem:$0x3FB3] =	sst s0;
	s0 =	simm.s32 @!p2 $0x0  }
0x16: {  	s3 =	sld [smem:$0x3FDB];
	s0 =	simm.s32 @p2 $0x1  }
0x17: {  	s4 =	simm.s32 $0x1BF5;
	[smem:$0x3FB5] =	sst s0  }
0x18: {  	s0 =	sld [smem:$0x3F98];
	_ =	swait.ge [sflag:s4], $0x0  }
0x19: {  	s7 =	sld [smem:$0x3F99]  }
0x1a: {  	s8 =	sadd.s32 $0xFFFFE003, lr  }
0x1b: {  	s9 =	sadd.s32 $0xFFFFFEF7, lr;
	s5 =	simm.s32 $0xFFFFFFFF;
	p2 =	slt.u32 s8, $0xFFFFF086  }
0x1c: {  	p1 =	slt.u32 s9, $0xF7A;
	s5 =	simm.s32 @!p2 $0x0  }
0x1d: {  	s5 =	simm.s32 @p1 $0x1;
	p0 =	seq.s32 s7, s2  }
0x1e: {  	s7 =	smul.u32 @!p0 $0xF7A, s2;
	p2 =	seq.s32 @!p0 s5, $0x0  }
0x1f: {  	s9 =	smul.u32 $0xF7A, s1;
	s8 =	simm.s32 @!p0 $0x1BF5;
	p2 =	por !p2, p0  }
0x20: {  	[sflag:s8] =	ssyncset.s32 @!p0 $0xFFFFF086;
	s6 =	sadd.s32 @!p0 s3, s7;
	s7 =	simm.s32 @!p0 $0x108  }
0x21: {  	s3 =	sadd.s32 s3, s9;
	s6 =	sadd.s32 @!p0 $0x88, s6;
	s7 =	simm.s32 @p2 $0x1082  }
0x22: {  	[simem:s7], [sflag:s8] =	dma.local @!p0 [hbm:s6], $0xF7A  }
0x23: {  	s9 =	sor.u32 $0xD0000000, s2;
	s6 =	simm.s32 $0x108;
	_ =	swait.ge @!p0 [sflag:s8], $0x0  }
0x24: {  	s3 =	sadd.s32 $0x88, s3;
	s6 =	simm.s32 @!p1 $0x1082;
	[sflag:s4] =	ssyncset.s32 $0xFFFFF086  }
0x25: {  	[simem:s6], [sflag:s4] =	dma.local [hbm:s3], $0xF7A  }
0x26: {  	[smem:$0x3F99] =	sst s1;
	(tag) =	ssettag s2;
	_ =	strace s9  }
0x27: {  	s1 =	sld [smem:$0x3FA9]  }
0x28: {  	s2 =	sld [smem:$0x3FAA]  }
0x29: {  	s4 =	sld [smem:$0x3FAC]  }
0x2a: {  	p0 =	seq.s32 s5, $0x0;
	s5 =	sld [smem:$0x3FAD]  }
0x2b: {  	s6 =	sld [smem:$0x3FAE]  }
0x2c: {  	s7 =	sld [smem:$0x3FAF]  }
0x2d: {  	s3 =	simm.s32 $0x108;
	s8 =	sld [smem:$0x3FB0]  }
0x2e: {  	s3 =	simm.s32 @!p0 $0x1082;
	s9 =	sld [smem:$0x3FB1]  }
0x2f: {  	lr =	sadd.s32 s0, s3;
	s0 =	sld [smem:$0x3FA8]  }
0x30: {  	s3 =	sld [smem:$0x3FAB]  }
0x31: {  	[smem:$0x3FB4] =	sst s10  }
0x32: {  	s10 =	sld [smem:$0x3FB2];
	_ =	sdelay $0x3  }
0x33: {  	p0 =	seq.s32 s10, $0x1;
	s10 =	sld [smem:$0x3FB4];
	_ =	sdelay $0x3  }
0x34: {  	[smem:$0x3FB4] =	sst s10  }
0x35: {  	s10 =	sld [smem:$0x3FB3];
	_ =	sdelay $0x3  }
0x36: {  	p1 =	seq.s32 s10, $0x1;
	s10 =	sld [smem:$0x3FB4];
	_ =	sdelay $0x3  }
0x37: {  	[smem:$0x3FB4] =	sst s10  }
0x38: {  	s10 =	sld [smem:$0x3FB5]  }
0x39: {  	_ = 	snop;
	(pc) =	sbr.ind lr, $3  }
0x3a: {  	_ = 	snop  }
0x3b: {  	_ = 	snop  }
0x3c: {  	p2 =	seq.s32 s10, $0x1;
	s10 =	sld [smem:$0x3FB4]  }
0x3d: {  	_ =	shalt  }
0x3e: {  	_ =	shalt  }
0x3f: {  	_ =	shalt  }
0x40: {  	_ =	shalt  }
0x41: {  	_ =	shalt  }
0x42: {  	_ =	shalt  }
0x43: {  	_ =	shalt  }
0x44: {  	_ =	shalt  }
0x45: {  	_ =	shalt  }
0x46: {  	_ =	shalt  }
0x47: {  	_ =	shalt  }
0x48: {  	_ =	shalt  }
0x49: {  	_ =	shalt  }
0x4a: {  	_ =	shalt  }
0x4b: {  	_ =	shalt  }
0x4c: {  	_ =	shalt  }
0x4d: {  	_ =	shalt  }
0x4e: {  	_ =	shalt  }
0x4f: {  	_ =	shalt  }
0x50: {  	_ =	shalt  }
0x51: {  	_ =	shalt  }
0x52: {  	_ =	shalt  }
0x53: {  	_ =	shalt  }
0x54: {  	_ =	shalt  }
0x55: {  	_ =	shalt  }
0x56: {  	_ =	shalt  }
0x57: {  	_ =	shalt  }
0x58: {  	_ =	shalt  }
0x59: {  	_ =	shalt  }
0x5a: {  	_ =	shalt  }
0x5b: {  	_ =	shalt  }
0x5c: {  	_ =	shalt  }
0x5d: {  	_ =	shalt  }
0x5e: {  	_ =	shalt  }
0x5f: {  	_ =	shalt  }
0x60: {  	_ =	shalt  }
0x61: {  	_ =	shalt  }
0x62: {  	_ =	shalt  }
0x63: {  	_ =	shalt  }
0x64: {  	_ =	shalt  }
0x65: {  	_ =	shalt  }
0x66: {  	_ =	shalt  }
0x67: {  	_ =	shalt  }
0x68: {  	_ =	shalt  }
0x69: {  	_ =	shalt  }
0x6a: {  	_ =	shalt  }
0x6b: {  	_ =	shalt  }
0x6c: {  	_ =	shalt  }
0x6d: {  	_ =	shalt  }
0x6e: {  	_ =	shalt  }
0x6f: {  	_ =	shalt  }
0x70: {  	_ =	shalt  }
0x71: {  	_ =	shalt  }
0x72: {  	_ =	shalt  }
0x73: {  	_ =	shalt  }
0x74: {  	_ =	shalt  }
0x75: {  	_ =	shalt  }
0x76: {  	_ =	shalt  }
0x77: {  	_ =	shalt  }
0x78: {  	_ =	shalt  }
0x79: {  	_ =	shalt  }
0x7a: {  	_ =	shalt  }
0x7b: {  	_ =	shalt  }
0x7c: {  	_ =	shalt  }
0x7d: {  	_ =	shalt  }
0x7e: {  	_ =	shalt  }
0x7f: {  	_ =	shalt  }
0x80: {  	_ =	shalt  }
0x81: {  	_ =	shalt  }
0x82: {  	_ =	shalt  }
0x83: {  	_ =	shalt  }
0x84: {  	_ =	shalt  }
0x85: {  	_ =	shalt  }
0x86: {  	_ =	shalt  }
0x87: {  	_ =	shalt  }
.Lfunc_end0:
.L_simem_size_0:
called_computation_lowered:
.L_overlay_start_0:
0x88: {  	s2 =	sld [smem:$0x3FD9]  }
0x89: {  	s3 =	sld [smem:$0x3FFE];
	_ =	sdelay $0x1  }
0x8a: {  	s1 =	srdreg.scid  }
0x8b: {  	s0 =	sand.u32 $0x1, s1  }
0x8c: {  	s17 =	sshll.u32 s0, $0xA;
	s2 =	sadd.s32 s3, s2  }
0x8d: {  	s2 =	sadd.s32 s2, s17  }
0x8e: {  	[smem:$0x3FC0] =	sst s2  }
0x8f: {  	_ = 	snop  }
0x90: {  	s2 =	sld [smem:$0x3FD0];
	(tm) =	ssettm $0x1  }
0x91: {  	s18 =	sld [smem:$0x3FFB];
	_ =	sdelay $0x3  }
0x92: {  	_ =	strace s18  }
0x93: {  	s3 =	sld [smem:$0x3FFC];
	_ =	sdelay $0x3  }
0x94: {  	_ =	strace s3  }
0x95: {  	s3 =	sld [smem:$0x3FFD];
	_ =	sdelay $0x3  }
0x96: {  	_ =	strace s3  }
0x97: {  	_ =	strace $0x8FFFFFFF  }
0x98: {  	s19 =	sld [smem:$0x3FDB];
	_ =	sdelay $0x1  }
0x99: {  	s4 =	simm.s32 $_scs_section_size  }
0x9a: {  	s5 =	simm.s32 $_size__tile_overlayer_lowered;
	s6 =	simm.s32 $_tile_overlayer_lowered  }
0x9b: {  	s22 =	simm.s32 $0x1BFF;
	s21 =	sshll.u32 s6, $0x1;
	s3 =	sadd.s32 s4, s19  }
0x9c: {  	s7 =	simm.s32 $0x0;
	s20 =	sshll.u32 s5, $0x1;
	s5 =	sadd.s32 s21, s3  }
0x9d: {  	[timem:s7], [sflag:s22] =	dma.local [hbm:s5], s20  }
0x9e: {  	_ =	swait.ge [sflag:s22], s20  }
0x9f: {  	s4 =	ssub.s32 $0x0, s20;
	[sflag:s22] =	ssyncset.done $0x0  }
0xa0: {  	[sflag:s22] =	ssyncadd.s32 s4;
	_ =	sdelay $0x1  }
0xa1: {  	s23 =	simm.s32 $0x1B8B  }
0xa2: {  	_ =	swait.ge [sflag:s23], $0x1  }
0xa3: {  	[sflag:s23] =	ssyncset.done $0x0  }
0xa4: {  	s25 =	simm.s32 $0x1B8E;
	s24 =	sld [smem:$0x3FFE];
	[sflag:s23] =	ssyncadd.s32 $0xFFFFFFFF  }
0xa5: {  	s26 =	simm.s32 $execute0_lowered;
	[smem:$0x3FD2] =	sst s25  }
0xa6: {  	s5 =	sshll.u32 s26, $0x1;
	_ =	strace $0x80000046;
	[dreg:$0x1] =	wrdreg $0xFFFFFFFF  }
0xa7: {  	s28 =	simm.s32 $_size_execute0_lowered;
	s3 =	sadd.s32 s3, s5;
	[dreg:$0x0] =	wrdreg $0x0  }
0xa8: {  	s5 =	sshll.u32 s28, $0x1;
	[dreg:$0x2] =	wrdreg s3  }
0xa9: {  	[dreg:$0x3] =	wrdreg s5  }
0xaa: {  	[dreg:$0x4] =	wrdreg $0xC0  }
0xab: {  	_ =	task [dreg:s7], $0x5FFFF  }
0xac: {  	[dreg:$0x1] =	wrdreg $0xFFFFFFFF  }
0xad: {  	[dreg:$0x0] =	wrdreg $0x60  }
0xae: {  	[dreg:$0x2] =	wrdreg s24  }
0xaf: {  	[dreg:$0x3] =	wrdreg s2  }
0xb0: {  	[dreg:$0x4] =	wrdreg $0xF3200  }
0xb1: {  	[dreg:$0x5] =	wrdreg $0x9  }
0xb2: {  	_ =	task.clear_ibuf [dreg:s7], $0x6FFFF;
	_ =	strace $0x90000046  }
0xb3: {  	s29 =	simm.s32 $0x9;
	_ =	strace $0x80000048  }
0xb4: {  	_ =	swait.ge [sflag:s29], $0x1  }
0xb5: {  	[sflag:s29] =	ssyncadd.s32 $0xFFFFFFFF  }
0xb6: {  	_ =	strace $0x90000048  }
0xb7: {  	_ =	sfence  }
0xb8: {  	s30 =	sld [smem:$0x0];
	_ =	sdelay $0x2  }
0xb9: {  	s31 =	sshll.u32 s1, $0xD;
	s1 =	sshrl.u32 s1, $0x2  }
0xba: {  	s3 =	sand.u32 $0x4000, s31;
	s1 =	sadd.s32 s1, s30  }
0xbb: {  	s0 =	sor.u32 s3, s0;
	s1 =	sshll.u32 s1, $0x11  }
0xbc: {  	s0 =	sor.u32 s1, s0  }
0xbd: {  	s0 =	sadd.s32 $0x8F2B, s0  }
0xbe: {  	[sflag:s0] =	ssyncadd.remote.s32 $0x1  }
0xbf: {  	_ =	sfence.sel $0xFFFF  }
0xc0: {  	[dreg:$0x0] =	wrdreg $0xFFFFFFFF;
	(pc) =	sbr.abs _section_cstart, $3  }
0xc1: {  	[dreg:$0x1] =	wrdreg $0xFFFFFFFF  }
0xc2: {  	_ =	task.clear_ibuf [dreg:s7], $0x2FFFF;
	_ =	strace $0x9FFFFFFF  }
0xc3: {  	(tm) =	ssettm $0x7FFFFFFF  }
tec
execute0_lowered:
.L_overlay_start_1:
0x0: {  	(tag) =	ssettag $0x1  }
0x1: {  	s1 =	rddreg [dreg:$0x0]  }
0x2: {  	s0 =	srdreg.scid;
	s22 =	rddreg [dreg:$0x1]  }
0x3: {  	s7 =	stileid.u32;
	s6 =	rddreg [dreg:$0x2];
	s24 =	simm.s32 $0x1  }
0x4: {  	s29 =	simm.s32 $0xE920;
	s30 =	simm.s32 $0xEE20;
	s5 =	smul.u32 $0x14000, s7  }
0x5: {  	s31 =	simm.s32 $0x0;
	s0 =	sand.u32 $0x1, s0;
	s19 =	smul.u32 $0x500, s7  }
0x6: {  	s2 =	sshll.u32 s0, $0x4;
	s4 =	ssub.s32 $0x2, s0;
	s0 =	smul.u32 $0x5000, s0  }
0x7: {  	s3 =	sor.u32 s7, s2;
	s2 =	simm.s32 $0x0;
	s26 =	sshrl.u32 s4, $0x1  }
0x8: {  	s28 =	sshrl.u32 s5, $0x2;
	s5 =	sadd.s32 s19, s6;
	s3 =	smul.u32 $0x4E2, s3  }
0x9: {  	[smem:$0x7FF] =	sst s2;
	s23 =	ssub.s32 s4, s26;
	s6 =	sadd.s32 s28, s6  }
0xa: {  	s7 =	sadd.s32 $0x5000, s5;
	s8 =	sadd.s32 $0xA000, s5;
	s9 =	sadd.s32 $0xF000, s5  }
0xb: {  	s10 =	sadd.s32 $0x14000, s5;
	s11 =	sadd.s32 $0x19000, s5;
	s12 =	sadd.s32 $0x1E000, s5  }
0xc: {  	s13 =	sadd.s32 $0x23000, s5;
	s14 =	sadd.s32 $0x28000, s5;
	s15 =	sadd.s32 $0x2D000, s5  }
0xd: {  	s16 =	sadd.s32 $0x32000, s5;
	s17 =	sadd.s32 $0x37000, s5;
	s18 =	sadd.s32 $0x3C000, s5  }
0xe: {  	s0 =	sadd.s32 s19, s0;
	s19 =	sadd.s32 $0x41000, s5;
	s20 =	sadd.s32 $0x46000, s5  }
0xf: {  	s21 =	sadd.s32 $0x4B000, s5;
	s26 =	simm.s32 $0x4E20;
	_ =	strace $0x80000047  }
0x10: {  	s0 =	sshrl.u32 s0, $0x3;
	s23 =	smax.u32 s23, $0x1;
	s1 =	sadd.s32 s3, s1  }
0x11: {  	v0 =	vimm.f32 $0.0e+00;
	v1 =	vimm.f32 $1.000000000e+00;
	s22 =	sadd.s32 s22, s0;
	s3 =	sadd.s32 $0xB800, s1;
	s4 =	sadd.s32 $0x1A00, s1  }
.LBB2_1:
0x12: {  	[tilespmem:s2], [sflag:$0x1] =	stream.linear.gather [hbm4b:s3+s2], $0x2710, $0x38;
	[tilespmem:$0x14320] =	vst v63  }
0x13: {  	_ =	swait.ge [sflag:s24], $0x2710  }
0x14: {  	[sflag:s24] =	ssyncset.done $0x0  }
0x15: {  	s0 =	simm.s32 $0x2710;
	[sflag:s24] =	ssyncadd.s32 $0xFFFFD8F0  }
0x16: {  	[tilespmem:s0], [sflag:$0x1] =	stream.linear.gather [hbm4b:s4+s2], $0x2710, $0x38;
	[tilespmem:$0x14320] =	vst v63  }
0x17: {  	_ =	swait.ge [sflag:s24], $0x2710  }
0x18: {  	[sflag:s24] =	ssyncset.done $0x0  }
0x19: {  	s0 =	simm.s32 $0x0;
	[sflag:s24] =	ssyncadd.s32 $0xFFFFD8F0  }
.LBB2_2:
0x1a: {  	p0 =	sne.s32 s0, $0x13FC0  }
.Ltmp0:
0x1b: {  	_ = 	snop;
	(pc) =	sbr.rel @p0 .LBB2_2-.Ltmp0, $3  }
0x1c: {  	_ =	sdelay $0x1  }
0x1d: {  	s1 =	sshra.s32 s0, $0x2  }
0x1e: {  	s0 =	sadd.s32 $0x40, s0;
	[tilespmem:s1+$0x4E20] =	vst v0  }
0x1f: {  	s0 =	simm.s32 $0x0  }
.LBB2_4:
0x20: {  	s1 =	sshra.s32 s0, $0x2  }
0x21: {  	v2 =	vld [tilespmem:s1+$0x0];
	_ =	sdelay $0x7  }
0x22: {  	[tilespmem:v2+s26+$0x0] =	vst.idx.add.f32.msk $0xffff, v1  }
0x23: {  	v2 =	vld [tilespmem:s1+$0x2710];
	_ =	sdelay $0x4  }
0x24: {  	p0 =	sne.s32 s0, $0x9C00;
	v2 =	vadd.s32 $0x2800, v2  }
.Ltmp1:
0x25: {  	_ = 	snop;
	(pc) =	sbr.rel @p0 .LBB2_4-.Ltmp1, $2  }
0x26: {  	_ =	sdelay $0x2  }
0x27: {  	s0 =	sadd.s32 $0x40, s0;
	[tilespmem:v2+s26+$0x0] =	vst.idx.add.f32.msk $0xffff, v1  }
0x28: {  	[spmem:s6] =	stream.linear.scatter [tilespmem:s26], [sflag:$0x1], $0x5000, $0x38;
	[tilespmem:$0x14320] =	vst v63  }
0x29: {  	_ =	swait.ge [sflag:s24], $0x5000  }
0x2a: {  	[sflag:s24] =	ssyncset.done $0x0  }
0x2b: {  	[sflag:s24] =	ssyncadd.s32 $0xFFFFB000  }
0x2c: {  	s0 =	simm.s32 $0x9E20;
	[bflag:$0x0] =	sbarrier.arrive $0xFFFF  }
0x2d: {  	[tilespmem:s0], [sflag:$0x1] =	stream.linear.gather [spmem:s5], $0x500, $0x38;
	[tilespmem:$0x14320] =	vst v63  }
0x2e: {  	_ =	swait.ge [sflag:s24], $0x500  }
0x2f: {  	[sflag:s24] =	ssyncset.done $0x0  }
0x30: {  	s1 =	simm.s32 $0xA320;
	[sflag:s24] =	ssyncadd.s32 $0xFFFFFB00  }
0x31: {  	[tilespmem:s1], [sflag:$0x1] =	stream.linear.gather [spmem:s7], $0x500, $0x38;
	[tilespmem:$0x14320] =	vst v63  }
0x32: {  	_ =	swait.ge [sflag:s24], $0x500  }
0x33: {  	[sflag:s24] =	ssyncset.done $0x0  }
0x34: {  	s25 =	simm.s32 $0xA820;
	[sflag:s24] =	ssyncadd.s32 $0xFFFFFB00  }
0x35: {  	[tilespmem:s25], [sflag:$0x1] =	stream.linear.gather [spmem:s8], $0x500, $0x38;
	[tilespmem:$0x14320] =	vst v63  }
0x36: {  	_ =	swait.ge [sflag:s24], $0x500  }
0x37: {  	[sflag:s24] =	ssyncset.done $0x0  }
0x38: {  	s1 =	simm.s32 $0xAD20;
	[sflag:s24] =	ssyncadd.s32 $0xFFFFFB00  }
0x39: {  	[tilespmem:s1], [sflag:$0x1] =	stream.linear.gather [spmem:s9], $0x500, $0x38;
	[tilespmem:$0x14320] =	vst v63  }
0x3a: {  	_ =	swait.ge [sflag:s24], $0x500  }
0x3b: {  	[sflag:s24] =	ssyncset.done $0x0  }
0x3c: {  	s25 =	simm.s32 $0xB220;
	[sflag:s24] =	ssyncadd.s32 $0xFFFFFB00  }
0x3d: {  	[tilespmem:s25], [sflag:$0x1] =	stream.linear.gather [spmem:s10], $0x500, $0x38;
	[tilespmem:$0x14320] =	vst v63  }
0x3e: {  	_ =	swait.ge [sflag:s24], $0x500  }
0x3f: {  	[sflag:s24] =	ssyncset.done $0x0  }
0x40: {  	s1 =	simm.s32 $0xB720;
	[sflag:s24] =	ssyncadd.s32 $0xFFFFFB00  }
0x41: {  	[tilespmem:s1], [sflag:$0x1] =	stream.linear.gather [spmem:s11], $0x500, $0x38;
	[tilespmem:$0x14320] =	vst v63  }
0x42: {  	_ =	swait.ge [sflag:s24], $0x500  }
0x43: {  	[sflag:s24] =	ssyncset.done $0x0  }
0x44: {  	s25 =	simm.s32 $0xBC20;
	[sflag:s24] =	ssyncadd.s32 $0xFFFFFB00  }
0x45: {  	[tilespmem:s25], [sflag:$0x1] =	stream.linear.gather [spmem:s12], $0x500, $0x38;
	[tilespmem:$0x14320] =	vst v63  }
0x46: {  	_ =	swait.ge [sflag:s24], $0x500  }
0x47: {  	[sflag:s24] =	ssyncset.done $0x0  }
0x48: {  	s1 =	simm.s32 $0xC120;
	[sflag:s24] =	ssyncadd.s32 $0xFFFFFB00  }
0x49: {  	[tilespmem:s1], [sflag:$0x1] =	stream.linear.gather [spmem:s13], $0x500, $0x38;
	[tilespmem:$0x14320] =	vst v63  }
0x4a: {  	_ =	swait.ge [sflag:s24], $0x500  }
0x4b: {  	[sflag:s24] =	ssyncset.done $0x0  }
0x4c: {  	s25 =	simm.s32 $0xC620;
	[sflag:s24] =	ssyncadd.s32 $0xFFFFFB00  }
0x4d: {  	[tilespmem:s25], [sflag:$0x1] =	stream.linear.gather [spmem:s14], $0x500, $0x38;
	[tilespmem:$0x14320] =	vst v63  }
0x4e: {  	_ =	swait.ge [sflag:s24], $0x500  }
0x4f: {  	[sflag:s24] =	ssyncset.done $0x0  }
0x50: {  	s1 =	simm.s32 $0xCB20;
	[sflag:s24] =	ssyncadd.s32 $0xFFFFFB00  }
0x51: {  	[tilespmem:s1], [sflag:$0x1] =	stream.linear.gather [spmem:s15], $0x500, $0x38;
	[tilespmem:$0x14320] =	vst v63  }
0x52: {  	_ =	swait.ge [sflag:s24], $0x500  }
0x53: {  	[sflag:s24] =	ssyncset.done $0x0  }
0x54: {  	s25 =	simm.s32 $0xD020;
	[sflag:s24] =	ssyncadd.s32 $0xFFFFFB00  }
0x55: {  	[tilespmem:s25], [sflag:$0x1] =	stream.linear.gather [spmem:s16], $0x500, $0x38;
	[tilespmem:$0x14320] =	vst v63  }
0x56: {  	_ =	swait.ge [sflag:s24], $0x500  }
0x57: {  	[sflag:s24] =	ssyncset.done $0x0  }
0x58: {  	s1 =	simm.s32 $0xD520;
	[sflag:s24] =	ssyncadd.s32 $0xFFFFFB00  }
0x59: {  	[tilespmem:s1], [sflag:$0x1] =	stream.linear.gather [spmem:s17], $0x500, $0x38;
	[tilespmem:$0x14320] =	vst v63  }
0x5a: {  	_ =	swait.ge [sflag:s24], $0x500  }
0x5b: {  	[sflag:s24] =	ssyncset.done $0x0  }
0x5c: {  	s25 =	simm.s32 $0xDA20;
	[sflag:s24] =	ssyncadd.s32 $0xFFFFFB00  }
0x5d: {  	[tilespmem:s25], [sflag:$0x1] =	stream.linear.gather [spmem:s18], $0x500, $0x38;
	[tilespmem:$0x14320] =	vst v63  }
0x5e: {  	_ =	swait.ge [sflag:s24], $0x500  }
0x5f: {  	[sflag:s24] =	ssyncset.done $0x0  }
0x60: {  	s1 =	simm.s32 $0xDF20;
	[sflag:s24] =	ssyncadd.s32 $0xFFFFFB00  }
0x61: {  	[tilespmem:s1], [sflag:$0x1] =	stream.linear.gather [spmem:s19], $0x500, $0x38;
	[tilespmem:$0x14320] =	vst v63  }
0x62: {  	_ =	swait.ge [sflag:s24], $0x500  }
0x63: {  	[sflag:s24] =	ssyncset.done $0x0  }
0x64: {  	s25 =	simm.s32 $0xE420;
	[sflag:s24] =	ssyncadd.s32 $0xFFFFFB00  }
0x65: {  	[tilespmem:s25], [sflag:$0x1] =	stream.linear.gather [spmem:s20], $0x500, $0x38;
	[tilespmem:$0x14320] =	vst v63  }
0x66: {  	_ =	swait.ge [sflag:s24], $0x500  }
0x67: {  	[sflag:s24] =	ssyncset.done $0x0  }
0x68: {  	[sflag:s24] =	ssyncadd.s32 $0xFFFFFB00  }
0x69: {  	[tilespmem:s29], [sflag:$0x1] =	stream.linear.gather [spmem:s21], $0x500, $0x38;
	[tilespmem:$0x14320] =	vst v63  }
0x6a: {  	_ =	swait.ge [sflag:s24], $0x500  }
0x6b: {  	[sflag:s24] =	ssyncset.done $0x0  }
0x6c: {  	s0 =	simm.s32 $0x0;
	[sflag:s24] =	ssyncadd.s32 $0xFFFFFB00  }
0x6d: {  	v2 =	vld [tilespmem:s0+$0x9E20]  }
0x6e: {  	v3 =	vld [tilespmem:s0+$0xA320];
	_ =	sdelay $0x1  }
0x6f: {  	v4 =	vld [tilespmem:s0+$0xA820];
	_ =	sdelay $0x1  }
0x70: {  	v5 =	vld [tilespmem:s0+$0xAD20]  }
0x71: {  	v2 =	vadd.f32 v3, v2  }
0x72: {  	v3 =	vld [tilespmem:s0+$0xB220]  }
0x73: {  	v2 =	vadd.f32 v4, v2  }
0x74: {  	v4 =	vld [tilespmem:s0+$0xB720]  }
0x75: {  	v2 =	vadd.f32 v5, v2  }
0x76: {  	v5 =	vld [tilespmem:s0+$0xBC20]  }
0x77: {  	v2 =	vadd.f32 v3, v2  }
0x78: {  	v3 =	vld [tilespmem:s0+$0xC120]  }
0x79: {  	s1 =	simm.s32 $0x10;
	v6 =	vld [tilespmem:s0+$0xC620];
	v2 =	vadd.f32 v4, v2  }
0x7a: {  	v7 =	vld [tilespmem:s1+$0x9E20]  }
0x7b: {  	v4 =	vld [tilespmem:s0+$0xCB20];
	v2 =	vadd.f32 v5, v2  }
0x7c: {  	v5 =	vld [tilespmem:s1+$0xA320]  }
0x7d: {  	v8 =	vld [tilespmem:s1+$0xA820];
	v2 =	vadd.f32 v3, v2  }
0x7e: {  	v3 =	vld [tilespmem:s0+$0xD020]  }
0x7f: {  	v9 =	vld [tilespmem:s1+$0xAD20];
	v2 =	vadd.f32 v6, v2  }
0x80: {  	v6 =	vld [tilespmem:s0+$0xD520]  }
0x81: {  	v5 =	vadd.f32 v5, v7;
	v7 =	vld [tilespmem:s1+$0xB220];
	v2 =	vadd.f32 v4, v2  }
0x82: {  	v4 =	vld [tilespmem:s0+$0xDA20]  }
0x83: {  	v5 =	vadd.f32 v8, v5;
	v8 =	vld [tilespmem:s1+$0xB720];
	v2 =	vadd.f32 v3, v2  }
0x84: {  	v3 =	vld [tilespmem:s0+$0xDF20]  }
0x85: {  	v10 =	vld [tilespmem:s1+$0xBC20];
	v5 =	vadd.f32 v9, v5;
	v2 =	vadd.f32 v6, v2  }
0x86: {  	v9 =	vld [tilespmem:s0+$0xE420]  }
0x87: {  	v6 =	vadd.f32 v7, v5;
	v5 =	vld [tilespmem:s1+$0xC120];
	v7 =	vadd.f32 v4, v2  }
0x88: {  	v4 =	vld [tilespmem:s0+$0xE920]  }
0x89: {  	v2 =	vld [tilespmem:s1+$0xCB20];
	v8 =	vadd.f32 v8, v6;
	v11 =	vadd.f32 v3, v7  }
0x8a: {  	s25 =	simm.s32 $0x20;
	v6 =	vld [tilespmem:s1+$0xC620]  }
0x8b: {  	s28 =	simm.s32 $0xC0;
	v3 =	vld [tilespmem:s25+$0x9E20];
	v7 =	vadd.f32 v10, v8;
	v8 =	vadd.f32 v9, v11  }
.LBB2_6:
0x8c: {  	p0 =	sne.s32 s28, $0x13C0;
	v9 =	vld [tilespmem:s25+$0xA320]  }
0x8d: {  	v5 =	vadd.f32 v5, v7;
	v7 =	vld [tilespmem:s1+$0xD020];
	v4 =	vadd.f32 v4, v8  }
0x8e: {  	v8 =	vld [tilespmem:s25+$0xA820]  }
0x8f: {  	v5 =	vadd.f32 v6, v5;
	v6 =	vld [tilespmem:s1+$0xD520];
	[tilespmem:s0+$0xEE20] =	vst v4;
	s0 =	smov.u32 s1;
	s1 =	smov.u32 s25  }
0x90: {  	v4 =	vld [tilespmem:s1+$0xAD20]  }
0x91: {  	v3 =	vadd.f32 v9, v3;
	v2 =	vadd.f32 v2, v5;
	v5 =	vld [tilespmem:s0+$0xDA20]  }
0x92: {  	v9 =	vld [tilespmem:s1+$0xB220]  }
0x93: {  	v3 =	vadd.f32 v8, v3;
	v2 =	vadd.f32 v7, v2;
	v7 =	vld [tilespmem:s0+$0xDF20]  }
0x94: {  	v8 =	vld [tilespmem:s1+$0xB720]  }
0x95: {  	v3 =	vadd.f32 v4, v3;
	v2 =	vadd.f32 v6, v2;
	v10 =	vld [tilespmem:s0+$0xE420]  }
0x96: {  	v11 =	vld [tilespmem:s1+$0xBC20]  }
.Ltmp2:
0x97: {  	v3 =	vadd.f32 v9, v3;
	v6 =	vadd.f32 v5, v2;
	v4 =	vld [tilespmem:s0+$0xE920];
	(pc) =	sbr.rel @p0 .LBB2_6-.Ltmp2, $4  }
0x98: {  	v5 =	vld [tilespmem:s1+$0xC120]  }
0x99: {  	v8 =	vadd.f32 v8, v3;
	v2 =	vld [tilespmem:s1+$0xCB20];
	v9 =	vadd.f32 v7, v6  }
0x9a: {  	s25 =	sshra.s32 s28, $0x2;
	v6 =	vld [tilespmem:s1+$0xC620]  }
0x9b: {  	s28 =	sadd.s32 $0x40, s28;
	v3 =	vld [tilespmem:s25+$0x9E20];
	v7 =	vadd.f32 v11, v8;
	v8 =	vadd.f32 v10, v9  }
0x9c: {  	v9 =	vld [tilespmem:s25+$0xA320]  }
0x9d: {  	v10 =	vld [tilespmem:s1+$0xD020];
	v4 =	vadd.f32 v4, v8  }
0x9e: {  	v49 =	vld [tilespmem:s25+$0xA820]  }
0x9f: {  	v11 =	vld [tilespmem:s1+$0xD520];
	v5 =	vadd.f32 v5, v7;
	[tilespmem:s0+$0xEE20] =	vst v4  }
0xa0: {  	v4 =	vld [tilespmem:s25+$0xAD20]  }
0xa1: {  	v5 =	vadd.f32 v6, v5;
	v3 =	vadd.f32 v9, v3  }
0xa2: {  	v50 =	vld [tilespmem:s25+$0xB220]  }
0xa3: {  	v51 =	vld [tilespmem:s1+$0xDA20];
	v2 =	vadd.f32 v2, v5;
	v3 =	vadd.f32 v49, v3  }
0xa4: {  	v52 =	vld [tilespmem:s25+$0xB720]  }
0xa5: {  	v53 =	vld [tilespmem:s1+$0xDF20];
	v2 =	vadd.f32 v10, v2;
	v3 =	vadd.f32 v4, v3  }
0xa6: {  	v54 =	vld [tilespmem:s25+$0xBC20]  }
0xa7: {  	v55 =	vld [tilespmem:s1+$0xE420];
	v2 =	vadd.f32 v11, v2;
	v3 =	vadd.f32 v50, v3  }
0xa8: {  	v56 =	vld [tilespmem:s25+$0xC120]  }
0xa9: {  	v57 =	vld [tilespmem:s1+$0xE920];
	v2 =	vadd.f32 v51, v2;
	v3 =	vadd.f32 v52, v3  }
0xaa: {  	v58 =	vld [tilespmem:s25+$0xC620]  }
0xab: {  	v2 =	vadd.f32 v53, v2;
	v3 =	vadd.f32 v54, v3  }
0xac: {  	v59 =	vld [tilespmem:s25+$0xCB20]  }
0xad: {  	v2 =	vadd.f32 v55, v2;
	v3 =	vadd.f32 v56, v3  }
0xae: {  	v60 =	vld [tilespmem:s25+$0xD020]  }
0xaf: {  	v2 =	vadd.f32 v57, v2;
	v3 =	vadd.f32 v58, v3  }
0xb0: {  	v61 =	vld [tilespmem:s25+$0xD520]  }
0xb1: {  	[tilespmem:s1+$0xEE20] =	vst v2;
	v2 =	vadd.f32 v59, v3  }
0xb2: {  	v3 =	vld [tilespmem:s25+$0xDA20]  }
0xb3: {  	v2 =	vadd.f32 v60, v2  }
0xb4: {  	v62 =	vld [tilespmem:s25+$0xDF20]  }
0xb5: {  	v2 =	vadd.f32 v61, v2  }
0xb6: {  	v63 =	vld [tilespmem:s25+$0xE420]  }
0xb7: {  	v2 =	vadd.f32 v3, v2  }
0xb8: {  	v3 =	vld [tilespmem:s25+$0xE920]  }
0xb9: {  	v2 =	vadd.f32 v62, v2;
	_ =	sdelay $0x1  }
0xba: {  	v2 =	vadd.f32 v63, v2;
	_ =	sdelay $0x1  }
0xbb: {  	s31 =	sadd.s32 $0x1, s31;
	v2 =	vadd.f32 v3, v2  }
0xbc: {  	p0 =	sne.s32 s31, s23  }
.Ltmp3:
0xbd: {  	[tilespmem:s25+$0xEE20] =	vst v2;
	(pc) =	sbr.rel @p0 .LBB2_1-.Ltmp3, $4  }
0xbe: {  	[hbm4b:s22+s2] =	stream.linear.scatter [tilespmem:s30], [sflag:$0x1], $0x500, $0x38;
	[tilespmem:$0x14320] =	vst v63  }
0xbf: {  	_ =	swait.ge [sflag:s24], $0x500  }
0xc0: {  	[sflag:s24] =	ssyncset.done $0x0  }
0xc1: {  	[sflag:s24] =	ssyncadd.s32 $0xFFFFFB00  }
0xc2: {  	_ =	sfence.sel $0x180000  }
0xc3: {  	[bflag:$0x0] =	sbarrier.arrive $0xFFFF  }
0xc4: {  	_ =	strace $0x90000047  }
0xc5: {  	s0 =	stileid.u32;
	[bflag:$0x2] =	sbarrier.arrive $0xFFFF  }
0xc6: {  	p0 =	sne.s32 s0, $0x0;
	s0 =	rddreg [dreg:$0x3]  }
0xc7: {  	s0 =	sadd.s32 @!p0 $0x100000, s0  }
0xc8: {  	[sflag:s0] =	ssyncadd.tile.s32 @!p0 $0x1;
	_ =	shalt  }
.Lfunc_end2:
_tile_overlayer_lowered:
.L_overlay_start_2:
0xc9: {  	(tag) =	ssettag $0x2  }
0xca: {  	s0 =	rddreg [dreg:$0x0];
	s2 =	stileid.u32  }
0xcb: {  	s1 =	rddreg [dreg:$0x1];
	p0 =	sne.s32 s2, $0x0  }
0xcc: {  	s3 =	rddreg [dreg:$0x2];
	[bflag:$0x3] =	sbarrier.arrive $0xFFFF;
	s2 =	simm.s32 @!p0 $0x1C01  }
0xcd: {  	[timem:s3], [sflag:s2] =	dma.local @!p0 [hbm:s0], s1  }
0xce: {  	s0 =	simm.s32 @!p0 $0x1  }
0xcf: {  	_ =	swait.ge @!p0 [sflag:s0], s1  }
0xd0: {  	s1 =	ssub.s32 @!p0 $0x0, s1;
	[sflag:s0] =	ssyncset.done @!p0 $0x0  }
0xd1: {  	[sflag:s0] =	ssyncadd.s32 @!p0 s1  }
0xd2: {  	[bflag:$0x3] =	sbarrier.arrive $0xFFFF  }
0xd3: {  	_ =	shalt  }

</sc_bundles>
